<compile_context>
chip_gen: v7x
topology: tpu7x:2x2x1
jax: 0.10.2.dev20260603
libtpu: 0.0.44.dev20260713+nightly
codegen_flags: <defaults>
</compile_context>

<pallas_src>
import functools

import jax
import jax.numpy as jnp
from jax import lax
from jax.experimental import pallas as pl
from jax.experimental.pallas import tpu as pltpu
from jax.experimental.pallas import tpu_sc as plsc

NC = 2
NS = 16
LANES = 16
CH = 128


def _edge_scatter_body(nchunk, rpw, nbuf, table, src, dst, zeros, out,
                       srcv, dstv, rows, acc, gs, ss):
    c = lax.axis_index("c")
    s = lax.axis_index("s")
    pltpu.sync_copy(zeros, acc.at[pl.ds(s * rpw, rpw)])
    plsc.subcore_barrier()
    loc = (c * nchunk) // NC
    hic = ((c + 1) * nchunk) // NC
    lo = loc + (s * (hic - loc)) // NS
    hi = loc + ((s + 1) * (hic - loc)) // NS

    if nbuf == 1:
        def step(i, carry):
            pltpu.sync_copy(src.at[i], srcv[0])
            pltpu.sync_copy(dst.at[i], dstv[0])
            pltpu.async_copy(table.at[srcv[0]], rows[0], gs[0]).wait()
            pltpu.sync_copy(rows[0], acc.at[dstv[0]], add=True)
            return carry

        lax.fori_loop(lo, hi, step, 0)
    else:
        def stepk(j, carry):
            i = lo + nbuf * j
            for b in range(nbuf):
                pltpu.sync_copy(src.at[i + b], srcv[b])
                pltpu.sync_copy(dst.at[i + b], dstv[b])
                pltpu.async_copy(table.at[srcv[b]], rows[b], gs[b])
            for b in range(nbuf):
                pltpu.make_async_copy(table.at[srcv[b]], rows[b],
                                      gs[b]).wait()
                pltpu.async_copy(rows[b], acc.at[dstv[b]], ss[b], add=True)
            for b in range(nbuf):
                pltpu.make_async_copy(rows[b], acc.at[dstv[b]], ss[b]).wait()
            return carry

        def step1(i, carry):
            pltpu.sync_copy(src.at[i], srcv[0])
            pltpu.sync_copy(dst.at[i], dstv[0])
            pltpu.async_copy(table.at[srcv[0]], rows[0], gs[0]).wait()
            pltpu.sync_copy(rows[0], acc.at[dstv[0]], add=True)
            return carry

        nfull = (hi - lo) // nbuf
        lax.fori_loop(0, nfull, stepk, 0)
        lax.fori_loop(lo + nbuf * nfull, hi, step1, 0)

    plsc.subcore_barrier()
    pltpu.sync_copy(acc.at[pl.ds(s * rpw, rpw)],
                    out.at[c, pl.ds(s * rpw, rpw)])


def _make_edge_scatter(nchunk, r, w, nbuf):
    rpw = r // NS
    mesh = plsc.VectorSubcoreMesh(core_axis_name="c", subcore_axis_name="s",
                                  num_cores=NC, num_subcores=NS)
    body = functools.partial(_edge_scatter_body, nchunk, rpw, nbuf)
    return pl.kernel(
        body,
        out_type=jax.ShapeDtypeStruct((NC, r, w), jnp.float32),
        mesh=mesh,
        scratch_types=[
            [pltpu.VMEM((CH,), jnp.int32)] * nbuf,
            [pltpu.VMEM((CH,), jnp.int32)] * nbuf,
            [pltpu.VMEM((CH, w), jnp.float32)] * nbuf,
            pltpu.VMEM_SHARED((r, w), jnp.float32),
            [pltpu.SemaphoreType.DMA] * nbuf,
            [pltpu.SemaphoreType.DMA] * nbuf,
        ],
        compiler_params=pltpu.CompilerParams(use_tc_tiling_on_sc=False),
    )


def kernel(in_features, edge_index, W_self1, W_neigh1, b1,
           W_self2, W_neigh2, b2):
    x = in_features
    n, d = x.shape
    e = edge_index.shape[1]
    ncls = W_self2.shape[1]
    w1 = d + LANES
    w2 = -(-ncls // LANES) * LANES
    nchunk = -(-e // CH)
    epad = nchunk * CH
    r = -(-(n + 1) // (NS * 8)) * (NS * 8)
    blk = 1000
    g = n // blk

    if epad == e:
        src = edge_index[0].reshape(nchunk, CH)
        dst = edge_index[1].reshape(nchunk, CH)
    else:
        pad_dst = n + jnp.arange(epad - e, dtype=jnp.int32) % (r - n)
        src = jnp.concatenate(
            [edge_index[0], jnp.zeros((epad - e,), jnp.int32)]).reshape(nchunk, CH)
        dst = jnp.concatenate([edge_index[1], pad_dst]).reshape(nchunk, CH)

    def body_a(x_ref, ws_ref, wn_ref, xs_ref, pe_ref):
        xb = x_ref[:]
        xs_ref[:] = jnp.dot(xb, ws_ref[:], preferred_element_type=jnp.float32)
        p = jnp.dot(xb, wn_ref[:], preferred_element_type=jnp.float32)
        pe_ref[:] = jnp.concatenate(
            [p, jnp.ones((blk, LANES), jnp.float32)], axis=1)

    xs, p1e = pl.pallas_call(
        body_a, grid=(g,),
        in_specs=[pl.BlockSpec((blk, d), lambda i: (i, 0)),
                  pl.BlockSpec((d, d), lambda i: (0, 0)),
                  pl.BlockSpec((d, d), lambda i: (0, 0))],
        out_specs=[pl.BlockSpec((blk, d), lambda i: (i, 0)),
                   pl.BlockSpec((blk, w1), lambda i: (i, 0))],
        out_shape=[jax.ShapeDtypeStruct((n, d), jnp.float32),
                   jax.ShapeDtypeStruct((n, w1), jnp.float32)],
    )(x, W_self1, W_neigh1)

    z1 = jnp.zeros((r // NS, w1), jnp.float32)
    s1 = _make_edge_scatter(nchunk, r, w1, 2)(p1e, src, dst, z1)

    ws2p = jnp.pad(W_self2, ((0, 0), (0, w2 - ncls)))
    wn2p = jnp.pad(W_neigh2, ((0, 0), (0, w2 - ncls)))
    b1r = b1.reshape(1, d)

    def body_b(xs_ref, sa_ref, sb_ref, b1_ref, ws2_ref, wn2_ref,
               hs_ref, p2_ref, di_ref):
        sa = sa_ref[0]
        sb = sb_ref[0]
        deg = sa[:, d:d + 1] + sb[:, d:d + 1]
        dinv = 1.0 / jnp.maximum(deg, 1.0)
        agg = (sa[:, :d] + sb[:, :d]) * dinv
        h = jnp.maximum(xs_ref[:] + agg + b1_ref[:], 0.0)
        hs_ref[:] = jnp.dot(h, ws2_ref[:], preferred_element_type=jnp.float32)
        p2_ref[:] = jnp.dot(h, wn2_ref[:], preferred_element_type=jnp.float32)
        di_ref[:] = jnp.broadcast_to(dinv, (blk, w2))

    hs, p2, dinv = pl.pallas_call(
        body_b, grid=(g,),
        in_specs=[pl.BlockSpec((blk, d), lambda i: (i, 0)),
                  pl.BlockSpec((1, blk, w1), lambda i: (0, i, 0)),
                  pl.BlockSpec((1, blk, w1), lambda i: (1, i, 0)),
                  pl.BlockSpec((1, d), lambda i: (0, 0)),
                  pl.BlockSpec((d, w2), lambda i: (0, 0)),
                  pl.BlockSpec((d, w2), lambda i: (0, 0))],
        out_specs=[pl.BlockSpec((blk, w2), lambda i: (i, 0)),
                   pl.BlockSpec((blk, w2), lambda i: (i, 0)),
                   pl.BlockSpec((blk, w2), lambda i: (i, 0))],
        out_shape=[jax.ShapeDtypeStruct((n, w2), jnp.float32),
                   jax.ShapeDtypeStruct((n, w2), jnp.float32),
                   jax.ShapeDtypeStruct((n, w2), jnp.float32)],
    )(xs, s1, s1, b1r, ws2p, wn2p)

    z2 = jnp.zeros((r // NS, w2), jnp.float32)
    s2 = _make_edge_scatter(nchunk, r, w2, 8)(p2, src, dst, z2)

    b2r = jnp.pad(b2, (0, w2 - ncls)).reshape(1, w2)

    def body_c(hs_ref, ta_ref, tb_ref, di_ref, b2_ref, o_ref):
        aggv = (ta_ref[0] + tb_ref[0]) * di_ref[:]
        res = hs_ref[:] + aggv + b2_ref[:]
        o_ref[:] = res[:, :ncls]

    out = pl.pallas_call(
        body_c, grid=(g,),
        in_specs=[pl.BlockSpec((blk, w2), lambda i: (i, 0)),
                  pl.BlockSpec((1, blk, w2), lambda i: (0, i, 0)),
                  pl.BlockSpec((1, blk, w2), lambda i: (1, i, 0)),
                  pl.BlockSpec((blk, w2), lambda i: (i, 0)),
                  pl.BlockSpec((1, w2), lambda i: (0, 0))],
        out_specs=pl.BlockSpec((blk, ncls), lambda i: (i, 0)),
        out_shape=jax.ShapeDtypeStruct((n, ncls), jnp.float32),
    )(hs, s2, s2, dinv, b2r)
    return out

# --- scband reference (transcript-rebuilt; emitter-appended) ---
"""Pipeline reference for scband-dist-sagemodel-82197084110914 (READ-ONLY COPY).

The authoritative reference and input builder live on the scoring server;
editing this copy changes nothing except your own understanding.
"""

import jax, jax.numpy as jnp
import numpy as np

N = 10000
E = 320000
D_IN = 128
D_H = 128
N_CLS = 47


def setup_inputs(seed: int = 0) -> dict:
    key = jax.random.key(seed)
    ks = jax.random.split(key, 8)
    x = jax.random.normal(ks[0], (N, D_IN), dtype=jnp.float32)
    edge_index = jax.random.randint(ks[1], (2, E), 0, N, dtype=jnp.int32)
    # Layer 1 params (in_feats -> n_hidden): SAGE has self and neighbor weights
    W_self1 = jax.random.normal(ks[2], (D_IN, D_H), dtype=jnp.float32) * (1.0 / np.sqrt(D_IN))
    W_neigh1 = jax.random.normal(ks[3], (D_IN, D_H), dtype=jnp.float32) * (1.0 / np.sqrt(D_IN))
    b1 = jnp.zeros((D_H,), dtype=jnp.float32)
    # Layer 2 params (n_hidden -> n_classes)
    W_self2 = jax.random.normal(ks[4], (D_H, N_CLS), dtype=jnp.float32) * (1.0 / np.sqrt(D_H))
    W_neigh2 = jax.random.normal(ks[5], (D_H, N_CLS), dtype=jnp.float32) * (1.0 / np.sqrt(D_H))
    b2 = jnp.zeros((N_CLS,), dtype=jnp.float32)
    return {
        "in_features": x,
        "edge_index": edge_index,
        "W_self1": W_self1,
        "W_neigh1": W_neigh1,
        "b1": b1,
        "W_self2": W_self2,
        "W_neigh2": W_neigh2,
        "b2": b2,
    }


def _sage_layer(h, src, dst, W_self, W_neigh, b):
    # gather messages from source nodes
    msgs = jnp.take(h, src, axis=0)
    # mean aggregation onto destination nodes (scatter-add + degree normalize)
    agg = jax.ops.segment_sum(msgs, dst, num_segments=N)
    deg = jax.ops.segment_sum(jnp.ones((E,), dtype=jnp.float32), dst, num_segments=N)
    agg = agg / jnp.maximum(deg, 1.0)[:, None]
    return h @ W_self + agg @ W_neigh + b


def reference(in_features, edge_index, W_self1, W_neigh1, b1, W_self2, W_neigh2, b2):
    src = edge_index[0]
    dst = edge_index[1]
    # layer 0: SAGE conv -> activation (dropout p=0.0 is identity)
    h = _sage_layer(in_features, src, dst, W_self1, W_neigh1, b1)
    h = jax.nn.relu(h)
    # final layer: SAGE conv to class logits (no activation on last layer)
    out = _sage_layer(h, src, dst, W_self2, W_neigh2, b2)
    return out

if __name__ == "__main__":
    import jax
    _d = setup_inputs()
    print(jax.jit(kernel)(*tuple(_d.values())))

</pallas_src>

<mosaic_0001>
#map = affine_map<(d0, d1) -> (0, 0)>
#map1 = affine_map<(d0, d1) -> (0, 0, 0)>
module attributes {stable_mosaic.version = 14 : i64} {
  func.func @_edge_scatter_body(%arg0: i32, %arg1: i32, %arg2: memref<10000x48xf32, #tpu.memory_space<hbm>>, %arg3: memref<2500x128xi32, #tpu.memory_space<hbm>>, %arg4: memref<2500x128xi32, #tpu.memory_space<hbm>>, %arg5: memref<632x48xf32, #tpu.memory_space<hbm>>, %arg6: memref<2x10112x48xf32, #tpu.memory_space<hbm>>, %arg7: memref<128xi32, #tpu.memory_space<vmem>>, %arg8: memref<128xi32, #tpu.memory_space<vmem>>, %arg9: memref<128xi32, #tpu.memory_space<vmem>>, %arg10: memref<128xi32, #tpu.memory_space<vmem>>, %arg11: memref<128xi32, #tpu.memory_space<vmem>>, %arg12: memref<128xi32, #tpu.memory_space<vmem>>, %arg13: memref<128xi32, #tpu.memory_space<vmem>>, %arg14: memref<128xi32, #tpu.memory_space<vmem>>, %arg15: memref<128xi32, #tpu.memory_space<vmem>>, %arg16: memref<128xi32, #tpu.memory_space<vmem>>, %arg17: memref<128xi32, #tpu.memory_space<vmem>>, %arg18: memref<128xi32, #tpu.memory_space<vmem>>, %arg19: memref<128xi32, #tpu.memory_space<vmem>>, %arg20: memref<128xi32, #tpu.memory_space<vmem>>, %arg21: memref<128xi32, #tpu.memory_space<vmem>>, %arg22: memref<128xi32, #tpu.memory_space<vmem>>, %arg23: memref<128x48xf32, #tpu.memory_space<vmem>>, %arg24: memref<128x48xf32, #tpu.memory_space<vmem>>, %arg25: memref<128x48xf32, #tpu.memory_space<vmem>>, %arg26: memref<128x48xf32, #tpu.memory_space<vmem>>, %arg27: memref<128x48xf32, #tpu.memory_space<vmem>>, %arg28: memref<128x48xf32, #tpu.memory_space<vmem>>, %arg29: memref<128x48xf32, #tpu.memory_space<vmem>>, %arg30: memref<128x48xf32, #tpu.memory_space<vmem>>, %arg31: memref<10112x48xf32, #tpu.memory_space<vmem_shared>>, %arg32: memref<!tpu.dma_semaphore, #tpu.memory_space<semaphore_mem>>, %arg33: memref<!tpu.dma_semaphore, #tpu.memory_space<semaphore_mem>>, %arg34: memref<!tpu.dma_semaphore, #tpu.memory_space<semaphore_mem>>, %arg35: memref<!tpu.dma_semaphore, #tpu.memory_space<semaphore_mem>>, %arg36: memref<!tpu.dma_semaphore, #tpu.memory_space<semaphore_mem>>, %arg37: memref<!tpu.dma_semaphore, #tpu.memory_space<semaphore_mem>>, %arg38: memref<!tpu.dma_semaphore, #tpu.memory_space<semaphore_mem>>, %arg39: memref<!tpu.dma_semaphore, #tpu.memory_space<semaphore_mem>>, %arg40: memref<!tpu.dma_semaphore, #tpu.memory_space<semaphore_mem>>, %arg41: memref<!tpu.dma_semaphore, #tpu.memory_space<semaphore_mem>>, %arg42: memref<!tpu.dma_semaphore, #tpu.memory_space<semaphore_mem>>, %arg43: memref<!tpu.dma_semaphore, #tpu.memory_space<semaphore_mem>>, %arg44: memref<!tpu.dma_semaphore, #tpu.memory_space<semaphore_mem>>, %arg45: memref<!tpu.dma_semaphore, #tpu.memory_space<semaphore_mem>>, %arg46: memref<!tpu.dma_semaphore, #tpu.memory_space<semaphore_mem>>, %arg47: memref<!tpu.dma_semaphore, #tpu.memory_space<semaphore_mem>>) attributes {dimension_semantics = [#tpu.dimension_semantics<core_parallel>, #tpu.dimension_semantics<subcore_parallel>], iteration_bounds = array<i64: 2, 16>, scalar_prefetch = 0 : i64, scratch_operands = 41 : i64, tpu.core_type = #tpu.core_type<sc_vector_subcore>, window_params = [{transform_indices = #map}, {transform_indices = #map}, {transform_indices = #map}, {transform_indices = #map}, {transform_indices = #map1}]} {
    %mul3A = arith.constant 632 : i32
    %mul3A_0 = arith.muli %arg1, %mul3A : i32
    "tpu.region"() ({
      %run_scoped3A = tpu.sem_alloc : memref<!tpu.dma_semaphore, #tpu.memory_space<semaphore_mem>>
      %dma_start3A = arith.constant 0 : i32
      %dma_start3A_153 = tpu.memref_slice %arg31[%mul3A_0, %dma_start3A] : memref<10112x48xf32, #tpu.memory_space<vmem_shared>> -> memref<632x48xf32, #tpu.memory_space<vmem_shared>>
      tpu.enqueue_dma source(%arg5 : memref<632x48xf32, #tpu.memory_space<hbm>>) target(%dma_start3A_153 : memref<632x48xf32, #tpu.memory_space<vmem_shared>>) target_semaphore(%run_scoped3A : memref<!tpu.dma_semaphore, #tpu.memory_space<semaphore_mem>>)
      %dma_wait3A = arith.constant 0 : i32
      %dma_wait3A_154 = tpu.memref_slice %arg31[%mul3A_0, %dma_wait3A] : memref<10112x48xf32, #tpu.memory_space<vmem_shared>> -> memref<632x48xf32, #tpu.memory_space<vmem_shared>>
      tpu.wait_dma2 semaphore(%run_scoped3A : memref<!tpu.dma_semaphore, #tpu.memory_space<semaphore_mem>>) src(%arg5 : memref<632x48xf32, #tpu.memory_space<hbm>>) dst(%dma_wait3A_154 : memref<632x48xf32, #tpu.memory_space<vmem_shared>>)
      tpu.yield
    }) : () -> ()
    %barrier3A = arith.constant 0 : index
    tpu.barrier barrier_id(%barrier3A)
    %mul3A_1 = arith.constant 2500 : i32
    %mul3A_2 = arith.muli %arg0, %mul3A_1 : i32
    %jit3A = arith.constant 2 : i32
    %div3A = arith.divsi %mul3A_2, %jit3A : i32
    %sign3A = arith.constant 0 : i32
    %sign3A_3 = arith.cmpi sgt, %mul3A_2, %sign3A : i32
    %sign3A_4 = arith.extui %sign3A_3 : i1 to i32
    %sign3A_5 = arith.constant 0 : i32
    %sign3A_6 = arith.cmpi slt, %mul3A_2, %sign3A_5 : i32
    %sign3A_7 = arith.extui %sign3A_6 : i1 to i32
    %sign3A_8 = arith.subi %sign3A_4, %sign3A_7 : i32
    %sign3A_9 = arith.constant 0 : i32
    %sign3A_10 = arith.cmpi sgt, %jit3A, %sign3A_9 : i32
    %sign3A_11 = arith.extui %sign3A_10 : i1 to i32
    %sign3A_12 = arith.constant 0 : i32
    %sign3A_13 = arith.cmpi slt, %jit3A, %sign3A_12 : i32
    %sign3A_14 = arith.extui %sign3A_13 : i1 to i32
    %sign3A_15 = arith.subi %sign3A_11, %sign3A_14 : i32
    %ne3A = arith.cmpi ne, %sign3A_8, %sign3A_15 : i32
    %rem3A = arith.remsi %mul3A_2, %jit3A : i32
    %ne3A_16 = arith.constant 0 : i32
    %ne3A_17 = arith.cmpi ne, %rem3A, %ne3A_16 : i32
    %and3A = arith.andi %ne3A, %ne3A_17 : i1
    %sub3A = arith.constant 1 : i32
    %sub3A_18 = arith.subi %div3A, %sub3A : i32
    %select_n3A = arith.select %and3A, %sub3A_18, %div3A : i32
    %add3A = arith.constant 1 : i32
    %add3A_19 = arith.addi %arg0, %add3A : i32
    %mul3A_20 = arith.constant 2500 : i32
    %mul3A_21 = arith.muli %add3A_19, %mul3A_20 : i32
    %jit3A_22 = arith.constant 2 : i32
    %div3A_23 = arith.divsi %mul3A_21, %jit3A_22 : i32
    %sign3A_24 = arith.constant 0 : i32
    %sign3A_25 = arith.cmpi sgt, %mul3A_21, %sign3A_24 : i32
    %sign3A_26 = arith.extui %sign3A_25 : i1 to i32
    %sign3A_27 = arith.constant 0 : i32
    %sign3A_28 = arith.cmpi slt, %mul3A_21, %sign3A_27 : i32
    %sign3A_29 = arith.extui %sign3A_28 : i1 to i32
    %sign3A_30 = arith.subi %sign3A_26, %sign3A_29 : i32
    %sign3A_31 = arith.constant 0 : i32
    %sign3A_32 = arith.cmpi sgt, %jit3A_22, %sign3A_31 : i32
    %sign3A_33 = arith.extui %sign3A_32 : i1 to i32
    %sign3A_34 = arith.constant 0 : i32
    %sign3A_35 = arith.cmpi slt, %jit3A_22, %sign3A_34 : i32
    %sign3A_36 = arith.extui %sign3A_35 : i1 to i32
    %sign3A_37 = arith.subi %sign3A_33, %sign3A_36 : i32
    %ne3A_38 = arith.cmpi ne, %sign3A_30, %sign3A_37 : i32
    %rem3A_39 = arith.remsi %mul3A_21, %jit3A_22 : i32
    %ne3A_40 = arith.constant 0 : i32
    %ne3A_41 = arith.cmpi ne, %rem3A_39, %ne3A_40 : i32
    %and3A_42 = arith.andi %ne3A_38, %ne3A_41 : i1
    %sub3A_43 = arith.constant 1 : i32
    %sub3A_44 = arith.subi %div3A_23, %sub3A_43 : i32
    %select_n3A_45 = arith.select %and3A_42, %sub3A_44, %div3A_23 : i32
    %sub3A_46 = arith.subi %select_n3A_45, %select_n3A : i32
    %mul3A_47 = arith.muli %arg1, %sub3A_46 : i32
    %jit3A_48 = arith.constant 16 : i32
    %div3A_49 = arith.divsi %mul3A_47, %jit3A_48 : i32
    %sign3A_50 = arith.constant 0 : i32
    %sign3A_51 = arith.cmpi sgt, %mul3A_47, %sign3A_50 : i32
    %sign3A_52 = arith.extui %sign3A_51 : i1 to i32
    %sign3A_53 = arith.constant 0 : i32
    %sign3A_54 = arith.cmpi slt, %mul3A_47, %sign3A_53 : i32
    %sign3A_55 = arith.extui %sign3A_54 : i1 to i32
    %sign3A_56 = arith.subi %sign3A_52, %sign3A_55 : i32
    %sign3A_57 = arith.constant 0 : i32
    %sign3A_58 = arith.cmpi sgt, %jit3A_48, %sign3A_57 : i32
    %sign3A_59 = arith.extui %sign3A_58 : i1 to i32
    %sign3A_60 = arith.constant 0 : i32
    %sign3A_61 = arith.cmpi slt, %jit3A_48, %sign3A_60 : i32
    %sign3A_62 = arith.extui %sign3A_61 : i1 to i32
    %sign3A_63 = arith.subi %sign3A_59, %sign3A_62 : i32
    %ne3A_64 = arith.cmpi ne, %sign3A_56, %sign3A_63 : i32
    %rem3A_65 = arith.remsi %mul3A_47, %jit3A_48 : i32
    %ne3A_66 = arith.constant 0 : i32
    %ne3A_67 = arith.cmpi ne, %rem3A_65, %ne3A_66 : i32
    %and3A_68 = arith.andi %ne3A_64, %ne3A_67 : i1
    %sub3A_69 = arith.constant 1 : i32
    %sub3A_70 = arith.subi %div3A_49, %sub3A_69 : i32
    %select_n3A_71 = arith.select %and3A_68, %sub3A_70, %div3A_49 : i32
    %add3A_72 = arith.addi %select_n3A, %select_n3A_71 : i32
    %add3A_73 = arith.constant 1 : i32
    %add3A_74 = arith.addi %arg1, %add3A_73 : i32
    %sub3A_75 = arith.subi %select_n3A_45, %select_n3A : i32
    %mul3A_76 = arith.muli %add3A_74, %sub3A_75 : i32
    %jit3A_77 = arith.constant 16 : i32
    %div3A_78 = arith.divsi %mul3A_76, %jit3A_77 : i32
    %sign3A_79 = arith.constant 0 : i32
    %sign3A_80 = arith.cmpi sgt, %mul3A_76, %sign3A_79 : i32
    %sign3A_81 = arith.extui %sign3A_80 : i1 to i32
    %sign3A_82 = arith.constant 0 : i32
    %sign3A_83 = arith.cmpi slt, %mul3A_76, %sign3A_82 : i32
    %sign3A_84 = arith.extui %sign3A_83 : i1 to i32
    %sign3A_85 = arith.subi %sign3A_81, %sign3A_84 : i32
    %sign3A_86 = arith.constant 0 : i32
    %sign3A_87 = arith.cmpi sgt, %jit3A_77, %sign3A_86 : i32
    %sign3A_88 = arith.extui %sign3A_87 : i1 to i32
    %sign3A_89 = arith.constant 0 : i32
    %sign3A_90 = arith.cmpi slt, %jit3A_77, %sign3A_89 : i32
    %sign3A_91 = arith.extui %sign3A_90 : i1 to i32
    %sign3A_92 = arith.subi %sign3A_88, %sign3A_91 : i32
    %ne3A_93 = arith.cmpi ne, %sign3A_85, %sign3A_92 : i32
    %rem3A_94 = arith.remsi %mul3A_76, %jit3A_77 : i32
    %ne3A_95 = arith.constant 0 : i32
    %ne3A_96 = arith.cmpi ne, %rem3A_94, %ne3A_95 : i32
    %and3A_97 = arith.andi %ne3A_93, %ne3A_96 : i1
    %sub3A_98 = arith.constant 1 : i32
    %sub3A_99 = arith.subi %div3A_78, %sub3A_98 : i32
    %select_n3A_100 = arith.select %and3A_97, %sub3A_99, %div3A_78 : i32
    %add3A_101 = arith.addi %select_n3A, %select_n3A_100 : i32
    %sub3A_102 = arith.subi %add3A_101, %add3A_72 : i32
    %jit3A_103 = arith.constant 8 : i32
    %div3A_104 = arith.divsi %sub3A_102, %jit3A_103 : i32
    %sign3A_105 = arith.constant 0 : i32
    %sign3A_106 = arith.cmpi sgt, %sub3A_102, %sign3A_105 : i32
    %sign3A_107 = arith.extui %sign3A_106 : i1 to i32
    %sign3A_108 = arith.constant 0 : i32
    %sign3A_109 = arith.cmpi slt, %sub3A_102, %sign3A_108 : i32
    %sign3A_110 = arith.extui %sign3A_109 : i1 to i32
    %sign3A_111 = arith.subi %sign3A_107, %sign3A_110 : i32
    %sign3A_112 = arith.constant 0 : i32
    %sign3A_113 = arith.cmpi sgt, %jit3A_103, %sign3A_112 : i32
    %sign3A_114 = arith.extui %sign3A_113 : i1 to i32
    %sign3A_115 = arith.constant 0 : i32
    %sign3A_116 = arith.cmpi slt, %jit3A_103, %sign3A_115 : i32
    %sign3A_117 = arith.extui %sign3A_116 : i1 to i32
    %sign3A_118 = arith.subi %sign3A_114, %sign3A_117 : i32
    %ne3A_119 = arith.cmpi ne, %sign3A_111, %sign3A_118 : i32
    %rem3A_120 = arith.remsi %sub3A_102, %jit3A_103 : i32
    %ne3A_121 = arith.constant 0 : i32
    %ne3A_122 = arith.cmpi ne, %rem3A_120, %ne3A_121 : i32
    %and3A_123 = arith.andi %ne3A_119, %ne3A_122 : i1
    %sub3A_124 = arith.constant 1 : i32
    %sub3A_125 = arith.subi %div3A_104, %sub3A_124 : i32
    %select_n3A_126 = arith.select %and3A_123, %sub3A_125, %div3A_104 : i32
    %while3A = arith.constant 0 : i32
    %while3A_127 = arith.constant 0 : i32
    %while3A_128 = arith.subi %select_n3A_126, %while3A_127 : i32
    %while3A_129 = arith.addi %while3A_127, %while3A_128 : i32
    %while3A_130 = arith.constant 1 : i32
    %while3A_131 = arith.divsi %while3A_128, %while3A_130 : i32
    %while3A_132 = arith.muli %while3A_131, %while3A_130 : i32
    %while3A_133 = arith.addi %while3A_127, %while3A_132 : i32
    %while3A_134 = arith.constant 1 : i32
    scf.for %while3A_153 = %while3A_127 to %while3A_133 step %while3A_134  : i32 {
      %mul3A_154 = arith.constant 8 : i32
      %mul3A_155 = arith.muli %mul3A_154, %while3A_153 : i32
      %add3A_156 = arith.addi %add3A_72, %mul3A_155 : i32
      %add3A_157 = arith.constant 0 : i32
      %add3A_158 = arith.addi %add3A_156, %add3A_157 : i32
      "tpu.region"() ({
        %run_scoped3A = tpu.sem_alloc : memref<!tpu.dma_semaphore, #tpu.memory_space<semaphore_mem>>
        %dma_start3A_283 = arith.constant 0 : i32
        %dma_start3A_284 = tpu.memref_slice %arg3[%add3A_158, %dma_start3A_283] : memref<2500x128xi32, #tpu.memory_space<hbm>> -> memref<1x128xi32, #tpu.memory_space<hbm>>
        %dma_start3A_285 = tpu.memref_squeeze %dma_start3A_284 : memref<1x128xi32, #tpu.memory_space<hbm>> -> memref<128xi32, #tpu.memory_space<hbm>>
        %dma_start3A_286 = arith.constant 0 : i32
        %dma_start3A_287 = tpu.memref_slice %arg3[%add3A_158, %dma_start3A_286] : memref<2500x128xi32, #tpu.memory_space<hbm>> -> memref<1x128xi32, #tpu.memory_space<hbm>>
        %dma_start3A_288 = tpu.memref_squeeze %dma_start3A_287 : memref<1x128xi32, #tpu.memory_space<hbm>> -> memref<128xi32, #tpu.memory_space<hbm>>
        tpu.enqueue_dma source(%dma_start3A_288 : memref<128xi32, #tpu.memory_space<hbm>>) target(%arg7 : memref<128xi32, #tpu.memory_space<vmem>>) target_semaphore(%run_scoped3A : memref<!tpu.dma_semaphore, #tpu.memory_space<semaphore_mem>>)
        %dma_wait3A_289 = arith.constant 0 : i32
        %dma_wait3A_290 = tpu.memref_slice %arg3[%add3A_158, %dma_wait3A_289] : memref<2500x128xi32, #tpu.memory_space<hbm>> -> memref<1x128xi32, #tpu.memory_space<hbm>>
        %dma_wait3A_291 = tpu.memref_squeeze %dma_wait3A_290 : memref<1x128xi32, #tpu.memory_space<hbm>> -> memref<128xi32, #tpu.memory_space<hbm>>
        %dma_wait3A_292 = arith.constant 0 : i32
        %dma_wait3A_293 = tpu.memref_slice %arg3[%add3A_158, %dma_wait3A_292] : memref<2500x128xi32, #tpu.memory_space<hbm>> -> memref<1x128xi32, #tpu.memory_space<hbm>>
        %dma_wait3A_294 = tpu.memref_squeeze %dma_wait3A_293 : memref<1x128xi32, #tpu.memory_space<hbm>> -> memref<128xi32, #tpu.memory_space<hbm>>
        tpu.wait_dma2 semaphore(%run_scoped3A : memref<!tpu.dma_semaphore, #tpu.memory_space<semaphore_mem>>) src(%dma_wait3A_294 : memref<128xi32, #tpu.memory_space<hbm>>) dst(%arg7 : memref<128xi32, #tpu.memory_space<vmem>>)
        tpu.yield
      }) : () -> ()
      %add3A_159 = arith.constant 0 : i32
      %add3A_160 = arith.addi %add3A_156, %add3A_159 : i32
      "tpu.region"() ({
        %run_scoped3A = tpu.sem_alloc : memref<!tpu.dma_semaphore, #tpu.memory_space<semaphore_mem>>
        %dma_start3A_283 = arith.constant 0 : i32
        %dma_start3A_284 = tpu.memref_slice %arg4[%add3A_160, %dma_start3A_283] : memref<2500x128xi32, #tpu.memory_space<hbm>> -> memref<1x128xi32, #tpu.memory_space<hbm>>
        %dma_start3A_285 = tpu.memref_squeeze %dma_start3A_284 : memref<1x128xi32, #tpu.memory_space<hbm>> -> memref<128xi32, #tpu.memory_space<hbm>>
        %dma_start3A_286 = arith.constant 0 : i32
        %dma_start3A_287 = tpu.memref_slice %arg4[%add3A_160, %dma_start3A_286] : memref<2500x128xi32, #tpu.memory_space<hbm>> -> memref<1x128xi32, #tpu.memory_space<hbm>>
        %dma_start3A_288 = tpu.memref_squeeze %dma_start3A_287 : memref<1x128xi32, #tpu.memory_space<hbm>> -> memref<128xi32, #tpu.memory_space<hbm>>
        tpu.enqueue_dma source(%dma_start3A_288 : memref<128xi32, #tpu.memory_space<hbm>>) target(%arg15 : memref<128xi32, #tpu.memory_space<vmem>>) target_semaphore(%run_scoped3A : memref<!tpu.dma_semaphore, #tpu.memory_space<semaphore_mem>>)
        %dma_wait3A_289 = arith.constant 0 : i32
        %dma_wait3A_290 = tpu.memref_slice %arg4[%add3A_160, %dma_wait3A_289] : memref<2500x128xi32, #tpu.memory_space<hbm>> -> memref<1x128xi32, #tpu.memory_space<hbm>>
        %dma_wait3A_291 = tpu.memref_squeeze %dma_wait3A_290 : memref<1x128xi32, #tpu.memory_space<hbm>> -> memref<128xi32, #tpu.memory_space<hbm>>
        %dma_wait3A_292 = arith.constant 0 : i32
        %dma_wait3A_293 = tpu.memref_slice %arg4[%add3A_160, %dma_wait3A_292] : memref<2500x128xi32, #tpu.memory_space<hbm>> -> memref<1x128xi32, #tpu.memory_space<hbm>>
        %dma_wait3A_294 = tpu.memref_squeeze %dma_wait3A_293 : memref<1x128xi32, #tpu.memory_space<hbm>> -> memref<128xi32, #tpu.memory_space<hbm>>
        tpu.wait_dma2 semaphore(%run_scoped3A : memref<!tpu.dma_semaphore, #tpu.memory_space<semaphore_mem>>) src(%dma_wait3A_294 : memref<128xi32, #tpu.memory_space<hbm>>) dst(%arg15 : memref<128xi32, #tpu.memory_space<vmem>>)
        tpu.yield
      }) : () -> ()
      %dma_start3A = arith.constant 0 : i32
      %dma_start3A_161 = arith.constant 0 : i32
      %dma_start3A_162 = tpu.memref_slice %arg2[%dma_start3A, %dma_start3A_161] : memref<10000x48xf32, #tpu.memory_space<hbm>> -> memref<10000x48xf32, #tpu.memory_space<hbm>>
      tpu.enqueue_indirect_dma source(%dma_start3A_162 : memref<10000x48xf32, #tpu.memory_space<hbm>>) target(%arg23 : memref<128x48xf32, #tpu.memory_space<vmem>>) offsets(%arg7 : memref<128xi32, #tpu.memory_space<vmem>>) semaphore(%arg32 : memref<!tpu.dma_semaphore, #tpu.memory_space<semaphore_mem>>)
      %add3A_163 = arith.constant 1 : i32
      %add3A_164 = arith.addi %add3A_156, %add3A_163 : i32
      "tpu.region"() ({
        %run_scoped3A = tpu.sem_alloc : memref<!tpu.dma_semaphore, #tpu.memory_space<semaphore_mem>>
        %dma_start3A_283 = arith.constant 0 : i32
        %dma_start3A_284 = tpu.memref_slice %arg3[%add3A_164, %dma_start3A_283] : memref<2500x128xi32, #tpu.memory_space<hbm>> -> memref<1x128xi32, #tpu.memory_space<hbm>>
        %dma_start3A_285 = tpu.memref_squeeze %dma_start3A_284 : memref<1x128xi32, #tpu.memory_space<hbm>> -> memref<128xi32, #tpu.memory_space<hbm>>
        %dma_start3A_286 = arith.constant 0 : i32
        %dma_start3A_287 = tpu.memref_slice %arg3[%add3A_164, %dma_start3A_286] : memref<2500x128xi32, #tpu.memory_space<hbm>> -> memref<1x128xi32, #tpu.memory_space<hbm>>
        %dma_start3A_288 = tpu.memref_squeeze %dma_start3A_287 : memref<1x128xi32, #tpu.memory_space<hbm>> -> memref<128xi32, #tpu.memory_space<hbm>>
        tpu.enqueue_dma source(%dma_start3A_288 : memref<128xi32, #tpu.memory_space<hbm>>) target(%arg8 : memref<128xi32, #tpu.memory_space<vmem>>) target_semaphore(%run_scoped3A : memref<!tpu.dma_semaphore, #tpu.memory_space<semaphore_mem>>)
        %dma_wait3A_289 = arith.constant 0 : i32
        %dma_wait3A_290 = tpu.memref_slice %arg3[%add3A_164, %dma_wait3A_289] : memref<2500x128xi32, #tpu.memory_space<hbm>> -> memref<1x128xi32, #tpu.memory_space<hbm>>
        %dma_wait3A_291 = tpu.memref_squeeze %dma_wait3A_290 : memref<1x128xi32, #tpu.memory_space<hbm>> -> memref<128xi32, #tpu.memory_space<hbm>>
        %dma_wait3A_292 = arith.constant 0 : i32
        %dma_wait3A_293 = tpu.memref_slice %arg3[%add3A_164, %dma_wait3A_292] : memref<2500x128xi32, #tpu.memory_space<hbm>> -> memref<1x128xi32, #tpu.memory_space<hbm>>
        %dma_wait3A_294 = tpu.memref_squeeze %dma_wait3A_293 : memref<1x128xi32, #tpu.memory_space<hbm>> -> memref<128xi32, #tpu.memory_space<hbm>>
        tpu.wait_dma2 semaphore(%run_scoped3A : memref<!tpu.dma_semaphore, #tpu.memory_space<semaphore_mem>>) src(%dma_wait3A_294 : memref<128xi32, #tpu.memory_space<hbm>>) dst(%arg8 : memref<128xi32, #tpu.memory_space<vmem>>)
        tpu.yield
      }) : () -> ()
      %add3A_165 = arith.constant 1 : i32
      %add3A_166 = arith.addi %add3A_156, %add3A_165 : i32
      "tpu.region"() ({
        %run_scoped3A = tpu.sem_alloc : memref<!tpu.dma_semaphore, #tpu.memory_space<semaphore_mem>>
        %dma_start3A_283 = arith.constant 0 : i32
        %dma_start3A_284 = tpu.memref_slice %arg4[%add3A_166, %dma_start3A_283] : memref<2500x128xi32, #tpu.memory_space<hbm>> -> memref<1x128xi32, #tpu.memory_space<hbm>>
        %dma_start3A_285 = tpu.memref_squeeze %dma_start3A_284 : memref<1x128xi32, #tpu.memory_space<hbm>> -> memref<128xi32, #tpu.memory_space<hbm>>
        %dma_start3A_286 = arith.constant 0 : i32
        %dma_start3A_287 = tpu.memref_slice %arg4[%add3A_166, %dma_start3A_286] : memref<2500x128xi32, #tpu.memory_space<hbm>> -> memref<1x128xi32, #tpu.memory_space<hbm>>
        %dma_start3A_288 = tpu.memref_squeeze %dma_start3A_287 : memref<1x128xi32, #tpu.memory_space<hbm>> -> memref<128xi32, #tpu.memory_space<hbm>>
        tpu.enqueue_dma source(%dma_start3A_288 : memref<128xi32, #tpu.memory_space<hbm>>) target(%arg16 : memref<128xi32, #tpu.memory_space<vmem>>) target_semaphore(%run_scoped3A : memref<!tpu.dma_semaphore, #tpu.memory_space<semaphore_mem>>)
        %dma_wait3A_289 = arith.constant 0 : i32
        %dma_wait3A_290 = tpu.memref_slice %arg4[%add3A_166, %dma_wait3A_289] : memref<2500x128xi32, #tpu.memory_space<hbm>> -> memref<1x128xi32, #tpu.memory_space<hbm>>
        %dma_wait3A_291 = tpu.memref_squeeze %dma_wait3A_290 : memref<1x128xi32, #tpu.memory_space<hbm>> -> memref<128xi32, #tpu.memory_space<hbm>>
        %dma_wait3A_292 = arith.constant 0 : i32
        %dma_wait3A_293 = tpu.memref_slice %arg4[%add3A_166, %dma_wait3A_292] : memref<2500x128xi32, #tpu.memory_space<hbm>> -> memref<1x128xi32, #tpu.memory_space<hbm>>
        %dma_wait3A_294 = tpu.memref_squeeze %dma_wait3A_293 : memref<1x128xi32, #tpu.memory_space<hbm>> -> memref<128xi32, #tpu.memory_space<hbm>>
        tpu.wait_dma2 semaphore(%run_scoped3A : memref<!tpu.dma_semaphore, #tpu.memory_space<semaphore_mem>>) src(%dma_wait3A_294 : memref<128xi32, #tpu.memory_space<hbm>>) dst(%arg16 : memref<128xi32, #tpu.memory_space<vmem>>)
        tpu.yield
      }) : () -> ()
      %dma_start3A_167 = arith.constant 0 : i32
      %dma_start3A_168 = arith.constant 0 : i32
      %dma_start3A_169 = tpu.memref_slice %arg2[%dma_start3A_167, %dma_start3A_168] : memref<10000x48xf32, #tpu.memory_space<hbm>> -> memref<10000x48xf32, #tpu.memory_space<hbm>>
      tpu.enqueue_indirect_dma source(%dma_start3A_169 : memref<10000x48xf32, #tpu.memory_space<hbm>>) target(%arg24 : memref<128x48xf32, #tpu.memory_space<vmem>>) offsets(%arg8 : memref<128xi32, #tpu.memory_space<vmem>>) semaphore(%arg33 : memref<!tpu.dma_semaphore, #tpu.memory_space<semaphore_mem>>)
      %add3A_170 = arith.constant 2 : i32
      %add3A_171 = arith.addi %add3A_156, %add3A_170 : i32
      "tpu.region"() ({
        %run_scoped3A = tpu.sem_alloc : memref<!tpu.dma_semaphore, #tpu.memory_space<semaphore_mem>>
        %dma_start3A_283 = arith.constant 0 : i32
        %dma_start3A_284 = tpu.memref_slice %arg3[%add3A_171, %dma_start3A_283] : memref<2500x128xi32, #tpu.memory_space<hbm>> -> memref<1x128xi32, #tpu.memory_space<hbm>>
        %dma_start3A_285 = tpu.memref_squeeze %dma_start3A_284 : memref<1x128xi32, #tpu.memory_space<hbm>> -> memref<128xi32, #tpu.memory_space<hbm>>
        %dma_start3A_286 = arith.constant 0 : i32
        %dma_start3A_287 = tpu.memref_slice %arg3[%add3A_171, %dma_start3A_286] : memref<2500x128xi32, #tpu.memory_space<hbm>> -> memref<1x128xi32, #tpu.memory_space<hbm>>
        %dma_start3A_288 = tpu.memref_squeeze %dma_start3A_287 : memref<1x128xi32, #tpu.memory_space<hbm>> -> memref<128xi32, #tpu.memory_space<hbm>>
        tpu.enqueue_dma source(%dma_start3A_288 : memref<128xi32, #tpu.memory_space<hbm>>) target(%arg9 : memref<128xi32, #tpu.memory_space<vmem>>) target_semaphore(%run_scoped3A : memref<!tpu.dma_semaphore, #tpu.memory_space<semaphore_mem>>)
        %dma_wait3A_289 = arith.constant 0 : i32
        %dma_wait3A_290 = tpu.memref_slice %arg3[%add3A_171, %dma_wait3A_289] : memref<2500x128xi32, #tpu.memory_space<hbm>> -> memref<1x128xi32, #tpu.memory_space<hbm>>
        %dma_wait3A_291 = tpu.memref_squeeze %dma_wait3A_290 : memref<1x128xi32, #tpu.memory_space<hbm>> -> memref<128xi32, #tpu.memory_space<hbm>>
        %dma_wait3A_292 = arith.constant 0 : i32
        %dma_wait3A_293 = tpu.memref_slice %arg3[%add3A_171, %dma_wait3A_292] : memref<2500x128xi32, #tpu.memory_space<hbm>> -> memref<1x128xi32, #tpu.memory_space<hbm>>
        %dma_wait3A_294 = tpu.memref_squeeze %dma_wait3A_293 : memref<1x128xi32, #tpu.memory_space<hbm>> -> memref<128xi32, #tpu.memory_space<hbm>>
        tpu.wait_dma2 semaphore(%run_scoped3A : memref<!tpu.dma_semaphore, #tpu.memory_space<semaphore_mem>>) src(%dma_wait3A_294 : memref<128xi32, #tpu.memory_space<hbm>>) dst(%arg9 : memref<128xi32, #tpu.memory_space<vmem>>)
        tpu.yield
      }) : () -> ()
      %add3A_172 = arith.constant 2 : i32
      %add3A_173 = arith.addi %add3A_156, %add3A_172 : i32
      "tpu.region"() ({
        %run_scoped3A = tpu.sem_alloc : memref<!tpu.dma_semaphore, #tpu.memory_space<semaphore_mem>>
        %dma_start3A_283 = arith.constant 0 : i32
        %dma_start3A_284 = tpu.memref_slice %arg4[%add3A_173, %dma_start3A_283] : memref<2500x128xi32, #tpu.memory_space<hbm>> -> memref<1x128xi32, #tpu.memory_space<hbm>>
        %dma_start3A_285 = tpu.memref_squeeze %dma_start3A_284 : memref<1x128xi32, #tpu.memory_space<hbm>> -> memref<128xi32, #tpu.memory_space<hbm>>
        %dma_start3A_286 = arith.constant 0 : i32
        %dma_start3A_287 = tpu.memref_slice %arg4[%add3A_173, %dma_start3A_286] : memref<2500x128xi32, #tpu.memory_space<hbm>> -> memref<1x128xi32, #tpu.memory_space<hbm>>
        %dma_start3A_288 = tpu.memref_squeeze %dma_start3A_287 : memref<1x128xi32, #tpu.memory_space<hbm>> -> memref<128xi32, #tpu.memory_space<hbm>>
        tpu.enqueue_dma source(%dma_start3A_288 : memref<128xi32, #tpu.memory_space<hbm>>) target(%arg17 : memref<128xi32, #tpu.memory_space<vmem>>) target_semaphore(%run_scoped3A : memref<!tpu.dma_semaphore, #tpu.memory_space<semaphore_mem>>)
        %dma_wait3A_289 = arith.constant 0 : i32
        %dma_wait3A_290 = tpu.memref_slice %arg4[%add3A_173, %dma_wait3A_289] : memref<2500x128xi32, #tpu.memory_space<hbm>> -> memref<1x128xi32, #tpu.memory_space<hbm>>
        %dma_wait3A_291 = tpu.memref_squeeze %dma_wait3A_290 : memref<1x128xi32, #tpu.memory_space<hbm>> -> memref<128xi32, #tpu.memory_space<hbm>>
        %dma_wait3A_292 = arith.constant 0 : i32
        %dma_wait3A_293 = tpu.memref_slice %arg4[%add3A_173, %dma_wait3A_292] : memref<2500x128xi32, #tpu.memory_space<hbm>> -> memref<1x128xi32, #tpu.memory_space<hbm>>
        %dma_wait3A_294 = tpu.memref_squeeze %dma_wait3A_293 : memref<1x128xi32, #tpu.memory_space<hbm>> -> memref<128xi32, #tpu.memory_space<hbm>>
        tpu.wait_dma2 semaphore(%run_scoped3A : memref<!tpu.dma_semaphore, #tpu.memory_space<semaphore_mem>>) src(%dma_wait3A_294 : memref<128xi32, #tpu.memory_space<hbm>>) dst(%arg17 : memref<128xi32, #tpu.memory_space<vmem>>)
        tpu.yield
      }) : () -> ()
      %dma_start3A_174 = arith.constant 0 : i32
      %dma_start3A_175 = arith.constant 0 : i32
      %dma_start3A_176 = tpu.memref_slice %arg2[%dma_start3A_174, %dma_start3A_175] : memref<10000x48xf32, #tpu.memory_space<hbm>> -> memref<10000x48xf32, #tpu.memory_space<hbm>>
      tpu.enqueue_indirect_dma source(%dma_start3A_176 : memref<10000x48xf32, #tpu.memory_space<hbm>>) target(%arg25 : memref<128x48xf32, #tpu.memory_space<vmem>>) offsets(%arg9 : memref<128xi32, #tpu.memory_space<vmem>>) semaphore(%arg34 : memref<!tpu.dma_semaphore, #tpu.memory_space<semaphore_mem>>)
      %add3A_177 = arith.constant 3 : i32
      %add3A_178 = arith.addi %add3A_156, %add3A_177 : i32
      "tpu.region"() ({
        %run_scoped3A = tpu.sem_alloc : memref<!tpu.dma_semaphore, #tpu.memory_space<semaphore_mem>>
        %dma_start3A_283 = arith.constant 0 : i32
        %dma_start3A_284 = tpu.memref_slice %arg3[%add3A_178, %dma_start3A_283] : memref<2500x128xi32, #tpu.memory_space<hbm>> -> memref<1x128xi32, #tpu.memory_space<hbm>>
        %dma_start3A_285 = tpu.memref_squeeze %dma_start3A_284 : memref<1x128xi32, #tpu.memory_space<hbm>> -> memref<128xi32, #tpu.memory_space<hbm>>
        %dma_start3A_286 = arith.constant 0 : i32
        %dma_start3A_287 = tpu.memref_slice %arg3[%add3A_178, %dma_start3A_286] : memref<2500x128xi32, #tpu.memory_space<hbm>> -> memref<1x128xi32, #tpu.memory_space<hbm>>
        %dma_start3A_288 = tpu.memref_squeeze %dma_start3A_287 : memref<1x128xi32, #tpu.memory_space<hbm>> -> memref<128xi32, #tpu.memory_space<hbm>>
        tpu.enqueue_dma source(%dma_start3A_288 : memref<128xi32, #tpu.memory_space<hbm>>) target(%arg10 : memref<128xi32, #tpu.memory_space<vmem>>) target_semaphore(%run_scoped3A : memref<!tpu.dma_semaphore, #tpu.memory_space<semaphore_mem>>)
        %dma_wait3A_289 = arith.constant 0 : i32
        %dma_wait3A_290 = tpu.memref_slice %arg3[%add3A_178, %dma_wait3A_289] : memref<2500x128xi32, #tpu.memory_space<hbm>> -> memref<1x128xi32, #tpu.memory_space<hbm>>
        %dma_wait3A_291 = tpu.memref_squeeze %dma_wait3A_290 : memref<1x128xi32, #tpu.memory_space<hbm>> -> memref<128xi32, #tpu.memory_space<hbm>>
        %dma_wait3A_292 = arith.constant 0 : i32
        %dma_wait3A_293 = tpu.memref_slice %arg3[%add3A_178, %dma_wait3A_292] : memref<2500x128xi32, #tpu.memory_space<hbm>> -> memref<1x128xi32, #tpu.memory_space<hbm>>
        %dma_wait3A_294 = tpu.memref_squeeze %dma_wait3A_293 : memref<1x128xi32, #tpu.memory_space<hbm>> -> memref<128xi32, #tpu.memory_space<hbm>>
        tpu.wait_dma2 semaphore(%run_scoped3A : memref<!tpu.dma_semaphore, #tpu.memory_space<semaphore_mem>>) src(%dma_wait3A_294 : memref<128xi32, #tpu.memory_space<hbm>>) dst(%arg10 : memref<128xi32, #tpu.memory_space<vmem>>)
        tpu.yield
      }) : () -> ()
      %add3A_179 = arith.constant 3 : i32
      %add3A_180 = arith.addi %add3A_156, %add3A_179 : i32
      "tpu.region"() ({
        %run_scoped3A = tpu.sem_alloc : memref<!tpu.dma_semaphore, #tpu.memory_space<semaphore_mem>>
        %dma_start3A_283 = arith.constant 0 : i32
        %dma_start3A_284 = tpu.memref_slice %arg4[%add3A_180, %dma_start3A_283] : memref<2500x128xi32, #tpu.memory_space<hbm>> -> memref<1x128xi32, #tpu.memory_space<hbm>>
        %dma_start3A_285 = tpu.memref_squeeze %dma_start3A_284 : memref<1x128xi32, #tpu.memory_space<hbm>> -> memref<128xi32, #tpu.memory_space<hbm>>
        %dma_start3A_286 = arith.constant 0 : i32
        %dma_start3A_287 = tpu.memref_slice %arg4[%add3A_180, %dma_start3A_286] : memref<2500x128xi32, #tpu.memory_space<hbm>> -> memref<1x128xi32, #tpu.memory_space<hbm>>
        %dma_start3A_288 = tpu.memref_squeeze %dma_start3A_287 : memref<1x128xi32, #tpu.memory_space<hbm>> -> memref<128xi32, #tpu.memory_space<hbm>>
        tpu.enqueue_dma source(%dma_start3A_288 : memref<128xi32, #tpu.memory_space<hbm>>) target(%arg18 : memref<128xi32, #tpu.memory_space<vmem>>) target_semaphore(%run_scoped3A : memref<!tpu.dma_semaphore, #tpu.memory_space<semaphore_mem>>)
        %dma_wait3A_289 = arith.constant 0 : i32
        %dma_wait3A_290 = tpu.memref_slice %arg4[%add3A_180, %dma_wait3A_289] : memref<2500x128xi32, #tpu.memory_space<hbm>> -> memref<1x128xi32, #tpu.memory_space<hbm>>
        %dma_wait3A_291 = tpu.memref_squeeze %dma_wait3A_290 : memref<1x128xi32, #tpu.memory_space<hbm>> -> memref<128xi32, #tpu.memory_space<hbm>>
        %dma_wait3A_292 = arith.constant 0 : i32
        %dma_wait3A_293 = tpu.memref_slice %arg4[%add3A_180, %dma_wait3A_292] : memref<2500x128xi32, #tpu.memory_space<hbm>> -> memref<1x128xi32, #tpu.memory_space<hbm>>
        %dma_wait3A_294 = tpu.memref_squeeze %dma_wait3A_293 : memref<1x128xi32, #tpu.memory_space<hbm>> -> memref<128xi32, #tpu.memory_space<hbm>>
        tpu.wait_dma2 semaphore(%run_scoped3A : memref<!tpu.dma_semaphore, #tpu.memory_space<semaphore_mem>>) src(%dma_wait3A_294 : memref<128xi32, #tpu.memory_space<hbm>>) dst(%arg18 : memref<128xi32, #tpu.memory_space<vmem>>)
        tpu.yield
      }) : () -> ()
      %dma_start3A_181 = arith.constant 0 : i32
      %dma_start3A_182 = arith.constant 0 : i32
      %dma_start3A_183 = tpu.memref_slice %arg2[%dma_start3A_181, %dma_start3A_182] : memref<10000x48xf32, #tpu.memory_space<hbm>> -> memref<10000x48xf32, #tpu.memory_space<hbm>>
      tpu.enqueue_indirect_dma source(%dma_start3A_183 : memref<10000x48xf32, #tpu.memory_space<hbm>>) target(%arg26 : memref<128x48xf32, #tpu.memory_space<vmem>>) offsets(%arg10 : memref<128xi32, #tpu.memory_space<vmem>>) semaphore(%arg35 : memref<!tpu.dma_semaphore, #tpu.memory_space<semaphore_mem>>)
      %add3A_184 = arith.constant 4 : i32
      %add3A_185 = arith.addi %add3A_156, %add3A_184 : i32
      "tpu.region"() ({
        %run_scoped3A = tpu.sem_alloc : memref<!tpu.dma_semaphore, #tpu.memory_space<semaphore_mem>>
        %dma_start3A_283 = arith.constant 0 : i32
        %dma_start3A_284 = tpu.memref_slice %arg3[%add3A_185, %dma_start3A_283] : memref<2500x128xi32, #tpu.memory_space<hbm>> -> memref<1x128xi32, #tpu.memory_space<hbm>>
        %dma_start3A_285 = tpu.memref_squeeze %dma_start3A_284 : memref<1x128xi32, #tpu.memory_space<hbm>> -> memref<128xi32, #tpu.memory_space<hbm>>
        %dma_start3A_286 = arith.constant 0 : i32
        %dma_start3A_287 = tpu.memref_slice %arg3[%add3A_185, %dma_start3A_286] : memref<2500x128xi32, #tpu.memory_space<hbm>> -> memref<1x128xi32, #tpu.memory_space<hbm>>
        %dma_start3A_288 = tpu.memref_squeeze %dma_start3A_287 : memref<1x128xi32, #tpu.memory_space<hbm>> -> memref<128xi32, #tpu.memory_space<hbm>>
        tpu.enqueue_dma source(%dma_start3A_288 : memref<128xi32, #tpu.memory_space<hbm>>) target(%arg11 : memref<128xi32, #tpu.memory_space<vmem>>) target_semaphore(%run_scoped3A : memref<!tpu.dma_semaphore, #tpu.memory_space<semaphore_mem>>)
        %dma_wait3A_289 = arith.constant 0 : i32
        %dma_wait3A_290 = tpu.memref_slice %arg3[%add3A_185, %dma_wait3A_289] : memref<2500x128xi32, #tpu.memory_space<hbm>> -> memref<1x128xi32, #tpu.memory_space<hbm>>
        %dma_wait3A_291 = tpu.memref_squeeze %dma_wait3A_290 : memref<1x128xi32, #tpu.memory_space<hbm>> -> memref<128xi32, #tpu.memory_space<hbm>>
        %dma_wait3A_292 = arith.constant 0 : i32
        %dma_wait3A_293 = tpu.memref_slice %arg3[%add3A_185, %dma_wait3A_292] : memref<2500x128xi32, #tpu.memory_space<hbm>> -> memref<1x128xi32, #tpu.memory_space<hbm>>
        %dma_wait3A_294 = tpu.memref_squeeze %dma_wait3A_293 : memref<1x128xi32, #tpu.memory_space<hbm>> -> memref<128xi32, #tpu.memory_space<hbm>>
        tpu.wait_dma2 semaphore(%run_scoped3A : memref<!tpu.dma_semaphore, #tpu.memory_space<semaphore_mem>>) src(%dma_wait3A_294 : memref<128xi32, #tpu.memory_space<hbm>>) dst(%arg11 : memref<128xi32, #tpu.memory_space<vmem>>)
        tpu.yield
      }) : () -> ()
      %add3A_186 = arith.constant 4 : i32
      %add3A_187 = arith.addi %add3A_156, %add3A_186 : i32
      "tpu.region"() ({
        %run_scoped3A = tpu.sem_alloc : memref<!tpu.dma_semaphore, #tpu.memory_space<semaphore_mem>>
        %dma_start3A_283 = arith.constant 0 : i32
        %dma_start3A_284 = tpu.memref_slice %arg4[%add3A_187, %dma_start3A_283] : memref<2500x128xi32, #tpu.memory_space<hbm>> -> memref<1x128xi32, #tpu.memory_space<hbm>>
        %dma_start3A_285 = tpu.memref_squeeze %dma_start3A_284 : memref<1x128xi32, #tpu.memory_space<hbm>> -> memref<128xi32, #tpu.memory_space<hbm>>
        %dma_start3A_286 = arith.constant 0 : i32
        %dma_start3A_287 = tpu.memref_slice %arg4[%add3A_187, %dma_start3A_286] : memref<2500x128xi32, #tpu.memory_space<hbm>> -> memref<1x128xi32, #tpu.memory_space<hbm>>
        %dma_start3A_288 = tpu.memref_squeeze %dma_start3A_287 : memref<1x128xi32, #tpu.memory_space<hbm>> -> memref<128xi32, #tpu.memory_space<hbm>>
        tpu.enqueue_dma source(%dma_start3A_288 : memref<128xi32, #tpu.memory_space<hbm>>) target(%arg19 : memref<128xi32, #tpu.memory_space<vmem>>) target_semaphore(%run_scoped3A : memref<!tpu.dma_semaphore, #tpu.memory_space<semaphore_mem>>)
        %dma_wait3A_289 = arith.constant 0 : i32
        %dma_wait3A_290 = tpu.memref_slice %arg4[%add3A_187, %dma_wait3A_289] : memref<2500x128xi32, #tpu.memory_space<hbm>> -> memref<1x128xi32, #tpu.memory_space<hbm>>
        %dma_wait3A_291 = tpu.memref_squeeze %dma_wait3A_290 : memref<1x128xi32, #tpu.memory_space<hbm>> -> memref<128xi32, #tpu.memory_space<hbm>>
        %dma_wait3A_292 = arith.constant 0 : i32
        %dma_wait3A_293 = tpu.memref_slice %arg4[%add3A_187, %dma_wait3A_292] : memref<2500x128xi32, #tpu.memory_space<hbm>> -> memref<1x128xi32, #tpu.memory_space<hbm>>
        %dma_wait3A_294 = tpu.memref_squeeze %dma_wait3A_293 : memref<1x128xi32, #tpu.memory_space<hbm>> -> memref<128xi32, #tpu.memory_space<hbm>>
        tpu.wait_dma2 semaphore(%run_scoped3A : memref<!tpu.dma_semaphore, #tpu.memory_space<semaphore_mem>>) src(%dma_wait3A_294 : memref<128xi32, #tpu.memory_space<hbm>>) dst(%arg19 : memref<128xi32, #tpu.memory_space<vmem>>)
        tpu.yield
      }) : () -> ()
      %dma_start3A_188 = arith.constant 0 : i32
      %dma_start3A_189 = arith.constant 0 : i32
      %dma_start3A_190 = tpu.memref_slice %arg2[%dma_start3A_188, %dma_start3A_189] : memref<10000x48xf32, #tpu.memory_space<hbm>> -> memref<10000x48xf32, #tpu.memory_space<hbm>>
      tpu.enqueue_indirect_dma source(%dma_start3A_190 : memref<10000x48xf32, #tpu.memory_space<hbm>>) target(%arg27 : memref<128x48xf32, #tpu.memory_space<vmem>>) offsets(%arg11 : memref<128xi32, #tpu.memory_space<vmem>>) semaphore(%arg36 : memref<!tpu.dma_semaphore, #tpu.memory_space<semaphore_mem>>)
      %add3A_191 = arith.constant 5 : i32
      %add3A_192 = arith.addi %add3A_156, %add3A_191 : i32
      "tpu.region"() ({
        %run_scoped3A = tpu.sem_alloc : memref<!tpu.dma_semaphore, #tpu.memory_space<semaphore_mem>>
        %dma_start3A_283 = arith.constant 0 : i32
        %dma_start3A_284 = tpu.memref_slice %arg3[%add3A_192, %dma_start3A_283] : memref<2500x128xi32, #tpu.memory_space<hbm>> -> memref<1x128xi32, #tpu.memory_space<hbm>>
        %dma_start3A_285 = tpu.memref_squeeze %dma_start3A_284 : memref<1x128xi32, #tpu.memory_space<hbm>> -> memref<128xi32, #tpu.memory_space<hbm>>
        %dma_start3A_286 = arith.constant 0 : i32
        %dma_start3A_287 = tpu.memref_slice %arg3[%add3A_192, %dma_start3A_286] : memref<2500x128xi32, #tpu.memory_space<hbm>> -> memref<1x128xi32, #tpu.memory_space<hbm>>
        %dma_start3A_288 = tpu.memref_squeeze %dma_start3A_287 : memref<1x128xi32, #tpu.memory_space<hbm>> -> memref<128xi32, #tpu.memory_space<hbm>>
        tpu.enqueue_dma source(%dma_start3A_288 : memref<128xi32, #tpu.memory_space<hbm>>) target(%arg12 : memref<128xi32, #tpu.memory_space<vmem>>) target_semaphore(%run_scoped3A : memref<!tpu.dma_semaphore, #tpu.memory_space<semaphore_mem>>)
        %dma_wait3A_289 = arith.constant 0 : i32
        %dma_wait3A_290 = tpu.memref_slice %arg3[%add3A_192, %dma_wait3A_289] : memref<2500x128xi32, #tpu.memory_space<hbm>> -> memref<1x128xi32, #tpu.memory_space<hbm>>
        %dma_wait3A_291 = tpu.memref_squeeze %dma_wait3A_290 : memref<1x128xi32, #tpu.memory_space<hbm>> -> memref<128xi32, #tpu.memory_space<hbm>>
        %dma_wait3A_292 = arith.constant 0 : i32
        %dma_wait3A_293 = tpu.memref_slice %arg3[%add3A_192, %dma_wait3A_292] : memref<2500x128xi32, #tpu.memory_space<hbm>> -> memref<1x128xi32, #tpu.memory_space<hbm>>
        %dma_wait3A_294 = tpu.memref_squeeze %dma_wait3A_293 : memref<1x128xi32, #tpu.memory_space<hbm>> -> memref<128xi32, #tpu.memory_space<hbm>>
        tpu.wait_dma2 semaphore(%run_scoped3A : memref<!tpu.dma_semaphore, #tpu.memory_space<semaphore_mem>>) src(%dma_wait3A_294 : memref<128xi32, #tpu.memory_space<hbm>>) dst(%arg12 : memref<128xi32, #tpu.memory_space<vmem>>)
        tpu.yield
      }) : () -> ()
      %add3A_193 = arith.constant 5 : i32
      %add3A_194 = arith.addi %add3A_156, %add3A_193 : i32
      "tpu.region"() ({
        %run_scoped3A = tpu.sem_alloc : memref<!tpu.dma_semaphore, #tpu.memory_space<semaphore_mem>>
        %dma_start3A_283 = arith.constant 0 : i32
        %dma_start3A_284 = tpu.memref_slice %arg4[%add3A_194, %dma_start3A_283] : memref<2500x128xi32, #tpu.memory_space<hbm>> -> memref<1x128xi32, #tpu.memory_space<hbm>>
        %dma_start3A_285 = tpu.memref_squeeze %dma_start3A_284 : memref<1x128xi32, #tpu.memory_space<hbm>> -> memref<128xi32, #tpu.memory_space<hbm>>
        %dma_start3A_286 = arith.constant 0 : i32
        %dma_start3A_287 = tpu.memref_slice %arg4[%add3A_194, %dma_start3A_286] : memref<2500x128xi32, #tpu.memory_space<hbm>> -> memref<1x128xi32, #tpu.memory_space<hbm>>
        %dma_start3A_288 = tpu.memref_squeeze %dma_start3A_287 : memref<1x128xi32, #tpu.memory_space<hbm>> -> memref<128xi32, #tpu.memory_space<hbm>>
        tpu.enqueue_dma source(%dma_start3A_288 : memref<128xi32, #tpu.memory_space<hbm>>) target(%arg20 : memref<128xi32, #tpu.memory_space<vmem>>) target_semaphore(%run_scoped3A : memref<!tpu.dma_semaphore, #tpu.memory_space<semaphore_mem>>)
        %dma_wait3A_289 = arith.constant 0 : i32
        %dma_wait3A_290 = tpu.memref_slice %arg4[%add3A_194, %dma_wait3A_289] : memref<2500x128xi32, #tpu.memory_space<hbm>> -> memref<1x128xi32, #tpu.memory_space<hbm>>
        %dma_wait3A_291 = tpu.memref_squeeze %dma_wait3A_290 : memref<1x128xi32, #tpu.memory_space<hbm>> -> memref<128xi32, #tpu.memory_space<hbm>>
        %dma_wait3A_292 = arith.constant 0 : i32
        %dma_wait3A_293 = tpu.memref_slice %arg4[%add3A_194, %dma_wait3A_292] : memref<2500x128xi32, #tpu.memory_space<hbm>> -> memref<1x128xi32, #tpu.memory_space<hbm>>
        %dma_wait3A_294 = tpu.memref_squeeze %dma_wait3A_293 : memref<1x128xi32, #tpu.memory_space<hbm>> -> memref<128xi32, #tpu.memory_space<hbm>>
        tpu.wait_dma2 semaphore(%run_scoped3A : memref<!tpu.dma_semaphore, #tpu.memory_space<semaphore_mem>>) src(%dma_wait3A_294 : memref<128xi32, #tpu.memory_space<hbm>>) dst(%arg20 : memref<128xi32, #tpu.memory_space<vmem>>)
        tpu.yield
      }) : () -> ()
      %dma_start3A_195 = arith.constant 0 : i32
      %dma_start3A_196 = arith.constant 0 : i32
      %dma_start3A_197 = tpu.memref_slice %arg2[%dma_start3A_195, %dma_start3A_196] : memref<10000x48xf32, #tpu.memory_space<hbm>> -> memref<10000x48xf32, #tpu.memory_space<hbm>>
      tpu.enqueue_indirect_dma source(%dma_start3A_197 : memref<10000x48xf32, #tpu.memory_space<hbm>>) target(%arg28 : memref<128x48xf32, #tpu.memory_space<vmem>>) offsets(%arg12 : memref<128xi32, #tpu.memory_space<vmem>>) semaphore(%arg37 : memref<!tpu.dma_semaphore, #tpu.memory_space<semaphore_mem>>)
      %add3A_198 = arith.constant 6 : i32
      %add3A_199 = arith.addi %add3A_156, %add3A_198 : i32
      "tpu.region"() ({
        %run_scoped3A = tpu.sem_alloc : memref<!tpu.dma_semaphore, #tpu.memory_space<semaphore_mem>>
        %dma_start3A_283 = arith.constant 0 : i32
        %dma_start3A_284 = tpu.memref_slice %arg3[%add3A_199, %dma_start3A_283] : memref<2500x128xi32, #tpu.memory_space<hbm>> -> memref<1x128xi32, #tpu.memory_space<hbm>>
        %dma_start3A_285 = tpu.memref_squeeze %dma_start3A_284 : memref<1x128xi32, #tpu.memory_space<hbm>> -> memref<128xi32, #tpu.memory_space<hbm>>
        %dma_start3A_286 = arith.constant 0 : i32
        %dma_start3A_287 = tpu.memref_slice %arg3[%add3A_199, %dma_start3A_286] : memref<2500x128xi32, #tpu.memory_space<hbm>> -> memref<1x128xi32, #tpu.memory_space<hbm>>
        %dma_start3A_288 = tpu.memref_squeeze %dma_start3A_287 : memref<1x128xi32, #tpu.memory_space<hbm>> -> memref<128xi32, #tpu.memory_space<hbm>>
        tpu.enqueue_dma source(%dma_start3A_288 : memref<128xi32, #tpu.memory_space<hbm>>) target(%arg13 : memref<128xi32, #tpu.memory_space<vmem>>) target_semaphore(%run_scoped3A : memref<!tpu.dma_semaphore, #tpu.memory_space<semaphore_mem>>)
        %dma_wait3A_289 = arith.constant 0 : i32
        %dma_wait3A_290 = tpu.memref_slice %arg3[%add3A_199, %dma_wait3A_289] : memref<2500x128xi32, #tpu.memory_space<hbm>> -> memref<1x128xi32, #tpu.memory_space<hbm>>
        %dma_wait3A_291 = tpu.memref_squeeze %dma_wait3A_290 : memref<1x128xi32, #tpu.memory_space<hbm>> -> memref<128xi32, #tpu.memory_space<hbm>>
        %dma_wait3A_292 = arith.constant 0 : i32
        %dma_wait3A_293 = tpu.memref_slice %arg3[%add3A_199, %dma_wait3A_292] : memref<2500x128xi32, #tpu.memory_space<hbm>> -> memref<1x128xi32, #tpu.memory_space<hbm>>
        %dma_wait3A_294 = tpu.memref_squeeze %dma_wait3A_293 : memref<1x128xi32, #tpu.memory_space<hbm>> -> memref<128xi32, #tpu.memory_space<hbm>>
        tpu.wait_dma2 semaphore(%run_scoped3A : memref<!tpu.dma_semaphore, #tpu.memory_space<semaphore_mem>>) src(%dma_wait3A_294 : memref<128xi32, #tpu.memory_space<hbm>>) dst(%arg13 : memref<128xi32, #tpu.memory_space<vmem>>)
        tpu.yield
      }) : () -> ()
      %add3A_200 = arith.constant 6 : i32
      %add3A_201 = arith.addi %add3A_156, %add3A_200 : i32
      "tpu.region"() ({
        %run_scoped3A = tpu.sem_alloc : memref<!tpu.dma_semaphore, #tpu.memory_space<semaphore_mem>>
        %dma_start3A_283 = arith.constant 0 : i32
        %dma_start3A_284 = tpu.memref_slice %arg4[%add3A_201, %dma_start3A_283] : memref<2500x128xi32, #tpu.memory_space<hbm>> -> memref<1x128xi32, #tpu.memory_space<hbm>>
        %dma_start3A_285 = tpu.memref_squeeze %dma_start3A_284 : memref<1x128xi32, #tpu.memory_space<hbm>> -> memref<128xi32, #tpu.memory_space<hbm>>
        %dma_start3A_286 = arith.constant 0 : i32
        %dma_start3A_287 = tpu.memref_slice %arg4[%add3A_201, %dma_start3A_286] : memref<2500x128xi32, #tpu.memory_space<hbm>> -> memref<1x128xi32, #tpu.memory_space<hbm>>
        %dma_start3A_288 = tpu.memref_squeeze %dma_start3A_287 : memref<1x128xi32, #tpu.memory_space<hbm>> -> memref<128xi32, #tpu.memory_space<hbm>>
        tpu.enqueue_dma source(%dma_start3A_288 : memref<128xi32, #tpu.memory_space<hbm>>) target(%arg21 : memref<128xi32, #tpu.memory_space<vmem>>) target_semaphore(%run_scoped3A : memref<!tpu.dma_semaphore, #tpu.memory_space<semaphore_mem>>)
        %dma_wait3A_289 = arith.constant 0 : i32
        %dma_wait3A_290 = tpu.memref_slice %arg4[%add3A_201, %dma_wait3A_289] : memref<2500x128xi32, #tpu.memory_space<hbm>> -> memref<1x128xi32, #tpu.memory_space<hbm>>
        %dma_wait3A_291 = tpu.memref_squeeze %dma_wait3A_290 : memref<1x128xi32, #tpu.memory_space<hbm>> -> memref<128xi32, #tpu.memory_space<hbm>>
        %dma_wait3A_292 = arith.constant 0 : i32
        %dma_wait3A_293 = tpu.memref_slice %arg4[%add3A_201, %dma_wait3A_292] : memref<2500x128xi32, #tpu.memory_space<hbm>> -> memref<1x128xi32, #tpu.memory_space<hbm>>
        %dma_wait3A_294 = tpu.memref_squeeze %dma_wait3A_293 : memref<1x128xi32, #tpu.memory_space<hbm>> -> memref<128xi32, #tpu.memory_space<hbm>>
        tpu.wait_dma2 semaphore(%run_scoped3A : memref<!tpu.dma_semaphore, #tpu.memory_space<semaphore_mem>>) src(%dma_wait3A_294 : memref<128xi32, #tpu.memory_space<hbm>>) dst(%arg21 : memref<128xi32, #tpu.memory_space<vmem>>)
        tpu.yield
      }) : () -> ()
      %dma_start3A_202 = arith.constant 0 : i32
      %dma_start3A_203 = arith.constant 0 : i32
      %dma_start3A_204 = tpu.memref_slice %arg2[%dma_start3A_202, %dma_start3A_203] : memref<10000x48xf32, #tpu.memory_space<hbm>> -> memref<10000x48xf32, #tpu.memory_space<hbm>>
      tpu.enqueue_indirect_dma source(%dma_start3A_204 : memref<10000x48xf32, #tpu.memory_space<hbm>>) target(%arg29 : memref<128x48xf32, #tpu.memory_space<vmem>>) offsets(%arg13 : memref<128xi32, #tpu.memory_space<vmem>>) semaphore(%arg38 : memref<!tpu.dma_semaphore, #tpu.memory_space<semaphore_mem>>)
      %add3A_205 = arith.constant 7 : i32
      %add3A_206 = arith.addi %add3A_156, %add3A_205 : i32
      "tpu.region"() ({
        %run_scoped3A = tpu.sem_alloc : memref<!tpu.dma_semaphore, #tpu.memory_space<semaphore_mem>>
        %dma_start3A_283 = arith.constant 0 : i32
        %dma_start3A_284 = tpu.memref_slice %arg3[%add3A_206, %dma_start3A_283] : memref<2500x128xi32, #tpu.memory_space<hbm>> -> memref<1x128xi32, #tpu.memory_space<hbm>>
        %dma_start3A_285 = tpu.memref_squeeze %dma_start3A_284 : memref<1x128xi32, #tpu.memory_space<hbm>> -> memref<128xi32, #tpu.memory_space<hbm>>
        %dma_start3A_286 = arith.constant 0 : i32
        %dma_start3A_287 = tpu.memref_slice %arg3[%add3A_206, %dma_start3A_286] : memref<2500x128xi32, #tpu.memory_space<hbm>> -> memref<1x128xi32, #tpu.memory_space<hbm>>
        %dma_start3A_288 = tpu.memref_squeeze %dma_start3A_287 : memref<1x128xi32, #tpu.memory_space<hbm>> -> memref<128xi32, #tpu.memory_space<hbm>>
        tpu.enqueue_dma source(%dma_start3A_288 : memref<128xi32, #tpu.memory_space<hbm>>) target(%arg14 : memref<128xi32, #tpu.memory_space<vmem>>) target_semaphore(%run_scoped3A : memref<!tpu.dma_semaphore, #tpu.memory_space<semaphore_mem>>)
        %dma_wait3A_289 = arith.constant 0 : i32
        %dma_wait3A_290 = tpu.memref_slice %arg3[%add3A_206, %dma_wait3A_289] : memref<2500x128xi32, #tpu.memory_space<hbm>> -> memref<1x128xi32, #tpu.memory_space<hbm>>
        %dma_wait3A_291 = tpu.memref_squeeze %dma_wait3A_290 : memref<1x128xi32, #tpu.memory_space<hbm>> -> memref<128xi32, #tpu.memory_space<hbm>>
        %dma_wait3A_292 = arith.constant 0 : i32
        %dma_wait3A_293 = tpu.memref_slice %arg3[%add3A_206, %dma_wait3A_292] : memref<2500x128xi32, #tpu.memory_space<hbm>> -> memref<1x128xi32, #tpu.memory_space<hbm>>
        %dma_wait3A_294 = tpu.memref_squeeze %dma_wait3A_293 : memref<1x128xi32, #tpu.memory_space<hbm>> -> memref<128xi32, #tpu.memory_space<hbm>>
        tpu.wait_dma2 semaphore(%run_scoped3A : memref<!tpu.dma_semaphore, #tpu.memory_space<semaphore_mem>>) src(%dma_wait3A_294 : memref<128xi32, #tpu.memory_space<hbm>>) dst(%arg14 : memref<128xi32, #tpu.memory_space<vmem>>)
        tpu.yield
      }) : () -> ()
      %add3A_207 = arith.constant 7 : i32
      %add3A_208 = arith.addi %add3A_156, %add3A_207 : i32
      "tpu.region"() ({
        %run_scoped3A = tpu.sem_alloc : memref<!tpu.dma_semaphore, #tpu.memory_space<semaphore_mem>>
        %dma_start3A_283 = arith.constant 0 : i32
        %dma_start3A_284 = tpu.memref_slice %arg4[%add3A_208, %dma_start3A_283] : memref<2500x128xi32, #tpu.memory_space<hbm>> -> memref<1x128xi32, #tpu.memory_space<hbm>>
        %dma_start3A_285 = tpu.memref_squeeze %dma_start3A_284 : memref<1x128xi32, #tpu.memory_space<hbm>> -> memref<128xi32, #tpu.memory_space<hbm>>
        %dma_start3A_286 = arith.constant 0 : i32
        %dma_start3A_287 = tpu.memref_slice %arg4[%add3A_208, %dma_start3A_286] : memref<2500x128xi32, #tpu.memory_space<hbm>> -> memref<1x128xi32, #tpu.memory_space<hbm>>
        %dma_start3A_288 = tpu.memref_squeeze %dma_start3A_287 : memref<1x128xi32, #tpu.memory_space<hbm>> -> memref<128xi32, #tpu.memory_space<hbm>>
        tpu.enqueue_dma source(%dma_start3A_288 : memref<128xi32, #tpu.memory_space<hbm>>) target(%arg22 : memref<128xi32, #tpu.memory_space<vmem>>) target_semaphore(%run_scoped3A : memref<!tpu.dma_semaphore, #tpu.memory_space<semaphore_mem>>)
        %dma_wait3A_289 = arith.constant 0 : i32
        %dma_wait3A_290 = tpu.memref_slice %arg4[%add3A_208, %dma_wait3A_289] : memref<2500x128xi32, #tpu.memory_space<hbm>> -> memref<1x128xi32, #tpu.memory_space<hbm>>
        %dma_wait3A_291 = tpu.memref_squeeze %dma_wait3A_290 : memref<1x128xi32, #tpu.memory_space<hbm>> -> memref<128xi32, #tpu.memory_space<hbm>>
        %dma_wait3A_292 = arith.constant 0 : i32
        %dma_wait3A_293 = tpu.memref_slice %arg4[%add3A_208, %dma_wait3A_292] : memref<2500x128xi32, #tpu.memory_space<hbm>> -> memref<1x128xi32, #tpu.memory_space<hbm>>
        %dma_wait3A_294 = tpu.memref_squeeze %dma_wait3A_293 : memref<1x128xi32, #tpu.memory_space<hbm>> -> memref<128xi32, #tpu.memory_space<hbm>>
        tpu.wait_dma2 semaphore(%run_scoped3A : memref<!tpu.dma_semaphore, #tpu.memory_space<semaphore_mem>>) src(%dma_wait3A_294 : memref<128xi32, #tpu.memory_space<hbm>>) dst(%arg22 : memref<128xi32, #tpu.memory_space<vmem>>)
        tpu.yield
      }) : () -> ()
      %dma_start3A_209 = arith.constant 0 : i32
      %dma_start3A_210 = arith.constant 0 : i32
      %dma_start3A_211 = tpu.memref_slice %arg2[%dma_start3A_209, %dma_start3A_210] : memref<10000x48xf32, #tpu.memory_space<hbm>> -> memref<10000x48xf32, #tpu.memory_space<hbm>>
      tpu.enqueue_indirect_dma source(%dma_start3A_211 : memref<10000x48xf32, #tpu.memory_space<hbm>>) target(%arg30 : memref<128x48xf32, #tpu.memory_space<vmem>>) offsets(%arg14 : memref<128xi32, #tpu.memory_space<vmem>>) semaphore(%arg39 : memref<!tpu.dma_semaphore, #tpu.memory_space<semaphore_mem>>)
      %dma_wait3A = arith.constant 0 : i32
      %dma_wait3A_212 = arith.constant 0 : i32
      %dma_wait3A_213 = tpu.memref_slice %arg2[%dma_wait3A, %dma_wait3A_212] : memref<10000x48xf32, #tpu.memory_space<hbm>> -> memref<10000x48xf32, #tpu.memory_space<hbm>>
      tpu.wait_indirect_dma semaphore(%arg32 : memref<!tpu.dma_semaphore, #tpu.memory_space<semaphore_mem>>) src(%dma_wait3A_213 : memref<10000x48xf32, #tpu.memory_space<hbm>>) dst(%arg23 : memref<128x48xf32, #tpu.memory_space<vmem>>)
      %dma_start3A_214 = arith.constant 0 : i32
      %dma_start3A_215 = arith.constant 0 : i32
      %dma_start3A_216 = tpu.memref_slice %arg31[%dma_start3A_214, %dma_start3A_215] : memref<10112x48xf32, #tpu.memory_space<vmem_shared>> -> memref<10112x48xf32, #tpu.memory_space<vmem_shared>>
      tpu.enqueue_indirect_dma source(%arg23 : memref<128x48xf32, #tpu.memory_space<vmem>>) target(%dma_start3A_216 : memref<10112x48xf32, #tpu.memory_space<vmem_shared>>) offsets(%arg15 : memref<128xi32, #tpu.memory_space<vmem>>) semaphore(%arg40 : memref<!tpu.dma_semaphore, #tpu.memory_space<semaphore_mem>>) {add = true}
      %dma_wait3A_217 = arith.constant 0 : i32
      %dma_wait3A_218 = arith.constant 0 : i32
      %dma_wait3A_219 = tpu.memref_slice %arg2[%dma_wait3A_217, %dma_wait3A_218] : memref<10000x48xf32, #tpu.memory_space<hbm>> -> memref<10000x48xf32, #tpu.memory_space<hbm>>
      tpu.wait_indirect_dma semaphore(%arg33 : memref<!tpu.dma_semaphore, #tpu.memory_space<semaphore_mem>>) src(%dma_wait3A_219 : memref<10000x48xf32, #tpu.memory_space<hbm>>) dst(%arg24 : memref<128x48xf32, #tpu.memory_space<vmem>>)
      %dma_start3A_220 = arith.constant 0 : i32
      %dma_start3A_221 = arith.constant 0 : i32
      %dma_start3A_222 = tpu.memref_slice %arg31[%dma_start3A_220, %dma_start3A_221] : memref<10112x48xf32, #tpu.memory_space<vmem_shared>> -> memref<10112x48xf32, #tpu.memory_space<vmem_shared>>
      tpu.enqueue_indirect_dma source(%arg24 : memref<128x48xf32, #tpu.memory_space<vmem>>) target(%dma_start3A_222 : memref<10112x48xf32, #tpu.memory_space<vmem_shared>>) offsets(%arg16 : memref<128xi32, #tpu.memory_space<vmem>>) semaphore(%arg41 : memref<!tpu.dma_semaphore, #tpu.memory_space<semaphore_mem>>) {add = true}
      %dma_wait3A_223 = arith.constant 0 : i32
      %dma_wait3A_224 = arith.constant 0 : i32
      %dma_wait3A_225 = tpu.memref_slice %arg2[%dma_wait3A_223, %dma_wait3A_224] : memref<10000x48xf32, #tpu.memory_space<hbm>> -> memref<10000x48xf32, #tpu.memory_space<hbm>>
      tpu.wait_indirect_dma semaphore(%arg34 : memref<!tpu.dma_semaphore, #tpu.memory_space<semaphore_mem>>) src(%dma_wait3A_225 : memref<10000x48xf32, #tpu.memory_space<hbm>>) dst(%arg25 : memref<128x48xf32, #tpu.memory_space<vmem>>)
      %dma_start3A_226 = arith.constant 0 : i32
      %dma_start3A_227 = arith.constant 0 : i32
      %dma_start3A_228 = tpu.memref_slice %arg31[%dma_start3A_226, %dma_start3A_227] : memref<10112x48xf32, #tpu.memory_space<vmem_shared>> -> memref<10112x48xf32, #tpu.memory_space<vmem_shared>>
      tpu.enqueue_indirect_dma source(%arg25 : memref<128x48xf32, #tpu.memory_space<vmem>>) target(%dma_start3A_228 : memref<10112x48xf32, #tpu.memory_space<vmem_shared>>) offsets(%arg17 : memref<128xi32, #tpu.memory_space<vmem>>) semaphore(%arg42 : memref<!tpu.dma_semaphore, #tpu.memory_space<semaphore_mem>>) {add = true}
      %dma_wait3A_229 = arith.constant 0 : i32
      %dma_wait3A_230 = arith.constant 0 : i32
      %dma_wait3A_231 = tpu.memref_slice %arg2[%dma_wait3A_229, %dma_wait3A_230] : memref<10000x48xf32, #tpu.memory_space<hbm>> -> memref<10000x48xf32, #tpu.memory_space<hbm>>
      tpu.wait_indirect_dma semaphore(%arg35 : memref<!tpu.dma_semaphore, #tpu.memory_space<semaphore_mem>>) src(%dma_wait3A_231 : memref<10000x48xf32, #tpu.memory_space<hbm>>) dst(%arg26 : memref<128x48xf32, #tpu.memory_space<vmem>>)
      %dma_start3A_232 = arith.constant 0 : i32
      %dma_start3A_233 = arith.constant 0 : i32
      %dma_start3A_234 = tpu.memref_slice %arg31[%dma_start3A_232, %dma_start3A_233] : memref<10112x48xf32, #tpu.memory_space<vmem_shared>> -> memref<10112x48xf32, #tpu.memory_space<vmem_shared>>
      tpu.enqueue_indirect_dma source(%arg26 : memref<128x48xf32, #tpu.memory_space<vmem>>) target(%dma_start3A_234 : memref<10112x48xf32, #tpu.memory_space<vmem_shared>>) offsets(%arg18 : memref<128xi32, #tpu.memory_space<vmem>>) semaphore(%arg43 : memref<!tpu.dma_semaphore, #tpu.memory_space<semaphore_mem>>) {add = true}
      %dma_wait3A_235 = arith.constant 0 : i32
      %dma_wait3A_236 = arith.constant 0 : i32
      %dma_wait3A_237 = tpu.memref_slice %arg2[%dma_wait3A_235, %dma_wait3A_236] : memref<10000x48xf32, #tpu.memory_space<hbm>> -> memref<10000x48xf32, #tpu.memory_space<hbm>>
      tpu.wait_indirect_dma semaphore(%arg36 : memref<!tpu.dma_semaphore, #tpu.memory_space<semaphore_mem>>) src(%dma_wait3A_237 : memref<10000x48xf32, #tpu.memory_space<hbm>>) dst(%arg27 : memref<128x48xf32, #tpu.memory_space<vmem>>)
      %dma_start3A_238 = arith.constant 0 : i32
      %dma_start3A_239 = arith.constant 0 : i32
      %dma_start3A_240 = tpu.memref_slice %arg31[%dma_start3A_238, %dma_start3A_239] : memref<10112x48xf32, #tpu.memory_space<vmem_shared>> -> memref<10112x48xf32, #tpu.memory_space<vmem_shared>>
      tpu.enqueue_indirect_dma source(%arg27 : memref<128x48xf32, #tpu.memory_space<vmem>>) target(%dma_start3A_240 : memref<10112x48xf32, #tpu.memory_space<vmem_shared>>) offsets(%arg19 : memref<128xi32, #tpu.memory_space<vmem>>) semaphore(%arg44 : memref<!tpu.dma_semaphore, #tpu.memory_space<semaphore_mem>>) {add = true}
      %dma_wait3A_241 = arith.constant 0 : i32
      %dma_wait3A_242 = arith.constant 0 : i32
      %dma_wait3A_243 = tpu.memref_slice %arg2[%dma_wait3A_241, %dma_wait3A_242] : memref<10000x48xf32, #tpu.memory_space<hbm>> -> memref<10000x48xf32, #tpu.memory_space<hbm>>
      tpu.wait_indirect_dma semaphore(%arg37 : memref<!tpu.dma_semaphore, #tpu.memory_space<semaphore_mem>>) src(%dma_wait3A_243 : memref<10000x48xf32, #tpu.memory_space<hbm>>) dst(%arg28 : memref<128x48xf32, #tpu.memory_space<vmem>>)
      %dma_start3A_244 = arith.constant 0 : i32
      %dma_start3A_245 = arith.constant 0 : i32
      %dma_start3A_246 = tpu.memref_slice %arg31[%dma_start3A_244, %dma_start3A_245] : memref<10112x48xf32, #tpu.memory_space<vmem_shared>> -> memref<10112x48xf32, #tpu.memory_space<vmem_shared>>
      tpu.enqueue_indirect_dma source(%arg28 : memref<128x48xf32, #tpu.memory_space<vmem>>) target(%dma_start3A_246 : memref<10112x48xf32, #tpu.memory_space<vmem_shared>>) offsets(%arg20 : memref<128xi32, #tpu.memory_space<vmem>>) semaphore(%arg45 : memref<!tpu.dma_semaphore, #tpu.memory_space<semaphore_mem>>) {add = true}
      %dma_wait3A_247 = arith.constant 0 : i32
      %dma_wait3A_248 = arith.constant 0 : i32
      %dma_wait3A_249 = tpu.memref_slice %arg2[%dma_wait3A_247, %dma_wait3A_248] : memref<10000x48xf32, #tpu.memory_space<hbm>> -> memref<10000x48xf32, #tpu.memory_space<hbm>>
      tpu.wait_indirect_dma semaphore(%arg38 : memref<!tpu.dma_semaphore, #tpu.memory_space<semaphore_mem>>) src(%dma_wait3A_249 : memref<10000x48xf32, #tpu.memory_space<hbm>>) dst(%arg29 : memref<128x48xf32, #tpu.memory_space<vmem>>)
      %dma_start3A_250 = arith.constant 0 : i32
      %dma_start3A_251 = arith.constant 0 : i32
      %dma_start3A_252 = tpu.memref_slice %arg31[%dma_start3A_250, %dma_start3A_251] : memref<10112x48xf32, #tpu.memory_space<vmem_shared>> -> memref<10112x48xf32, #tpu.memory_space<vmem_shared>>
      tpu.enqueue_indirect_dma source(%arg29 : memref<128x48xf32, #tpu.memory_space<vmem>>) target(%dma_start3A_252 : memref<10112x48xf32, #tpu.memory_space<vmem_shared>>) offsets(%arg21 : memref<128xi32, #tpu.memory_space<vmem>>) semaphore(%arg46 : memref<!tpu.dma_semaphore, #tpu.memory_space<semaphore_mem>>) {add = true}
      %dma_wait3A_253 = arith.constant 0 : i32
      %dma_wait3A_254 = arith.constant 0 : i32
      %dma_wait3A_255 = tpu.memref_slice %arg2[%dma_wait3A_253, %dma_wait3A_254] : memref<10000x48xf32, #tpu.memory_space<hbm>> -> memref<10000x48xf32, #tpu.memory_space<hbm>>
      tpu.wait_indirect_dma semaphore(%arg39 : memref<!tpu.dma_semaphore, #tpu.memory_space<semaphore_mem>>) src(%dma_wait3A_255 : memref<10000x48xf32, #tpu.memory_space<hbm>>) dst(%arg30 : memref<128x48xf32, #tpu.memory_space<vmem>>)
      %dma_start3A_256 = arith.constant 0 : i32
      %dma_start3A_257 = arith.constant 0 : i32
      %dma_start3A_258 = tpu.memref_slice %arg31[%dma_start3A_256, %dma_start3A_257] : memref<10112x48xf32, #tpu.memory_space<vmem_shared>> -> memref<10112x48xf32, #tpu.memory_space<vmem_shared>>
      tpu.enqueue_indirect_dma source(%arg30 : memref<128x48xf32, #tpu.memory_space<vmem>>) target(%dma_start3A_258 : memref<10112x48xf32, #tpu.memory_space<vmem_shared>>) offsets(%arg22 : memref<128xi32, #tpu.memory_space<vmem>>) semaphore(%arg47 : memref<!tpu.dma_semaphore, #tpu.memory_space<semaphore_mem>>) {add = true}
      %dma_wait3A_259 = arith.constant 0 : i32
      %dma_wait3A_260 = arith.constant 0 : i32
      %dma_wait3A_261 = tpu.memref_slice %arg31[%dma_wait3A_259, %dma_wait3A_260] : memref<10112x48xf32, #tpu.memory_space<vmem_shared>> -> memref<10112x48xf32, #tpu.memory_space<vmem_shared>>
      tpu.wait_indirect_dma semaphore(%arg40 : memref<!tpu.dma_semaphore, #tpu.memory_space<semaphore_mem>>) src(%arg23 : memref<128x48xf32, #tpu.memory_space<vmem>>) dst(%dma_wait3A_261 : memref<10112x48xf32, #tpu.memory_space<vmem_shared>>)
      %dma_wait3A_262 = arith.constant 0 : i32
      %dma_wait3A_263 = arith.constant 0 : i32
      %dma_wait3A_264 = tpu.memref_slice %arg31[%dma_wait3A_262, %dma_wait3A_263] : memref<10112x48xf32, #tpu.memory_space<vmem_shared>> -> memref<10112x48xf32, #tpu.memory_space<vmem_shared>>
      tpu.wait_indirect_dma semaphore(%arg41 : memref<!tpu.dma_semaphore, #tpu.memory_space<semaphore_mem>>) src(%arg24 : memref<128x48xf32, #tpu.memory_space<vmem>>) dst(%dma_wait3A_264 : memref<10112x48xf32, #tpu.memory_space<vmem_shared>>)
      %dma_wait3A_265 = arith.constant 0 : i32
      %dma_wait3A_266 = arith.constant 0 : i32
      %dma_wait3A_267 = tpu.memref_slice %arg31[%dma_wait3A_265, %dma_wait3A_266] : memref<10112x48xf32, #tpu.memory_space<vmem_shared>> -> memref<10112x48xf32, #tpu.memory_space<vmem_shared>>
      tpu.wait_indirect_dma semaphore(%arg42 : memref<!tpu.dma_semaphore, #tpu.memory_space<semaphore_mem>>) src(%arg25 : memref<128x48xf32, #tpu.memory_space<vmem>>) dst(%dma_wait3A_267 : memref<10112x48xf32, #tpu.memory_space<vmem_shared>>)
      %dma_wait3A_268 = arith.constant 0 : i32
      %dma_wait3A_269 = arith.constant 0 : i32
      %dma_wait3A_270 = tpu.memref_slice %arg31[%dma_wait3A_268, %dma_wait3A_269] : memref<10112x48xf32, #tpu.memory_space<vmem_shared>> -> memref<10112x48xf32, #tpu.memory_space<vmem_shared>>
      tpu.wait_indirect_dma semaphore(%arg43 : memref<!tpu.dma_semaphore, #tpu.memory_space<semaphore_mem>>) src(%arg26 : memref<128x48xf32, #tpu.memory_space<vmem>>) dst(%dma_wait3A_270 : memref<10112x48xf32, #tpu.memory_space<vmem_shared>>)
      %dma_wait3A_271 = arith.constant 0 : i32
      %dma_wait3A_272 = arith.constant 0 : i32
      %dma_wait3A_273 = tpu.memref_slice %arg31[%dma_wait3A_271, %dma_wait3A_272] : memref<10112x48xf32, #tpu.memory_space<vmem_shared>> -> memref<10112x48xf32, #tpu.memory_space<vmem_shared>>
      tpu.wait_indirect_dma semaphore(%arg44 : memref<!tpu.dma_semaphore, #tpu.memory_space<semaphore_mem>>) src(%arg27 : memref<128x48xf32, #tpu.memory_space<vmem>>) dst(%dma_wait3A_273 : memref<10112x48xf32, #tpu.memory_space<vmem_shared>>)
      %dma_wait3A_274 = arith.constant 0 : i32
      %dma_wait3A_275 = arith.constant 0 : i32
      %dma_wait3A_276 = tpu.memref_slice %arg31[%dma_wait3A_274, %dma_wait3A_275] : memref<10112x48xf32, #tpu.memory_space<vmem_shared>> -> memref<10112x48xf32, #tpu.memory_space<vmem_shared>>
      tpu.wait_indirect_dma semaphore(%arg45 : memref<!tpu.dma_semaphore, #tpu.memory_space<semaphore_mem>>) src(%arg28 : memref<128x48xf32, #tpu.memory_space<vmem>>) dst(%dma_wait3A_276 : memref<10112x48xf32, #tpu.memory_space<vmem_shared>>)
      %dma_wait3A_277 = arith.constant 0 : i32
      %dma_wait3A_278 = arith.constant 0 : i32
      %dma_wait3A_279 = tpu.memref_slice %arg31[%dma_wait3A_277, %dma_wait3A_278] : memref<10112x48xf32, #tpu.memory_space<vmem_shared>> -> memref<10112x48xf32, #tpu.memory_space<vmem_shared>>
      tpu.wait_indirect_dma semaphore(%arg46 : memref<!tpu.dma_semaphore, #tpu.memory_space<semaphore_mem>>) src(%arg29 : memref<128x48xf32, #tpu.memory_space<vmem>>) dst(%dma_wait3A_279 : memref<10112x48xf32, #tpu.memory_space<vmem_shared>>)
      %dma_wait3A_280 = arith.constant 0 : i32
      %dma_wait3A_281 = arith.constant 0 : i32
      %dma_wait3A_282 = tpu.memref_slice %arg31[%dma_wait3A_280, %dma_wait3A_281] : memref<10112x48xf32, #tpu.memory_space<vmem_shared>> -> memref<10112x48xf32, #tpu.memory_space<vmem_shared>>
      tpu.wait_indirect_dma semaphore(%arg47 : memref<!tpu.dma_semaphore, #tpu.memory_space<semaphore_mem>>) src(%arg30 : memref<128x48xf32, #tpu.memory_space<vmem>>) dst(%dma_wait3A_282 : memref<10112x48xf32, #tpu.memory_space<vmem_shared>>)
    }
    %while3A_135 = arith.constant 1 : i32
    scf.for %while3A_153 = %while3A_133 to %while3A_129 step %while3A_135  : i32 {
      %mul3A_154 = arith.constant 8 : i32
      %mul3A_155 = arith.muli %mul3A_154, %while3A_153 : i32
      %add3A_156 = arith.addi %add3A_72, %mul3A_155 : i32
      %add3A_157 = arith.constant 0 : i32
      %add3A_158 = arith.addi %add3A_156, %add3A_157 : i32
      "tpu.region"() ({
        %run_scoped3A = tpu.sem_alloc : memref<!tpu.dma_semaphore, #tpu.memory_space<semaphore_mem>>
        %dma_start3A_283 = arith.constant 0 : i32
        %dma_start3A_284 = tpu.memref_slice %arg3[%add3A_158, %dma_start3A_283] : memref<2500x128xi32, #tpu.memory_space<hbm>> -> memref<1x128xi32, #tpu.memory_space<hbm>>
        %dma_start3A_285 = tpu.memref_squeeze %dma_start3A_284 : memref<1x128xi32, #tpu.memory_space<hbm>> -> memref<128xi32, #tpu.memory_space<hbm>>
        %dma_start3A_286 = arith.constant 0 : i32
        %dma_start3A_287 = tpu.memref_slice %arg3[%add3A_158, %dma_start3A_286] : memref<2500x128xi32, #tpu.memory_space<hbm>> -> memref<1x128xi32, #tpu.memory_space<hbm>>
        %dma_start3A_288 = tpu.memref_squeeze %dma_start3A_287 : memref<1x128xi32, #tpu.memory_space<hbm>> -> memref<128xi32, #tpu.memory_space<hbm>>
        tpu.enqueue_dma source(%dma_start3A_288 : memref<128xi32, #tpu.memory_space<hbm>>) target(%arg7 : memref<128xi32, #tpu.memory_space<vmem>>) target_semaphore(%run_scoped3A : memref<!tpu.dma_semaphore, #tpu.memory_space<semaphore_mem>>)
        %dma_wait3A_289 = arith.constant 0 : i32
        %dma_wait3A_290 = tpu.memref_slice %arg3[%add3A_158, %dma_wait3A_289] : memref<2500x128xi32, #tpu.memory_space<hbm>> -> memref<1x128xi32, #tpu.memory_space<hbm>>
        %dma_wait3A_291 = tpu.memref_squeeze %dma_wait3A_290 : memref<1x128xi32, #tpu.memory_space<hbm>> -> memref<128xi32, #tpu.memory_space<hbm>>
        %dma_wait3A_292 = arith.constant 0 : i32
        %dma_wait3A_293 = tpu.memref_slice %arg3[%add3A_158, %dma_wait3A_292] : memref<2500x128xi32, #tpu.memory_space<hbm>> -> memref<1x128xi32, #tpu.memory_space<hbm>>
        %dma_wait3A_294 = tpu.memref_squeeze %dma_wait3A_293 : memref<1x128xi32, #tpu.memory_space<hbm>> -> memref<128xi32, #tpu.memory_space<hbm>>
        tpu.wait_dma2 semaphore(%run_scoped3A : memref<!tpu.dma_semaphore, #tpu.memory_space<semaphore_mem>>) src(%dma_wait3A_294 : memref<128xi32, #tpu.memory_space<hbm>>) dst(%arg7 : memref<128xi32, #tpu.memory_space<vmem>>)
        tpu.yield
      }) : () -> ()
      %add3A_159 = arith.constant 0 : i32
      %add3A_160 = arith.addi %add3A_156, %add3A_159 : i32
      "tpu.region"() ({
        %run_scoped3A = tpu.sem_alloc : memref<!tpu.dma_semaphore, #tpu.memory_space<semaphore_mem>>
        %dma_start3A_283 = arith.constant 0 : i32
        %dma_start3A_284 = tpu.memref_slice %arg4[%add3A_160, %dma_start3A_283] : memref<2500x128xi32, #tpu.memory_space<hbm>> -> memref<1x128xi32, #tpu.memory_space<hbm>>
        %dma_start3A_285 = tpu.memref_squeeze %dma_start3A_284 : memref<1x128xi32, #tpu.memory_space<hbm>> -> memref<128xi32, #tpu.memory_space<hbm>>
        %dma_start3A_286 = arith.constant 0 : i32
        %dma_start3A_287 = tpu.memref_slice %arg4[%add3A_160, %dma_start3A_286] : memref<2500x128xi32, #tpu.memory_space<hbm>> -> memref<1x128xi32, #tpu.memory_space<hbm>>
        %dma_start3A_288 = tpu.memref_squeeze %dma_start3A_287 : memref<1x128xi32, #tpu.memory_space<hbm>> -> memref<128xi32, #tpu.memory_space<hbm>>
        tpu.enqueue_dma source(%dma_start3A_288 : memref<128xi32, #tpu.memory_space<hbm>>) target(%arg15 : memref<128xi32, #tpu.memory_space<vmem>>) target_semaphore(%run_scoped3A : memref<!tpu.dma_semaphore, #tpu.memory_space<semaphore_mem>>)
        %dma_wait3A_289 = arith.constant 0 : i32
        %dma_wait3A_290 = tpu.memref_slice %arg4[%add3A_160, %dma_wait3A_289] : memref<2500x128xi32, #tpu.memory_space<hbm>> -> memref<1x128xi32, #tpu.memory_space<hbm>>
        %dma_wait3A_291 = tpu.memref_squeeze %dma_wait3A_290 : memref<1x128xi32, #tpu.memory_space<hbm>> -> memref<128xi32, #tpu.memory_space<hbm>>
        %dma_wait3A_292 = arith.constant 0 : i32
        %dma_wait3A_293 = tpu.memref_slice %arg4[%add3A_160, %dma_wait3A_292] : memref<2500x128xi32, #tpu.memory_space<hbm>> -> memref<1x128xi32, #tpu.memory_space<hbm>>
        %dma_wait3A_294 = tpu.memref_squeeze %dma_wait3A_293 : memref<1x128xi32, #tpu.memory_space<hbm>> -> memref<128xi32, #tpu.memory_space<hbm>>
        tpu.wait_dma2 semaphore(%run_scoped3A : memref<!tpu.dma_semaphore, #tpu.memory_space<semaphore_mem>>) src(%dma_wait3A_294 : memref<128xi32, #tpu.memory_space<hbm>>) dst(%arg15 : memref<128xi32, #tpu.memory_space<vmem>>)
        tpu.yield
      }) : () -> ()
      %dma_start3A = arith.constant 0 : i32
      %dma_start3A_161 = arith.constant 0 : i32
      %dma_start3A_162 = tpu.memref_slice %arg2[%dma_start3A, %dma_start3A_161] : memref<10000x48xf32, #tpu.memory_space<hbm>> -> memref<10000x48xf32, #tpu.memory_space<hbm>>
      tpu.enqueue_indirect_dma source(%dma_start3A_162 : memref<10000x48xf32, #tpu.memory_space<hbm>>) target(%arg23 : memref<128x48xf32, #tpu.memory_space<vmem>>) offsets(%arg7 : memref<128xi32, #tpu.memory_space<vmem>>) semaphore(%arg32 : memref<!tpu.dma_semaphore, #tpu.memory_space<semaphore_mem>>)
      %add3A_163 = arith.constant 1 : i32
      %add3A_164 = arith.addi %add3A_156, %add3A_163 : i32
      "tpu.region"() ({
        %run_scoped3A = tpu.sem_alloc : memref<!tpu.dma_semaphore, #tpu.memory_space<semaphore_mem>>
        %dma_start3A_283 = arith.constant 0 : i32
        %dma_start3A_284 = tpu.memref_slice %arg3[%add3A_164, %dma_start3A_283] : memref<2500x128xi32, #tpu.memory_space<hbm>> -> memref<1x128xi32, #tpu.memory_space<hbm>>
        %dma_start3A_285 = tpu.memref_squeeze %dma_start3A_284 : memref<1x128xi32, #tpu.memory_space<hbm>> -> memref<128xi32, #tpu.memory_space<hbm>>
        %dma_start3A_286 = arith.constant 0 : i32
        %dma_start3A_287 = tpu.memref_slice %arg3[%add3A_164, %dma_start3A_286] : memref<2500x128xi32, #tpu.memory_space<hbm>> -> memref<1x128xi32, #tpu.memory_space<hbm>>
        %dma_start3A_288 = tpu.memref_squeeze %dma_start3A_287 : memref<1x128xi32, #tpu.memory_space<hbm>> -> memref<128xi32, #tpu.memory_space<hbm>>
        tpu.enqueue_dma source(%dma_start3A_288 : memref<128xi32, #tpu.memory_space<hbm>>) target(%arg8 : memref<128xi32, #tpu.memory_space<vmem>>) target_semaphore(%run_scoped3A : memref<!tpu.dma_semaphore, #tpu.memory_space<semaphore_mem>>)
        %dma_wait3A_289 = arith.constant 0 : i32
        %dma_wait3A_290 = tpu.memref_slice %arg3[%add3A_164, %dma_wait3A_289] : memref<2500x128xi32, #tpu.memory_space<hbm>> -> memref<1x128xi32, #tpu.memory_space<hbm>>
        %dma_wait3A_291 = tpu.memref_squeeze %dma_wait3A_290 : memref<1x128xi32, #tpu.memory_space<hbm>> -> memref<128xi32, #tpu.memory_space<hbm>>
        %dma_wait3A_292 = arith.constant 0 : i32
        %dma_wait3A_293 = tpu.memref_slice %arg3[%add3A_164, %dma_wait3A_292] : memref<2500x128xi32, #tpu.memory_space<hbm>> -> memref<1x128xi32, #tpu.memory_space<hbm>>
        %dma_wait3A_294 = tpu.memref_squeeze %dma_wait3A_293 : memref<1x128xi32, #tpu.memory_space<hbm>> -> memref<128xi32, #tpu.memory_space<hbm>>
        tpu.wait_dma2 semaphore(%run_scoped3A : memref<!tpu.dma_semaphore, #tpu.memory_space<semaphore_mem>>) src(%dma_wait3A_294 : memref<128xi32, #tpu.memory_space<hbm>>) dst(%arg8 : memref<128xi32, #tpu.memory_space<vmem>>)
        tpu.yield
      }) : () -> ()
      %add3A_165 = arith.constant 1 : i32
      %add3A_166 = arith.addi %add3A_156, %add3A_165 : i32
      "tpu.region"() ({
        %run_scoped3A = tpu.sem_alloc : memref<!tpu.dma_semaphore, #tpu.memory_space<semaphore_mem>>
        %dma_start3A_283 = arith.constant 0 : i32
        %dma_start3A_284 = tpu.memref_slice %arg4[%add3A_166, %dma_start3A_283] : memref<2500x128xi32, #tpu.memory_space<hbm>> -> memref<1x128xi32, #tpu.memory_space<hbm>>
        %dma_start3A_285 = tpu.memref_squeeze %dma_start3A_284 : memref<1x128xi32, #tpu.memory_space<hbm>> -> memref<128xi32, #tpu.memory_space<hbm>>
        %dma_start3A_286 = arith.constant 0 : i32
        %dma_start3A_287 = tpu.memref_slice %arg4[%add3A_166, %dma_start3A_286] : memref<2500x128xi32, #tpu.memory_space<hbm>> -> memref<1x128xi32, #tpu.memory_space<hbm>>
        %dma_start3A_288 = tpu.memref_squeeze %dma_start3A_287 : memref<1x128xi32, #tpu.memory_space<hbm>> -> memref<128xi32, #tpu.memory_space<hbm>>
        tpu.enqueue_dma source(%dma_start3A_288 : memref<128xi32, #tpu.memory_space<hbm>>) target(%arg16 : memref<128xi32, #tpu.memory_space<vmem>>) target_semaphore(%run_scoped3A : memref<!tpu.dma_semaphore, #tpu.memory_space<semaphore_mem>>)
        %dma_wait3A_289 = arith.constant 0 : i32
        %dma_wait3A_290 = tpu.memref_slice %arg4[%add3A_166, %dma_wait3A_289] : memref<2500x128xi32, #tpu.memory_space<hbm>> -> memref<1x128xi32, #tpu.memory_space<hbm>>
        %dma_wait3A_291 = tpu.memref_squeeze %dma_wait3A_290 : memref<1x128xi32, #tpu.memory_space<hbm>> -> memref<128xi32, #tpu.memory_space<hbm>>
        %dma_wait3A_292 = arith.constant 0 : i32
        %dma_wait3A_293 = tpu.memref_slice %arg4[%add3A_166, %dma_wait3A_292] : memref<2500x128xi32, #tpu.memory_space<hbm>> -> memref<1x128xi32, #tpu.memory_space<hbm>>
        %dma_wait3A_294 = tpu.memref_squeeze %dma_wait3A_293 : memref<1x128xi32, #tpu.memory_space<hbm>> -> memref<128xi32, #tpu.memory_space<hbm>>
        tpu.wait_dma2 semaphore(%run_scoped3A : memref<!tpu.dma_semaphore, #tpu.memory_space<semaphore_mem>>) src(%dma_wait3A_294 : memref<128xi32, #tpu.memory_space<hbm>>) dst(%arg16 : memref<128xi32, #tpu.memory_space<vmem>>)
        tpu.yield
      }) : () -> ()
      %dma_start3A_167 = arith.constant 0 : i32
      %dma_start3A_168 = arith.constant 0 : i32
      %dma_start3A_169 = tpu.memref_slice %arg2[%dma_start3A_167, %dma_start3A_168] : memref<10000x48xf32, #tpu.memory_space<hbm>> -> memref<10000x48xf32, #tpu.memory_space<hbm>>
      tpu.enqueue_indirect_dma source(%dma_start3A_169 : memref<10000x48xf32, #tpu.memory_space<hbm>>) target(%arg24 : memref<128x48xf32, #tpu.memory_space<vmem>>) offsets(%arg8 : memref<128xi32, #tpu.memory_space<vmem>>) semaphore(%arg33 : memref<!tpu.dma_semaphore, #tpu.memory_space<semaphore_mem>>)
      %add3A_170 = arith.constant 2 : i32
      %add3A_171 = arith.addi %add3A_156, %add3A_170 : i32
      "tpu.region"() ({
        %run_scoped3A = tpu.sem_alloc : memref<!tpu.dma_semaphore, #tpu.memory_space<semaphore_mem>>
        %dma_start3A_283 = arith.constant 0 : i32
        %dma_start3A_284 = tpu.memref_slice %arg3[%add3A_171, %dma_start3A_283] : memref<2500x128xi32, #tpu.memory_space<hbm>> -> memref<1x128xi32, #tpu.memory_space<hbm>>
        %dma_start3A_285 = tpu.memref_squeeze %dma_start3A_284 : memref<1x128xi32, #tpu.memory_space<hbm>> -> memref<128xi32, #tpu.memory_space<hbm>>
        %dma_start3A_286 = arith.constant 0 : i32
        %dma_start3A_287 = tpu.memref_slice %arg3[%add3A_171, %dma_start3A_286] : memref<2500x128xi32, #tpu.memory_space<hbm>> -> memref<1x128xi32, #tpu.memory_space<hbm>>
        %dma_start3A_288 = tpu.memref_squeeze %dma_start3A_287 : memref<1x128xi32, #tpu.memory_space<hbm>> -> memref<128xi32, #tpu.memory_space<hbm>>
        tpu.enqueue_dma source(%dma_start3A_288 : memref<128xi32, #tpu.memory_space<hbm>>) target(%arg9 : memref<128xi32, #tpu.memory_space<vmem>>) target_semaphore(%run_scoped3A : memref<!tpu.dma_semaphore, #tpu.memory_space<semaphore_mem>>)
        %dma_wait3A_289 = arith.constant 0 : i32
        %dma_wait3A_290 = tpu.memref_slice %arg3[%add3A_171, %dma_wait3A_289] : memref<2500x128xi32, #tpu.memory_space<hbm>> -> memref<1x128xi32, #tpu.memory_space<hbm>>
        %dma_wait3A_291 = tpu.memref_squeeze %dma_wait3A_290 : memref<1x128xi32, #tpu.memory_space<hbm>> -> memref<128xi32, #tpu.memory_space<hbm>>
        %dma_wait3A_292 = arith.constant 0 : i32
        %dma_wait3A_293 = tpu.memref_slice %arg3[%add3A_171, %dma_wait3A_292] : memref<2500x128xi32, #tpu.memory_space<hbm>> -> memref<1x128xi32, #tpu.memory_space<hbm>>
        %dma_wait3A_294 = tpu.memref_squeeze %dma_wait3A_293 : memref<1x128xi32, #tpu.memory_space<hbm>> -> memref<128xi32, #tpu.memory_space<hbm>>
        tpu.wait_dma2 semaphore(%run_scoped3A : memref<!tpu.dma_semaphore, #tpu.memory_space<semaphore_mem>>) src(%dma_wait3A_294 : memref<128xi32, #tpu.memory_space<hbm>>) dst(%arg9 : memref<128xi32, #tpu.memory_space<vmem>>)
        tpu.yield
      }) : () -> ()
      %add3A_172 = arith.constant 2 : i32
      %add3A_173 = arith.addi %add3A_156, %add3A_172 : i32
      "tpu.region"() ({
        %run_scoped3A = tpu.sem_alloc : memref<!tpu.dma_semaphore, #tpu.memory_space<semaphore_mem>>
        %dma_start3A_283 = arith.constant 0 : i32
        %dma_start3A_284 = tpu.memref_slice %arg4[%add3A_173, %dma_start3A_283] : memref<2500x128xi32, #tpu.memory_space<hbm>> -> memref<1x128xi32, #tpu.memory_space<hbm>>
        %dma_start3A_285 = tpu.memref_squeeze %dma_start3A_284 : memref<1x128xi32, #tpu.memory_space<hbm>> -> memref<128xi32, #tpu.memory_space<hbm>>
        %dma_start3A_286 = arith.constant 0 : i32
        %dma_start3A_287 = tpu.memref_slice %arg4[%add3A_173, %dma_start3A_286] : memref<2500x128xi32, #tpu.memory_space<hbm>> -> memref<1x128xi32, #tpu.memory_space<hbm>>
        %dma_start3A_288 = tpu.memref_squeeze %dma_start3A_287 : memref<1x128xi32, #tpu.memory_space<hbm>> -> memref<128xi32, #tpu.memory_space<hbm>>
        tpu.enqueue_dma source(%dma_start3A_288 : memref<128xi32, #tpu.memory_space<hbm>>) target(%arg17 : memref<128xi32, #tpu.memory_space<vmem>>) target_semaphore(%run_scoped3A : memref<!tpu.dma_semaphore, #tpu.memory_space<semaphore_mem>>)
        %dma_wait3A_289 = arith.constant 0 : i32
        %dma_wait3A_290 = tpu.memref_slice %arg4[%add3A_173, %dma_wait3A_289] : memref<2500x128xi32, #tpu.memory_space<hbm>> -> memref<1x128xi32, #tpu.memory_space<hbm>>
        %dma_wait3A_291 = tpu.memref_squeeze %dma_wait3A_290 : memref<1x128xi32, #tpu.memory_space<hbm>> -> memref<128xi32, #tpu.memory_space<hbm>>
        %dma_wait3A_292 = arith.constant 0 : i32
        %dma_wait3A_293 = tpu.memref_slice %arg4[%add3A_173, %dma_wait3A_292] : memref<2500x128xi32, #tpu.memory_space<hbm>> -> memref<1x128xi32, #tpu.memory_space<hbm>>
        %dma_wait3A_294 = tpu.memref_squeeze %dma_wait3A_293 : memref<1x128xi32, #tpu.memory_space<hbm>> -> memref<128xi32, #tpu.memory_space<hbm>>
        tpu.wait_dma2 semaphore(%run_scoped3A : memref<!tpu.dma_semaphore, #tpu.memory_space<semaphore_mem>>) src(%dma_wait3A_294 : memref<128xi32, #tpu.memory_space<hbm>>) dst(%arg17 : memref<128xi32, #tpu.memory_space<vmem>>)
        tpu.yield
      }) : () -> ()
      %dma_start3A_174 = arith.constant 0 : i32
      %dma_start3A_175 = arith.constant 0 : i32
      %dma_start3A_176 = tpu.memref_slice %arg2[%dma_start3A_174, %dma_start3A_175] : memref<10000x48xf32, #tpu.memory_space<hbm>> -> memref<10000x48xf32, #tpu.memory_space<hbm>>
      tpu.enqueue_indirect_dma source(%dma_start3A_176 : memref<10000x48xf32, #tpu.memory_space<hbm>>) target(%arg25 : memref<128x48xf32, #tpu.memory_space<vmem>>) offsets(%arg9 : memref<128xi32, #tpu.memory_space<vmem>>) semaphore(%arg34 : memref<!tpu.dma_semaphore, #tpu.memory_space<semaphore_mem>>)
      %add3A_177 = arith.constant 3 : i32
      %add3A_178 = arith.addi %add3A_156, %add3A_177 : i32
      "tpu.region"() ({
        %run_scoped3A = tpu.sem_alloc : memref<!tpu.dma_semaphore, #tpu.memory_space<semaphore_mem>>
        %dma_start3A_283 = arith.constant 0 : i32
        %dma_start3A_284 = tpu.memref_slice %arg3[%add3A_178, %dma_start3A_283] : memref<2500x128xi32, #tpu.memory_space<hbm>> -> memref<1x128xi32, #tpu.memory_space<hbm>>
        %dma_start3A_285 = tpu.memref_squeeze %dma_start3A_284 : memref<1x128xi32, #tpu.memory_space<hbm>> -> memref<128xi32, #tpu.memory_space<hbm>>
        %dma_start3A_286 = arith.constant 0 : i32
        %dma_start3A_287 = tpu.memref_slice %arg3[%add3A_178, %dma_start3A_286] : memref<2500x128xi32, #tpu.memory_space<hbm>> -> memref<1x128xi32, #tpu.memory_space<hbm>>
        %dma_start3A_288 = tpu.memref_squeeze %dma_start3A_287 : memref<1x128xi32, #tpu.memory_space<hbm>> -> memref<128xi32, #tpu.memory_space<hbm>>
        tpu.enqueue_dma source(%dma_start3A_288 : memref<128xi32, #tpu.memory_space<hbm>>) target(%arg10 : memref<128xi32, #tpu.memory_space<vmem>>) target_semaphore(%run_scoped3A : memref<!tpu.dma_semaphore, #tpu.memory_space<semaphore_mem>>)
        %dma_wait3A_289 = arith.constant 0 : i32
        %dma_wait3A_290 = tpu.memref_slice %arg3[%add3A_178, %dma_wait3A_289] : memref<2500x128xi32, #tpu.memory_space<hbm>> -> memref<1x128xi32, #tpu.memory_space<hbm>>
        %dma_wait3A_291 = tpu.memref_squeeze %dma_wait3A_290 : memref<1x128xi32, #tpu.memory_space<hbm>> -> memref<128xi32, #tpu.memory_space<hbm>>
        %dma_wait3A_292 = arith.constant 0 : i32
        %dma_wait3A_293 = tpu.memref_slice %arg3[%add3A_178, %dma_wait3A_292] : memref<2500x128xi32, #tpu.memory_space<hbm>> -> memref<1x128xi32, #tpu.memory_space<hbm>>
        %dma_wait3A_294 = tpu.memref_squeeze %dma_wait3A_293 : memref<1x128xi32, #tpu.memory_space<hbm>> -> memref<128xi32, #tpu.memory_space<hbm>>
        tpu.wait_dma2 semaphore(%run_scoped3A : memref<!tpu.dma_semaphore, #tpu.memory_space<semaphore_mem>>) src(%dma_wait3A_294 : memref<128xi32, #tpu.memory_space<hbm>>) dst(%arg10 : memref<128xi32, #tpu.memory_space<vmem>>)
        tpu.yield
      }) : () -> ()
      %add3A_179 = arith.constant 3 : i32
      %add3A_180 = arith.addi %add3A_156, %add3A_179 : i32
      "tpu.region"() ({
        %run_scoped3A = tpu.sem_alloc : memref<!tpu.dma_semaphore, #tpu.memory_space<semaphore_mem>>
        %dma_start3A_283 = arith.constant 0 : i32
        %dma_start3A_284 = tpu.memref_slice %arg4[%add3A_180, %dma_start3A_283] : memref<2500x128xi32, #tpu.memory_space<hbm>> -> memref<1x128xi32, #tpu.memory_space<hbm>>
        %dma_start3A_285 = tpu.memref_squeeze %dma_start3A_284 : memref<1x128xi32, #tpu.memory_space<hbm>> -> memref<128xi32, #tpu.memory_space<hbm>>
        %dma_start3A_286 = arith.constant 0 : i32
        %dma_start3A_287 = tpu.memref_slice %arg4[%add3A_180, %dma_start3A_286] : memref<2500x128xi32, #tpu.memory_space<hbm>> -> memref<1x128xi32, #tpu.memory_space<hbm>>
        %dma_start3A_288 = tpu.memref_squeeze %dma_start3A_287 : memref<1x128xi32, #tpu.memory_space<hbm>> -> memref<128xi32, #tpu.memory_space<hbm>>
        tpu.enqueue_dma source(%dma_start3A_288 : memref<128xi32, #tpu.memory_space<hbm>>) target(%arg18 : memref<128xi32, #tpu.memory_space<vmem>>) target_semaphore(%run_scoped3A : memref<!tpu.dma_semaphore, #tpu.memory_space<semaphore_mem>>)
        %dma_wait3A_289 = arith.constant 0 : i32
        %dma_wait3A_290 = tpu.memref_slice %arg4[%add3A_180, %dma_wait3A_289] : memref<2500x128xi32, #tpu.memory_space<hbm>> -> memref<1x128xi32, #tpu.memory_space<hbm>>
        %dma_wait3A_291 = tpu.memref_squeeze %dma_wait3A_290 : memref<1x128xi32, #tpu.memory_space<hbm>> -> memref<128xi32, #tpu.memory_space<hbm>>
        %dma_wait3A_292 = arith.constant 0 : i32
        %dma_wait3A_293 = tpu.memref_slice %arg4[%add3A_180, %dma_wait3A_292] : memref<2500x128xi32, #tpu.memory_space<hbm>> -> memref<1x128xi32, #tpu.memory_space<hbm>>
        %dma_wait3A_294 = tpu.memref_squeeze %dma_wait3A_293 : memref<1x128xi32, #tpu.memory_space<hbm>> -> memref<128xi32, #tpu.memory_space<hbm>>
        tpu.wait_dma2 semaphore(%run_scoped3A : memref<!tpu.dma_semaphore, #tpu.memory_space<semaphore_mem>>) src(%dma_wait3A_294 : memref<128xi32, #tpu.memory_space<hbm>>) dst(%arg18 : memref<128xi32, #tpu.memory_space<vmem>>)
        tpu.yield
      }) : () -> ()
      %dma_start3A_181 = arith.constant 0 : i32
      %dma_start3A_182 = arith.constant 0 : i32
      %dma_start3A_183 = tpu.memref_slice %arg2[%dma_start3A_181, %dma_start3A_182] : memref<10000x48xf32, #tpu.memory_space<hbm>> -> memref<10000x48xf32, #tpu.memory_space<hbm>>
      tpu.enqueue_indirect_dma source(%dma_start3A_183 : memref<10000x48xf32, #tpu.memory_space<hbm>>) target(%arg26 : memref<128x48xf32, #tpu.memory_space<vmem>>) offsets(%arg10 : memref<128xi32, #tpu.memory_space<vmem>>) semaphore(%arg35 : memref<!tpu.dma_semaphore, #tpu.memory_space<semaphore_mem>>)
      %add3A_184 = arith.constant 4 : i32
      %add3A_185 = arith.addi %add3A_156, %add3A_184 : i32
      "tpu.region"() ({
        %run_scoped3A = tpu.sem_alloc : memref<!tpu.dma_semaphore, #tpu.memory_space<semaphore_mem>>
        %dma_start3A_283 = arith.constant 0 : i32
        %dma_start3A_284 = tpu.memref_slice %arg3[%add3A_185, %dma_start3A_283] : memref<2500x128xi32, #tpu.memory_space<hbm>> -> memref<1x128xi32, #tpu.memory_space<hbm>>
        %dma_start3A_285 = tpu.memref_squeeze %dma_start3A_284 : memref<1x128xi32, #tpu.memory_space<hbm>> -> memref<128xi32, #tpu.memory_space<hbm>>
        %dma_start3A_286 = arith.constant 0 : i32
        %dma_start3A_287 = tpu.memref_slice %arg3[%add3A_185, %dma_start3A_286] : memref<2500x128xi32, #tpu.memory_space<hbm>> -> memref<1x128xi32, #tpu.memory_space<hbm>>
        %dma_start3A_288 = tpu.memref_squeeze %dma_start3A_287 : memref<1x128xi32, #tpu.memory_space<hbm>> -> memref<128xi32, #tpu.memory_space<hbm>>
        tpu.enqueue_dma source(%dma_start3A_288 : memref<128xi32, #tpu.memory_space<hbm>>) target(%arg11 : memref<128xi32, #tpu.memory_space<vmem>>) target_semaphore(%run_scoped3A : memref<!tpu.dma_semaphore, #tpu.memory_space<semaphore_mem>>)
        %dma_wait3A_289 = arith.constant 0 : i32
        %dma_wait3A_290 = tpu.memref_slice %arg3[%add3A_185, %dma_wait3A_289] : memref<2500x128xi32, #tpu.memory_space<hbm>> -> memref<1x128xi32, #tpu.memory_space<hbm>>
        %dma_wait3A_291 = tpu.memref_squeeze %dma_wait3A_290 : memref<1x128xi32, #tpu.memory_space<hbm>> -> memref<128xi32, #tpu.memory_space<hbm>>
        %dma_wait3A_292 = arith.constant 0 : i32
        %dma_wait3A_293 = tpu.memref_slice %arg3[%add3A_185, %dma_wait3A_292] : memref<2500x128xi32, #tpu.memory_space<hbm>> -> memref<1x128xi32, #tpu.memory_space<hbm>>
        %dma_wait3A_294 = tpu.memref_squeeze %dma_wait3A_293 : memref<1x128xi32, #tpu.memory_space<hbm>> -> memref<128xi32, #tpu.memory_space<hbm>>
        tpu.wait_dma2 semaphore(%run_scoped3A : memref<!tpu.dma_semaphore, #tpu.memory_space<semaphore_mem>>) src(%dma_wait3A_294 : memref<128xi32, #tpu.memory_space<hbm>>) dst(%arg11 : memref<128xi32, #tpu.memory_space<vmem>>)
        tpu.yield
      }) : () -> ()
      %add3A_186 = arith.constant 4 : i32
      %add3A_187 = arith.addi %add3A_156, %add3A_186 : i32
      "tpu.region"() ({
        %run_scoped3A = tpu.sem_alloc : memref<!tpu.dma_semaphore, #tpu.memory_space<semaphore_mem>>
        %dma_start3A_283 = arith.constant 0 : i32
        %dma_start3A_284 = tpu.memref_slice %arg4[%add3A_187, %dma_start3A_283] : memref<2500x128xi32, #tpu.memory_space<hbm>> -> memref<1x128xi32, #tpu.memory_space<hbm>>
        %dma_start3A_285 = tpu.memref_squeeze %dma_start3A_284 : memref<1x128xi32, #tpu.memory_space<hbm>> -> memref<128xi32, #tpu.memory_space<hbm>>
        %dma_start3A_286 = arith.constant 0 : i32
        %dma_start3A_287 = tpu.memref_slice %arg4[%add3A_187, %dma_start3A_286] : memref<2500x128xi32, #tpu.memory_space<hbm>> -> memref<1x128xi32, #tpu.memory_space<hbm>>
        %dma_start3A_288 = tpu.memref_squeeze %dma_start3A_287 : memref<1x128xi32, #tpu.memory_space<hbm>> -> memref<128xi32, #tpu.memory_space<hbm>>
        tpu.enqueue_dma source(%dma_start3A_288 : memref<128xi32, #tpu.memory_space<hbm>>) target(%arg19 : memref<128xi32, #tpu.memory_space<vmem>>) target_semaphore(%run_scoped3A : memref<!tpu.dma_semaphore, #tpu.memory_space<semaphore_mem>>)
        %dma_wait3A_289 = arith.constant 0 : i32
        %dma_wait3A_290 = tpu.memref_slice %arg4[%add3A_187, %dma_wait3A_289] : memref<2500x128xi32, #tpu.memory_space<hbm>> -> memref<1x128xi32, #tpu.memory_space<hbm>>
        %dma_wait3A_291 = tpu.memref_squeeze %dma_wait3A_290 : memref<1x128xi32, #tpu.memory_space<hbm>> -> memref<128xi32, #tpu.memory_space<hbm>>
        %dma_wait3A_292 = arith.constant 0 : i32
        %dma_wait3A_293 = tpu.memref_slice %arg4[%add3A_187, %dma_wait3A_292] : memref<2500x128xi32, #tpu.memory_space<hbm>> -> memref<1x128xi32, #tpu.memory_space<hbm>>
        %dma_wait3A_294 = tpu.memref_squeeze %dma_wait3A_293 : memref<1x128xi32, #tpu.memory_space<hbm>> -> memref<128xi32, #tpu.memory_space<hbm>>
        tpu.wait_dma2 semaphore(%run_scoped3A : memref<!tpu.dma_semaphore, #tpu.memory_space<semaphore_mem>>) src(%dma_wait3A_294 : memref<128xi32, #tpu.memory_space<hbm>>) dst(%arg19 : memref<128xi32, #tpu.memory_space<vmem>>)
        tpu.yield
      }) : () -> ()
      %dma_start3A_188 = arith.constant 0 : i32
      %dma_start3A_189 = arith.constant 0 : i32
      %dma_start3A_190 = tpu.memref_slice %arg2[%dma_start3A_188, %dma_start3A_189] : memref<10000x48xf32, #tpu.memory_space<hbm>> -> memref<10000x48xf32, #tpu.memory_space<hbm>>
      tpu.enqueue_indirect_dma source(%dma_start3A_190 : memref<10000x48xf32, #tpu.memory_space<hbm>>) target(%arg27 : memref<128x48xf32, #tpu.memory_space<vmem>>) offsets(%arg11 : memref<128xi32, #tpu.memory_space<vmem>>) semaphore(%arg36 : memref<!tpu.dma_semaphore, #tpu.memory_space<semaphore_mem>>)
      %add3A_191 = arith.constant 5 : i32
      %add3A_192 = arith.addi %add3A_156, %add3A_191 : i32
      "tpu.region"() ({
        %run_scoped3A = tpu.sem_alloc : memref<!tpu.dma_semaphore, #tpu.memory_space<semaphore_mem>>
        %dma_start3A_283 = arith.constant 0 : i32
        %dma_start3A_284 = tpu.memref_slice %arg3[%add3A_192, %dma_start3A_283] : memref<2500x128xi32, #tpu.memory_space<hbm>> -> memref<1x128xi32, #tpu.memory_space<hbm>>
        %dma_start3A_285 = tpu.memref_squeeze %dma_start3A_284 : memref<1x128xi32, #tpu.memory_space<hbm>> -> memref<128xi32, #tpu.memory_space<hbm>>
        %dma_start3A_286 = arith.constant 0 : i32
        %dma_start3A_287 = tpu.memref_slice %arg3[%add3A_192, %dma_start3A_286] : memref<2500x128xi32, #tpu.memory_space<hbm>> -> memref<1x128xi32, #tpu.memory_space<hbm>>
        %dma_start3A_288 = tpu.memref_squeeze %dma_start3A_287 : memref<1x128xi32, #tpu.memory_space<hbm>> -> memref<128xi32, #tpu.memory_space<hbm>>
        tpu.enqueue_dma source(%dma_start3A_288 : memref<128xi32, #tpu.memory_space<hbm>>) target(%arg12 : memref<128xi32, #tpu.memory_space<vmem>>) target_semaphore(%run_scoped3A : memref<!tpu.dma_semaphore, #tpu.memory_space<semaphore_mem>>)
        %dma_wait3A_289 = arith.constant 0 : i32
        %dma_wait3A_290 = tpu.memref_slice %arg3[%add3A_192, %dma_wait3A_289] : memref<2500x128xi32, #tpu.memory_space<hbm>> -> memref<1x128xi32, #tpu.memory_space<hbm>>
        %dma_wait3A_291 = tpu.memref_squeeze %dma_wait3A_290 : memref<1x128xi32, #tpu.memory_space<hbm>> -> memref<128xi32, #tpu.memory_space<hbm>>
        %dma_wait3A_292 = arith.constant 0 : i32
        %dma_wait3A_293 = tpu.memref_slice %arg3[%add3A_192, %dma_wait3A_292] : memref<2500x128xi32, #tpu.memory_space<hbm>> -> memref<1x128xi32, #tpu.memory_space<hbm>>
        %dma_wait3A_294 = tpu.memref_squeeze %dma_wait3A_293 : memref<1x128xi32, #tpu.memory_space<hbm>> -> memref<128xi32, #tpu.memory_space<hbm>>
        tpu.wait_dma2 semaphore(%run_scoped3A : memref<!tpu.dma_semaphore, #tpu.memory_space<semaphore_mem>>) src(%dma_wait3A_294 : memref<128xi32, #tpu.memory_space<hbm>>) dst(%arg12 : memref<128xi32, #tpu.memory_space<vmem>>)
        tpu.yield
      }) : () -> ()
      %add3A_193 = arith.constant 5 : i32
      %add3A_194 = arith.addi %add3A_156, %add3A_193 : i32
      "tpu.region"() ({
        %run_scoped3A = tpu.sem_alloc : memref<!tpu.dma_semaphore, #tpu.memory_space<semaphore_mem>>
        %dma_start3A_283 = arith.constant 0 : i32
        %dma_start3A_284 = tpu.memref_slice %arg4[%add3A_194, %dma_start3A_283] : memref<2500x128xi32, #tpu.memory_space<hbm>> -> memref<1x128xi32, #tpu.memory_space<hbm>>
        %dma_start3A_285 = tpu.memref_squeeze %dma_start3A_284 : memref<1x128xi32, #tpu.memory_space<hbm>> -> memref<128xi32, #tpu.memory_space<hbm>>
        %dma_start3A_286 = arith.constant 0 : i32
        %dma_start3A_287 = tpu.memref_slice %arg4[%add3A_194, %dma_start3A_286] : memref<2500x128xi32, #tpu.memory_space<hbm>> -> memref<1x128xi32, #tpu.memory_space<hbm>>
        %dma_start3A_288 = tpu.memref_squeeze %dma_start3A_287 : memref<1x128xi32, #tpu.memory_space<hbm>> -> memref<128xi32, #tpu.memory_space<hbm>>
        tpu.enqueue_dma source(%dma_start3A_288 : memref<128xi32, #tpu.memory_space<hbm>>) target(%arg20 : memref<128xi32, #tpu.memory_space<vmem>>) target_semaphore(%run_scoped3A : memref<!tpu.dma_semaphore, #tpu.memory_space<semaphore_mem>>)
        %dma_wait3A_289 = arith.constant 0 : i32
        %dma_wait3A_290 = tpu.memref_slice %arg4[%add3A_194, %dma_wait3A_289] : memref<2500x128xi32, #tpu.memory_space<hbm>> -> memref<1x128xi32, #tpu.memory_space<hbm>>
        %dma_wait3A_291 = tpu.memref_squeeze %dma_wait3A_290 : memref<1x128xi32, #tpu.memory_space<hbm>> -> memref<128xi32, #tpu.memory_space<hbm>>
        %dma_wait3A_292 = arith.constant 0 : i32
        %dma_wait3A_293 = tpu.memref_slice %arg4[%add3A_194, %dma_wait3A_292] : memref<2500x128xi32, #tpu.memory_space<hbm>> -> memref<1x128xi32, #tpu.memory_space<hbm>>
        %dma_wait3A_294 = tpu.memref_squeeze %dma_wait3A_293 : memref<1x128xi32, #tpu.memory_space<hbm>> -> memref<128xi32, #tpu.memory_space<hbm>>
        tpu.wait_dma2 semaphore(%run_scoped3A : memref<!tpu.dma_semaphore, #tpu.memory_space<semaphore_mem>>) src(%dma_wait3A_294 : memref<128xi32, #tpu.memory_space<hbm>>) dst(%arg20 : memref<128xi32, #tpu.memory_space<vmem>>)
        tpu.yield
      }) : () -> ()
      %dma_start3A_195 = arith.constant 0 : i32
      %dma_start3A_196 = arith.constant 0 : i32
      %dma_start3A_197 = tpu.memref_slice %arg2[%dma_start3A_195, %dma_start3A_196] : memref<10000x48xf32, #tpu.memory_space<hbm>> -> memref<10000x48xf32, #tpu.memory_space<hbm>>
      tpu.enqueue_indirect_dma source(%dma_start3A_197 : memref<10000x48xf32, #tpu.memory_space<hbm>>) target(%arg28 : memref<128x48xf32, #tpu.memory_space<vmem>>) offsets(%arg12 : memref<128xi32, #tpu.memory_space<vmem>>) semaphore(%arg37 : memref<!tpu.dma_semaphore, #tpu.memory_space<semaphore_mem>>)
      %add3A_198 = arith.constant 6 : i32
      %add3A_199 = arith.addi %add3A_156, %add3A_198 : i32
      "tpu.region"() ({
        %run_scoped3A = tpu.sem_alloc : memref<!tpu.dma_semaphore, #tpu.memory_space<semaphore_mem>>
        %dma_start3A_283 = arith.constant 0 : i32
        %dma_start3A_284 = tpu.memref_slice %arg3[%add3A_199, %dma_start3A_283] : memref<2500x128xi32, #tpu.memory_space<hbm>> -> memref<1x128xi32, #tpu.memory_space<hbm>>
        %dma_start3A_285 = tpu.memref_squeeze %dma_start3A_284 : memref<1x128xi32, #tpu.memory_space<hbm>> -> memref<128xi32, #tpu.memory_space<hbm>>
        %dma_start3A_286 = arith.constant 0 : i32
        %dma_start3A_287 = tpu.memref_slice %arg3[%add3A_199, %dma_start3A_286] : memref<2500x128xi32, #tpu.memory_space<hbm>> -> memref<1x128xi32, #tpu.memory_space<hbm>>
        %dma_start3A_288 = tpu.memref_squeeze %dma_start3A_287 : memref<1x128xi32, #tpu.memory_space<hbm>> -> memref<128xi32, #tpu.memory_space<hbm>>
        tpu.enqueue_dma source(%dma_start3A_288 : memref<128xi32, #tpu.memory_space<hbm>>) target(%arg13 : memref<128xi32, #tpu.memory_space<vmem>>) target_semaphore(%run_scoped3A : memref<!tpu.dma_semaphore, #tpu.memory_space<semaphore_mem>>)
        %dma_wait3A_289 = arith.constant 0 : i32
        %dma_wait3A_290 = tpu.memref_slice %arg3[%add3A_199, %dma_wait3A_289] : memref<2500x128xi32, #tpu.memory_space<hbm>> -> memref<1x128xi32, #tpu.memory_space<hbm>>
        %dma_wait3A_291 = tpu.memref_squeeze %dma_wait3A_290 : memref<1x128xi32, #tpu.memory_space<hbm>> -> memref<128xi32, #tpu.memory_space<hbm>>
        %dma_wait3A_292 = arith.constant 0 : i32
        %dma_wait3A_293 = tpu.memref_slice %arg3[%add3A_199, %dma_wait3A_292] : memref<2500x128xi32, #tpu.memory_space<hbm>> -> memref<1x128xi32, #tpu.memory_space<hbm>>
        %dma_wait3A_294 = tpu.memref_squeeze %dma_wait3A_293 : memref<1x128xi32, #tpu.memory_space<hbm>> -> memref<128xi32, #tpu.memory_space<hbm>>
        tpu.wait_dma2 semaphore(%run_scoped3A : memref<!tpu.dma_semaphore, #tpu.memory_space<semaphore_mem>>) src(%dma_wait3A_294 : memref<128xi32, #tpu.memory_space<hbm>>) dst(%arg13 : memref<128xi32, #tpu.memory_space<vmem>>)
        tpu.yield
      }) : () -> ()
      %add3A_200 = arith.constant 6 : i32
      %add3A_201 = arith.addi %add3A_156, %add3A_200 : i32
      "tpu.region"() ({
        %run_scoped3A = tpu.sem_alloc : memref<!tpu.dma_semaphore, #tpu.memory_space<semaphore_mem>>
        %dma_start3A_283 = arith.constant 0 : i32
        %dma_start3A_284 = tpu.memref_slice %arg4[%add3A_201, %dma_start3A_283] : memref<2500x128xi32, #tpu.memory_space<hbm>> -> memref<1x128xi32, #tpu.memory_space<hbm>>
        %dma_start3A_285 = tpu.memref_squeeze %dma_start3A_284 : memref<1x128xi32, #tpu.memory_space<hbm>> -> memref<128xi32, #tpu.memory_space<hbm>>
        %dma_start3A_286 = arith.constant 0 : i32
        %dma_start3A_287 = tpu.memref_slice %arg4[%add3A_201, %dma_start3A_286] : memref<2500x128xi32, #tpu.memory_space<hbm>> -> memref<1x128xi32, #tpu.memory_space<hbm>>
        %dma_start3A_288 = tpu.memref_squeeze %dma_start3A_287 : memref<1x128xi32, #tpu.memory_space<hbm>> -> memref<128xi32, #tpu.memory_space<hbm>>
        tpu.enqueue_dma source(%dma_start3A_288 : memref<128xi32, #tpu.memory_space<hbm>>) target(%arg21 : memref<128xi32, #tpu.memory_space<vmem>>) target_semaphore(%run_scoped3A : memref<!tpu.dma_semaphore, #tpu.memory_space<semaphore_mem>>)
        %dma_wait3A_289 = arith.constant 0 : i32
        %dma_wait3A_290 = tpu.memref_slice %arg4[%add3A_201, %dma_wait3A_289] : memref<2500x128xi32, #tpu.memory_space<hbm>> -> memref<1x128xi32, #tpu.memory_space<hbm>>
        %dma_wait3A_291 = tpu.memref_squeeze %dma_wait3A_290 : memref<1x128xi32, #tpu.memory_space<hbm>> -> memref<128xi32, #tpu.memory_space<hbm>>
        %dma_wait3A_292 = arith.constant 0 : i32
        %dma_wait3A_293 = tpu.memref_slice %arg4[%add3A_201, %dma_wait3A_292] : memref<2500x128xi32, #tpu.memory_space<hbm>> -> memref<1x128xi32, #tpu.memory_space<hbm>>
        %dma_wait3A_294 = tpu.memref_squeeze %dma_wait3A_293 : memref<1x128xi32, #tpu.memory_space<hbm>> -> memref<128xi32, #tpu.memory_space<hbm>>
        tpu.wait_dma2 semaphore(%run_scoped3A : memref<!tpu.dma_semaphore, #tpu.memory_space<semaphore_mem>>) src(%dma_wait3A_294 : memref<128xi32, #tpu.memory_space<hbm>>) dst(%arg21 : memref<128xi32, #tpu.memory_space<vmem>>)
        tpu.yield
      }) : () -> ()
      %dma_start3A_202 = arith.constant 0 : i32
      %dma_start3A_203 = arith.constant 0 : i32
      %dma_start3A_204 = tpu.memref_slice %arg2[%dma_start3A_202, %dma_start3A_203] : memref<10000x48xf32, #tpu.memory_space<hbm>> -> memref<10000x48xf32, #tpu.memory_space<hbm>>
      tpu.enqueue_indirect_dma source(%dma_start3A_204 : memref<10000x48xf32, #tpu.memory_space<hbm>>) target(%arg29 : memref<128x48xf32, #tpu.memory_space<vmem>>) offsets(%arg13 : memref<128xi32, #tpu.memory_space<vmem>>) semaphore(%arg38 : memref<!tpu.dma_semaphore, #tpu.memory_space<semaphore_mem>>)
      %add3A_205 = arith.constant 7 : i32
      %add3A_206 = arith.addi %add3A_156, %add3A_205 : i32
      "tpu.region"() ({
        %run_scoped3A = tpu.sem_alloc : memref<!tpu.dma_semaphore, #tpu.memory_space<semaphore_mem>>
        %dma_start3A_283 = arith.constant 0 : i32
        %dma_start3A_284 = tpu.memref_slice %arg3[%add3A_206, %dma_start3A_283] : memref<2500x128xi32, #tpu.memory_space<hbm>> -> memref<1x128xi32, #tpu.memory_space<hbm>>
        %dma_start3A_285 = tpu.memref_squeeze %dma_start3A_284 : memref<1x128xi32, #tpu.memory_space<hbm>> -> memref<128xi32, #tpu.memory_space<hbm>>
        %dma_start3A_286 = arith.constant 0 : i32
        %dma_start3A_287 = tpu.memref_slice %arg3[%add3A_206, %dma_start3A_286] : memref<2500x128xi32, #tpu.memory_space<hbm>> -> memref<1x128xi32, #tpu.memory_space<hbm>>
        %dma_start3A_288 = tpu.memref_squeeze %dma_start3A_287 : memref<1x128xi32, #tpu.memory_space<hbm>> -> memref<128xi32, #tpu.memory_space<hbm>>
        tpu.enqueue_dma source(%dma_start3A_288 : memref<128xi32, #tpu.memory_space<hbm>>) target(%arg14 : memref<128xi32, #tpu.memory_space<vmem>>) target_semaphore(%run_scoped3A : memref<!tpu.dma_semaphore, #tpu.memory_space<semaphore_mem>>)
        %dma_wait3A_289 = arith.constant 0 : i32
        %dma_wait3A_290 = tpu.memref_slice %arg3[%add3A_206, %dma_wait3A_289] : memref<2500x128xi32, #tpu.memory_space<hbm>> -> memref<1x128xi32, #tpu.memory_space<hbm>>
        %dma_wait3A_291 = tpu.memref_squeeze %dma_wait3A_290 : memref<1x128xi32, #tpu.memory_space<hbm>> -> memref<128xi32, #tpu.memory_space<hbm>>
        %dma_wait3A_292 = arith.constant 0 : i32
        %dma_wait3A_293 = tpu.memref_slice %arg3[%add3A_206, %dma_wait3A_292] : memref<2500x128xi32, #tpu.memory_space<hbm>> -> memref<1x128xi32, #tpu.memory_space<hbm>>
        %dma_wait3A_294 = tpu.memref_squeeze %dma_wait3A_293 : memref<1x128xi32, #tpu.memory_space<hbm>> -> memref<128xi32, #tpu.memory_space<hbm>>
        tpu.wait_dma2 semaphore(%run_scoped3A : memref<!tpu.dma_semaphore, #tpu.memory_space<semaphore_mem>>) src(%dma_wait3A_294 : memref<128xi32, #tpu.memory_space<hbm>>) dst(%arg14 : memref<128xi32, #tpu.memory_space<vmem>>)
        tpu.yield
      }) : () -> ()
      %add3A_207 = arith.constant 7 : i32
      %add3A_208 = arith.addi %add3A_156, %add3A_207 : i32
      "tpu.region"() ({
        %run_scoped3A = tpu.sem_alloc : memref<!tpu.dma_semaphore, #tpu.memory_space<semaphore_mem>>
        %dma_start3A_283 = arith.constant 0 : i32
        %dma_start3A_284 = tpu.memref_slice %arg4[%add3A_208, %dma_start3A_283] : memref<2500x128xi32, #tpu.memory_space<hbm>> -> memref<1x128xi32, #tpu.memory_space<hbm>>
        %dma_start3A_285 = tpu.memref_squeeze %dma_start3A_284 : memref<1x128xi32, #tpu.memory_space<hbm>> -> memref<128xi32, #tpu.memory_space<hbm>>
        %dma_start3A_286 = arith.constant 0 : i32
        %dma_start3A_287 = tpu.memref_slice %arg4[%add3A_208, %dma_start3A_286] : memref<2500x128xi32, #tpu.memory_space<hbm>> -> memref<1x128xi32, #tpu.memory_space<hbm>>
        %dma_start3A_288 = tpu.memref_squeeze %dma_start3A_287 : memref<1x128xi32, #tpu.memory_space<hbm>> -> memref<128xi32, #tpu.memory_space<hbm>>
        tpu.enqueue_dma source(%dma_start3A_288 : memref<128xi32, #tpu.memory_space<hbm>>) target(%arg22 : memref<128xi32, #tpu.memory_space<vmem>>) target_semaphore(%run_scoped3A : memref<!tpu.dma_semaphore, #tpu.memory_space<semaphore_mem>>)
        %dma_wait3A_289 = arith.constant 0 : i32
        %dma_wait3A_290 = tpu.memref_slice %arg4[%add3A_208, %dma_wait3A_289] : memref<2500x128xi32, #tpu.memory_space<hbm>> -> memref<1x128xi32, #tpu.memory_space<hbm>>
        %dma_wait3A_291 = tpu.memref_squeeze %dma_wait3A_290 : memref<1x128xi32, #tpu.memory_space<hbm>> -> memref<128xi32, #tpu.memory_space<hbm>>
        %dma_wait3A_292 = arith.constant 0 : i32
        %dma_wait3A_293 = tpu.memref_slice %arg4[%add3A_208, %dma_wait3A_292] : memref<2500x128xi32, #tpu.memory_space<hbm>> -> memref<1x128xi32, #tpu.memory_space<hbm>>
        %dma_wait3A_294 = tpu.memref_squeeze %dma_wait3A_293 : memref<1x128xi32, #tpu.memory_space<hbm>> -> memref<128xi32, #tpu.memory_space<hbm>>
        tpu.wait_dma2 semaphore(%run_scoped3A : memref<!tpu.dma_semaphore, #tpu.memory_space<semaphore_mem>>) src(%dma_wait3A_294 : memref<128xi32, #tpu.memory_space<hbm>>) dst(%arg22 : memref<128xi32, #tpu.memory_space<vmem>>)
        tpu.yield
      }) : () -> ()
      %dma_start3A_209 = arith.constant 0 : i32
      %dma_start3A_210 = arith.constant 0 : i32
      %dma_start3A_211 = tpu.memref_slice %arg2[%dma_start3A_209, %dma_start3A_210] : memref<10000x48xf32, #tpu.memory_space<hbm>> -> memref<10000x48xf32, #tpu.memory_space<hbm>>
      tpu.enqueue_indirect_dma source(%dma_start3A_211 : memref<10000x48xf32, #tpu.memory_space<hbm>>) target(%arg30 : memref<128x48xf32, #tpu.memory_space<vmem>>) offsets(%arg14 : memref<128xi32, #tpu.memory_space<vmem>>) semaphore(%arg39 : memref<!tpu.dma_semaphore, #tpu.memory_space<semaphore_mem>>)
      %dma_wait3A = arith.constant 0 : i32
      %dma_wait3A_212 = arith.constant 0 : i32
      %dma_wait3A_213 = tpu.memref_slice %arg2[%dma_wait3A, %dma_wait3A_212] : memref<10000x48xf32, #tpu.memory_space<hbm>> -> memref<10000x48xf32, #tpu.memory_space<hbm>>
      tpu.wait_indirect_dma semaphore(%arg32 : memref<!tpu.dma_semaphore, #tpu.memory_space<semaphore_mem>>) src(%dma_wait3A_213 : memref<10000x48xf32, #tpu.memory_space<hbm>>) dst(%arg23 : memref<128x48xf32, #tpu.memory_space<vmem>>)
      %dma_start3A_214 = arith.constant 0 : i32
      %dma_start3A_215 = arith.constant 0 : i32
      %dma_start3A_216 = tpu.memref_slice %arg31[%dma_start3A_214, %dma_start3A_215] : memref<10112x48xf32, #tpu.memory_space<vmem_shared>> -> memref<10112x48xf32, #tpu.memory_space<vmem_shared>>
      tpu.enqueue_indirect_dma source(%arg23 : memref<128x48xf32, #tpu.memory_space<vmem>>) target(%dma_start3A_216 : memref<10112x48xf32, #tpu.memory_space<vmem_shared>>) offsets(%arg15 : memref<128xi32, #tpu.memory_space<vmem>>) semaphore(%arg40 : memref<!tpu.dma_semaphore, #tpu.memory_space<semaphore_mem>>) {add = true}
      %dma_wait3A_217 = arith.constant 0 : i32
      %dma_wait3A_218 = arith.constant 0 : i32
      %dma_wait3A_219 = tpu.memref_slice %arg2[%dma_wait3A_217, %dma_wait3A_218] : memref<10000x48xf32, #tpu.memory_space<hbm>> -> memref<10000x48xf32, #tpu.memory_space<hbm>>
      tpu.wait_indirect_dma semaphore(%arg33 : memref<!tpu.dma_semaphore, #tpu.memory_space<semaphore_mem>>) src(%dma_wait3A_219 : memref<10000x48xf32, #tpu.memory_space<hbm>>) dst(%arg24 : memref<128x48xf32, #tpu.memory_space<vmem>>)
      %dma_start3A_220 = arith.constant 0 : i32
      %dma_start3A_221 = arith.constant 0 : i32
      %dma_start3A_222 = tpu.memref_slice %arg31[%dma_start3A_220, %dma_start3A_221] : memref<10112x48xf32, #tpu.memory_space<vmem_shared>> -> memref<10112x48xf32, #tpu.memory_space<vmem_shared>>
      tpu.enqueue_indirect_dma source(%arg24 : memref<128x48xf32, #tpu.memory_space<vmem>>) target(%dma_start3A_222 : memref<10112x48xf32, #tpu.memory_space<vmem_shared>>) offsets(%arg16 : memref<128xi32, #tpu.memory_space<vmem>>) semaphore(%arg41 : memref<!tpu.dma_semaphore, #tpu.memory_space<semaphore_mem>>) {add = true}
      %dma_wait3A_223 = arith.constant 0 : i32
      %dma_wait3A_224 = arith.constant 0 : i32
      %dma_wait3A_225 = tpu.memref_slice %arg2[%dma_wait3A_223, %dma_wait3A_224] : memref<10000x48xf32, #tpu.memory_space<hbm>> -> memref<10000x48xf32, #tpu.memory_space<hbm>>
      tpu.wait_indirect_dma semaphore(%arg34 : memref<!tpu.dma_semaphore, #tpu.memory_space<semaphore_mem>>) src(%dma_wait3A_225 : memref<10000x48xf32, #tpu.memory_space<hbm>>) dst(%arg25 : memref<128x48xf32, #tpu.memory_space<vmem>>)
      %dma_start3A_226 = arith.constant 0 : i32
      %dma_start3A_227 = arith.constant 0 : i32
      %dma_start3A_228 = tpu.memref_slice %arg31[%dma_start3A_226, %dma_start3A_227] : memref<10112x48xf32, #tpu.memory_space<vmem_shared>> -> memref<10112x48xf32, #tpu.memory_space<vmem_shared>>
      tpu.enqueue_indirect_dma source(%arg25 : memref<128x48xf32, #tpu.memory_space<vmem>>) target(%dma_start3A_228 : memref<10112x48xf32, #tpu.memory_space<vmem_shared>>) offsets(%arg17 : memref<128xi32, #tpu.memory_space<vmem>>) semaphore(%arg42 : memref<!tpu.dma_semaphore, #tpu.memory_space<semaphore_mem>>) {add = true}
      %dma_wait3A_229 = arith.constant 0 : i32
      %dma_wait3A_230 = arith.constant 0 : i32
      %dma_wait3A_231 = tpu.memref_slice %arg2[%dma_wait3A_229, %dma_wait3A_230] : memref<10000x48xf32, #tpu.memory_space<hbm>> -> memref<10000x48xf32, #tpu.memory_space<hbm>>
      tpu.wait_indirect_dma semaphore(%arg35 : memref<!tpu.dma_semaphore, #tpu.memory_space<semaphore_mem>>) src(%dma_wait3A_231 : memref<10000x48xf32, #tpu.memory_space<hbm>>) dst(%arg26 : memref<128x48xf32, #tpu.memory_space<vmem>>)
      %dma_start3A_232 = arith.constant 0 : i32
      %dma_start3A_233 = arith.constant 0 : i32
      %dma_start3A_234 = tpu.memref_slice %arg31[%dma_start3A_232, %dma_start3A_233] : memref<10112x48xf32, #tpu.memory_space<vmem_shared>> -> memref<10112x48xf32, #tpu.memory_space<vmem_shared>>
      tpu.enqueue_indirect_dma source(%arg26 : memref<128x48xf32, #tpu.memory_space<vmem>>) target(%dma_start3A_234 : memref<10112x48xf32, #tpu.memory_space<vmem_shared>>) offsets(%arg18 : memref<128xi32, #tpu.memory_space<vmem>>) semaphore(%arg43 : memref<!tpu.dma_semaphore, #tpu.memory_space<semaphore_mem>>) {add = true}
      %dma_wait3A_235 = arith.constant 0 : i32
      %dma_wait3A_236 = arith.constant 0 : i32
      %dma_wait3A_237 = tpu.memref_slice %arg2[%dma_wait3A_235, %dma_wait3A_236] : memref<10000x48xf32, #tpu.memory_space<hbm>> -> memref<10000x48xf32, #tpu.memory_space<hbm>>
      tpu.wait_indirect_dma semaphore(%arg36 : memref<!tpu.dma_semaphore, #tpu.memory_space<semaphore_mem>>) src(%dma_wait3A_237 : memref<10000x48xf32, #tpu.memory_space<hbm>>) dst(%arg27 : memref<128x48xf32, #tpu.memory_space<vmem>>)
      %dma_start3A_238 = arith.constant 0 : i32
      %dma_start3A_239 = arith.constant 0 : i32
      %dma_start3A_240 = tpu.memref_slice %arg31[%dma_start3A_238, %dma_start3A_239] : memref<10112x48xf32, #tpu.memory_space<vmem_shared>> -> memref<10112x48xf32, #tpu.memory_space<vmem_shared>>
      tpu.enqueue_indirect_dma source(%arg27 : memref<128x48xf32, #tpu.memory_space<vmem>>) target(%dma_start3A_240 : memref<10112x48xf32, #tpu.memory_space<vmem_shared>>) offsets(%arg19 : memref<128xi32, #tpu.memory_space<vmem>>) semaphore(%arg44 : memref<!tpu.dma_semaphore, #tpu.memory_space<semaphore_mem>>) {add = true}
      %dma_wait3A_241 = arith.constant 0 : i32
      %dma_wait3A_242 = arith.constant 0 : i32
      %dma_wait3A_243 = tpu.memref_slice %arg2[%dma_wait3A_241, %dma_wait3A_242] : memref<10000x48xf32, #tpu.memory_space<hbm>> -> memref<10000x48xf32, #tpu.memory_space<hbm>>
      tpu.wait_indirect_dma semaphore(%arg37 : memref<!tpu.dma_semaphore, #tpu.memory_space<semaphore_mem>>) src(%dma_wait3A_243 : memref<10000x48xf32, #tpu.memory_space<hbm>>) dst(%arg28 : memref<128x48xf32, #tpu.memory_space<vmem>>)
      %dma_start3A_244 = arith.constant 0 : i32
      %dma_start3A_245 = arith.constant 0 : i32
      %dma_start3A_246 = tpu.memref_slice %arg31[%dma_start3A_244, %dma_start3A_245] : memref<10112x48xf32, #tpu.memory_space<vmem_shared>> -> memref<10112x48xf32, #tpu.memory_space<vmem_shared>>
      tpu.enqueue_indirect_dma source(%arg28 : memref<128x48xf32, #tpu.memory_space<vmem>>) target(%dma_start3A_246 : memref<10112x48xf32, #tpu.memory_space<vmem_shared>>) offsets(%arg20 : memref<128xi32, #tpu.memory_space<vmem>>) semaphore(%arg45 : memref<!tpu.dma_semaphore, #tpu.memory_space<semaphore_mem>>) {add = true}
      %dma_wait3A_247 = arith.constant 0 : i32
      %dma_wait3A_248 = arith.constant 0 : i32
      %dma_wait3A_249 = tpu.memref_slice %arg2[%dma_wait3A_247, %dma_wait3A_248] : memref<10000x48xf32, #tpu.memory_space<hbm>> -> memref<10000x48xf32, #tpu.memory_space<hbm>>
      tpu.wait_indirect_dma semaphore(%arg38 : memref<!tpu.dma_semaphore, #tpu.memory_space<semaphore_mem>>) src(%dma_wait3A_249 : memref<10000x48xf32, #tpu.memory_space<hbm>>) dst(%arg29 : memref<128x48xf32, #tpu.memory_space<vmem>>)
      %dma_start3A_250 = arith.constant 0 : i32
      %dma_start3A_251 = arith.constant 0 : i32
      %dma_start3A_252 = tpu.memref_slice %arg31[%dma_start3A_250, %dma_start3A_251] : memref<10112x48xf32, #tpu.memory_space<vmem_shared>> -> memref<10112x48xf32, #tpu.memory_space<vmem_shared>>
      tpu.enqueue_indirect_dma source(%arg29 : memref<128x48xf32, #tpu.memory_space<vmem>>) target(%dma_start3A_252 : memref<10112x48xf32, #tpu.memory_space<vmem_shared>>) offsets(%arg21 : memref<128xi32, #tpu.memory_space<vmem>>) semaphore(%arg46 : memref<!tpu.dma_semaphore, #tpu.memory_space<semaphore_mem>>) {add = true}
      %dma_wait3A_253 = arith.constant 0 : i32
      %dma_wait3A_254 = arith.constant 0 : i32
      %dma_wait3A_255 = tpu.memref_slice %arg2[%dma_wait3A_253, %dma_wait3A_254] : memref<10000x48xf32, #tpu.memory_space<hbm>> -> memref<10000x48xf32, #tpu.memory_space<hbm>>
      tpu.wait_indirect_dma semaphore(%arg39 : memref<!tpu.dma_semaphore, #tpu.memory_space<semaphore_mem>>) src(%dma_wait3A_255 : memref<10000x48xf32, #tpu.memory_space<hbm>>) dst(%arg30 : memref<128x48xf32, #tpu.memory_space<vmem>>)
      %dma_start3A_256 = arith.constant 0 : i32
      %dma_start3A_257 = arith.constant 0 : i32
      %dma_start3A_258 = tpu.memref_slice %arg31[%dma_start3A_256, %dma_start3A_257] : memref<10112x48xf32, #tpu.memory_space<vmem_shared>> -> memref<10112x48xf32, #tpu.memory_space<vmem_shared>>
      tpu.enqueue_indirect_dma source(%arg30 : memref<128x48xf32, #tpu.memory_space<vmem>>) target(%dma_start3A_258 : memref<10112x48xf32, #tpu.memory_space<vmem_shared>>) offsets(%arg22 : memref<128xi32, #tpu.memory_space<vmem>>) semaphore(%arg47 : memref<!tpu.dma_semaphore, #tpu.memory_space<semaphore_mem>>) {add = true}
      %dma_wait3A_259 = arith.constant 0 : i32
      %dma_wait3A_260 = arith.constant 0 : i32
      %dma_wait3A_261 = tpu.memref_slice %arg31[%dma_wait3A_259, %dma_wait3A_260] : memref<10112x48xf32, #tpu.memory_space<vmem_shared>> -> memref<10112x48xf32, #tpu.memory_space<vmem_shared>>
      tpu.wait_indirect_dma semaphore(%arg40 : memref<!tpu.dma_semaphore, #tpu.memory_space<semaphore_mem>>) src(%arg23 : memref<128x48xf32, #tpu.memory_space<vmem>>) dst(%dma_wait3A_261 : memref<10112x48xf32, #tpu.memory_space<vmem_shared>>)
      %dma_wait3A_262 = arith.constant 0 : i32
      %dma_wait3A_263 = arith.constant 0 : i32
      %dma_wait3A_264 = tpu.memref_slice %arg31[%dma_wait3A_262, %dma_wait3A_263] : memref<10112x48xf32, #tpu.memory_space<vmem_shared>> -> memref<10112x48xf32, #tpu.memory_space<vmem_shared>>
      tpu.wait_indirect_dma semaphore(%arg41 : memref<!tpu.dma_semaphore, #tpu.memory_space<semaphore_mem>>) src(%arg24 : memref<128x48xf32, #tpu.memory_space<vmem>>) dst(%dma_wait3A_264 : memref<10112x48xf32, #tpu.memory_space<vmem_shared>>)
      %dma_wait3A_265 = arith.constant 0 : i32
      %dma_wait3A_266 = arith.constant 0 : i32
      %dma_wait3A_267 = tpu.memref_slice %arg31[%dma_wait3A_265, %dma_wait3A_266] : memref<10112x48xf32, #tpu.memory_space<vmem_shared>> -> memref<10112x48xf32, #tpu.memory_space<vmem_shared>>
      tpu.wait_indirect_dma semaphore(%arg42 : memref<!tpu.dma_semaphore, #tpu.memory_space<semaphore_mem>>) src(%arg25 : memref<128x48xf32, #tpu.memory_space<vmem>>) dst(%dma_wait3A_267 : memref<10112x48xf32, #tpu.memory_space<vmem_shared>>)
      %dma_wait3A_268 = arith.constant 0 : i32
      %dma_wait3A_269 = arith.constant 0 : i32
      %dma_wait3A_270 = tpu.memref_slice %arg31[%dma_wait3A_268, %dma_wait3A_269] : memref<10112x48xf32, #tpu.memory_space<vmem_shared>> -> memref<10112x48xf32, #tpu.memory_space<vmem_shared>>
      tpu.wait_indirect_dma semaphore(%arg43 : memref<!tpu.dma_semaphore, #tpu.memory_space<semaphore_mem>>) src(%arg26 : memref<128x48xf32, #tpu.memory_space<vmem>>) dst(%dma_wait3A_270 : memref<10112x48xf32, #tpu.memory_space<vmem_shared>>)
      %dma_wait3A_271 = arith.constant 0 : i32
      %dma_wait3A_272 = arith.constant 0 : i32
      %dma_wait3A_273 = tpu.memref_slice %arg31[%dma_wait3A_271, %dma_wait3A_272] : memref<10112x48xf32, #tpu.memory_space<vmem_shared>> -> memref<10112x48xf32, #tpu.memory_space<vmem_shared>>
      tpu.wait_indirect_dma semaphore(%arg44 : memref<!tpu.dma_semaphore, #tpu.memory_space<semaphore_mem>>) src(%arg27 : memref<128x48xf32, #tpu.memory_space<vmem>>) dst(%dma_wait3A_273 : memref<10112x48xf32, #tpu.memory_space<vmem_shared>>)
      %dma_wait3A_274 = arith.constant 0 : i32
      %dma_wait3A_275 = arith.constant 0 : i32
      %dma_wait3A_276 = tpu.memref_slice %arg31[%dma_wait3A_274, %dma_wait3A_275] : memref<10112x48xf32, #tpu.memory_space<vmem_shared>> -> memref<10112x48xf32, #tpu.memory_space<vmem_shared>>
      tpu.wait_indirect_dma semaphore(%arg45 : memref<!tpu.dma_semaphore, #tpu.memory_space<semaphore_mem>>) src(%arg28 : memref<128x48xf32, #tpu.memory_space<vmem>>) dst(%dma_wait3A_276 : memref<10112x48xf32, #tpu.memory_space<vmem_shared>>)
      %dma_wait3A_277 = arith.constant 0 : i32
      %dma_wait3A_278 = arith.constant 0 : i32
      %dma_wait3A_279 = tpu.memref_slice %arg31[%dma_wait3A_277, %dma_wait3A_278] : memref<10112x48xf32, #tpu.memory_space<vmem_shared>> -> memref<10112x48xf32, #tpu.memory_space<vmem_shared>>
      tpu.wait_indirect_dma semaphore(%arg46 : memref<!tpu.dma_semaphore, #tpu.memory_space<semaphore_mem>>) src(%arg29 : memref<128x48xf32, #tpu.memory_space<vmem>>) dst(%dma_wait3A_279 : memref<10112x48xf32, #tpu.memory_space<vmem_shared>>)
      %dma_wait3A_280 = arith.constant 0 : i32
      %dma_wait3A_281 = arith.constant 0 : i32
      %dma_wait3A_282 = tpu.memref_slice %arg31[%dma_wait3A_280, %dma_wait3A_281] : memref<10112x48xf32, #tpu.memory_space<vmem_shared>> -> memref<10112x48xf32, #tpu.memory_space<vmem_shared>>
      tpu.wait_indirect_dma semaphore(%arg47 : memref<!tpu.dma_semaphore, #tpu.memory_space<semaphore_mem>>) src(%arg30 : memref<128x48xf32, #tpu.memory_space<vmem>>) dst(%dma_wait3A_282 : memref<10112x48xf32, #tpu.memory_space<vmem_shared>>)
    }
    %mul3A_136 = arith.constant 8 : i32
    %mul3A_137 = arith.muli %mul3A_136, %select_n3A_126 : i32
    %add3A_138 = arith.addi %add3A_72, %mul3A_137 : i32
    %while3A_139 = arith.constant 0 : i32
    %while3A_140 = arith.subi %add3A_101, %add3A_138 : i32
    %while3A_141 = arith.addi %add3A_138, %while3A_140 : i32
    %while3A_142 = arith.constant 1 : i32
    %while3A_143 = arith.divsi %while3A_140, %while3A_142 : i32
    %while3A_144 = arith.muli %while3A_143, %while3A_142 : i32
    %while3A_145 = arith.addi %add3A_138, %while3A_144 : i32
    %while3A_146 = arith.constant 1 : i32
    scf.for %while3A_153 = %add3A_138 to %while3A_145 step %while3A_146  : i32 {
      "tpu.region"() ({
        %run_scoped3A = tpu.sem_alloc : memref<!tpu.dma_semaphore, #tpu.memory_space<semaphore_mem>>
        %dma_start3A_158 = arith.constant 0 : i32
        %dma_start3A_159 = tpu.memref_slice %arg3[%while3A_153, %dma_start3A_158] : memref<2500x128xi32, #tpu.memory_space<hbm>> -> memref<1x128xi32, #tpu.memory_space<hbm>>
        %dma_start3A_160 = tpu.memref_squeeze %dma_start3A_159 : memref<1x128xi32, #tpu.memory_space<hbm>> -> memref<128xi32, #tpu.memory_space<hbm>>
        %dma_start3A_161 = arith.constant 0 : i32
        %dma_start3A_162 = tpu.memref_slice %arg3[%while3A_153, %dma_start3A_161] : memref<2500x128xi32, #tpu.memory_space<hbm>> -> memref<1x128xi32, #tpu.memory_space<hbm>>
        %dma_start3A_163 = tpu.memref_squeeze %dma_start3A_162 : memref<1x128xi32, #tpu.memory_space<hbm>> -> memref<128xi32, #tpu.memory_space<hbm>>
        tpu.enqueue_dma source(%dma_start3A_163 : memref<128xi32, #tpu.memory_space<hbm>>) target(%arg7 : memref<128xi32, #tpu.memory_space<vmem>>) target_semaphore(%run_scoped3A : memref<!tpu.dma_semaphore, #tpu.memory_space<semaphore_mem>>)
        %dma_wait3A_164 = arith.constant 0 : i32
        %dma_wait3A_165 = tpu.memref_slice %arg3[%while3A_153, %dma_wait3A_164] : memref<2500x128xi32, #tpu.memory_space<hbm>> -> memref<1x128xi32, #tpu.memory_space<hbm>>
        %dma_wait3A_166 = tpu.memref_squeeze %dma_wait3A_165 : memref<1x128xi32, #tpu.memory_space<hbm>> -> memref<128xi32, #tpu.memory_space<hbm>>
        %dma_wait3A_167 = arith.constant 0 : i32
        %dma_wait3A_168 = tpu.memref_slice %arg3[%while3A_153, %dma_wait3A_167] : memref<2500x128xi32, #tpu.memory_space<hbm>> -> memref<1x128xi32, #tpu.memory_space<hbm>>
        %dma_wait3A_169 = tpu.memref_squeeze %dma_wait3A_168 : memref<1x128xi32, #tpu.memory_space<hbm>> -> memref<128xi32, #tpu.memory_space<hbm>>
        tpu.wait_dma2 semaphore(%run_scoped3A : memref<!tpu.dma_semaphore, #tpu.memory_space<semaphore_mem>>) src(%dma_wait3A_169 : memref<128xi32, #tpu.memory_space<hbm>>) dst(%arg7 : memref<128xi32, #tpu.memory_space<vmem>>)
        tpu.yield
      }) : () -> ()
      "tpu.region"() ({
        %run_scoped3A = tpu.sem_alloc : memref<!tpu.dma_semaphore, #tpu.memory_space<semaphore_mem>>
        %dma_start3A_158 = arith.constant 0 : i32
        %dma_start3A_159 = tpu.memref_slice %arg4[%while3A_153, %dma_start3A_158] : memref<2500x128xi32, #tpu.memory_space<hbm>> -> memref<1x128xi32, #tpu.memory_space<hbm>>
        %dma_start3A_160 = tpu.memref_squeeze %dma_start3A_159 : memref<1x128xi32, #tpu.memory_space<hbm>> -> memref<128xi32, #tpu.memory_space<hbm>>
        %dma_start3A_161 = arith.constant 0 : i32
        %dma_start3A_162 = tpu.memref_slice %arg4[%while3A_153, %dma_start3A_161] : memref<2500x128xi32, #tpu.memory_space<hbm>> -> memref<1x128xi32, #tpu.memory_space<hbm>>
        %dma_start3A_163 = tpu.memref_squeeze %dma_start3A_162 : memref<1x128xi32, #tpu.memory_space<hbm>> -> memref<128xi32, #tpu.memory_space<hbm>>
        tpu.enqueue_dma source(%dma_start3A_163 : memref<128xi32, #tpu.memory_space<hbm>>) target(%arg15 : memref<128xi32, #tpu.memory_space<vmem>>) target_semaphore(%run_scoped3A : memref<!tpu.dma_semaphore, #tpu.memory_space<semaphore_mem>>)
        %dma_wait3A_164 = arith.constant 0 : i32
        %dma_wait3A_165 = tpu.memref_slice %arg4[%while3A_153, %dma_wait3A_164] : memref<2500x128xi32, #tpu.memory_space<hbm>> -> memref<1x128xi32, #tpu.memory_space<hbm>>
        %dma_wait3A_166 = tpu.memref_squeeze %dma_wait3A_165 : memref<1x128xi32, #tpu.memory_space<hbm>> -> memref<128xi32, #tpu.memory_space<hbm>>
        %dma_wait3A_167 = arith.constant 0 : i32
        %dma_wait3A_168 = tpu.memref_slice %arg4[%while3A_153, %dma_wait3A_167] : memref<2500x128xi32, #tpu.memory_space<hbm>> -> memref<1x128xi32, #tpu.memory_space<hbm>>
        %dma_wait3A_169 = tpu.memref_squeeze %dma_wait3A_168 : memref<1x128xi32, #tpu.memory_space<hbm>> -> memref<128xi32, #tpu.memory_space<hbm>>
        tpu.wait_dma2 semaphore(%run_scoped3A : memref<!tpu.dma_semaphore, #tpu.memory_space<semaphore_mem>>) src(%dma_wait3A_169 : memref<128xi32, #tpu.memory_space<hbm>>) dst(%arg15 : memref<128xi32, #tpu.memory_space<vmem>>)
        tpu.yield
      }) : () -> ()
      %dma_start3A = arith.constant 0 : i32
      %dma_start3A_154 = arith.constant 0 : i32
      %dma_start3A_155 = tpu.memref_slice %arg2[%dma_start3A, %dma_start3A_154] : memref<10000x48xf32, #tpu.memory_space<hbm>> -> memref<10000x48xf32, #tpu.memory_space<hbm>>
      tpu.enqueue_indirect_dma source(%dma_start3A_155 : memref<10000x48xf32, #tpu.memory_space<hbm>>) target(%arg23 : memref<128x48xf32, #tpu.memory_space<vmem>>) offsets(%arg7 : memref<128xi32, #tpu.memory_space<vmem>>) semaphore(%arg32 : memref<!tpu.dma_semaphore, #tpu.memory_space<semaphore_mem>>)
      %dma_wait3A = arith.constant 0 : i32
      %dma_wait3A_156 = arith.constant 0 : i32
      %dma_wait3A_157 = tpu.memref_slice %arg2[%dma_wait3A, %dma_wait3A_156] : memref<10000x48xf32, #tpu.memory_space<hbm>> -> memref<10000x48xf32, #tpu.memory_space<hbm>>
      tpu.wait_indirect_dma semaphore(%arg32 : memref<!tpu.dma_semaphore, #tpu.memory_space<semaphore_mem>>) src(%dma_wait3A_157 : memref<10000x48xf32, #tpu.memory_space<hbm>>) dst(%arg23 : memref<128x48xf32, #tpu.memory_space<vmem>>)
      "tpu.region"() ({
        %run_scoped3A = tpu.sem_alloc : memref<!tpu.dma_semaphore, #tpu.memory_space<semaphore_mem>>
        %dma_start3A_158 = arith.constant 0 : i32
        %dma_start3A_159 = arith.constant 0 : i32
        %dma_start3A_160 = tpu.memref_slice %arg31[%dma_start3A_158, %dma_start3A_159] : memref<10112x48xf32, #tpu.memory_space<vmem_shared>> -> memref<10112x48xf32, #tpu.memory_space<vmem_shared>>
        tpu.enqueue_indirect_dma source(%arg23 : memref<128x48xf32, #tpu.memory_space<vmem>>) target(%dma_start3A_160 : memref<10112x48xf32, #tpu.memory_space<vmem_shared>>) offsets(%arg15 : memref<128xi32, #tpu.memory_space<vmem>>) semaphore(%run_scoped3A : memref<!tpu.dma_semaphore, #tpu.memory_space<semaphore_mem>>) {add = true}
        %dma_wait3A_161 = arith.constant 0 : i32
        %dma_wait3A_162 = arith.constant 0 : i32
        %dma_wait3A_163 = tpu.memref_slice %arg31[%dma_wait3A_161, %dma_wait3A_162] : memref<10112x48xf32, #tpu.memory_space<vmem_shared>> -> memref<10112x48xf32, #tpu.memory_space<vmem_shared>>
        tpu.wait_indirect_dma semaphore(%run_scoped3A : memref<!tpu.dma_semaphore, #tpu.memory_space<semaphore_mem>>) src(%arg23 : memref<128x48xf32, #tpu.memory_space<vmem>>) dst(%dma_wait3A_163 : memref<10112x48xf32, #tpu.memory_space<vmem_shared>>)
        tpu.yield
      }) : () -> ()
    }
    %while3A_147 = arith.constant 1 : i32
    scf.for %while3A_153 = %while3A_145 to %while3A_141 step %while3A_147  : i32 {
      "tpu.region"() ({
        %run_scoped3A = tpu.sem_alloc : memref<!tpu.dma_semaphore, #tpu.memory_space<semaphore_mem>>
        %dma_start3A_158 = arith.constant 0 : i32
        %dma_start3A_159 = tpu.memref_slice %arg3[%while3A_153, %dma_start3A_158] : memref<2500x128xi32, #tpu.memory_space<hbm>> -> memref<1x128xi32, #tpu.memory_space<hbm>>
        %dma_start3A_160 = tpu.memref_squeeze %dma_start3A_159 : memref<1x128xi32, #tpu.memory_space<hbm>> -> memref<128xi32, #tpu.memory_space<hbm>>
        %dma_start3A_161 = arith.constant 0 : i32
        %dma_start3A_162 = tpu.memref_slice %arg3[%while3A_153, %dma_start3A_161] : memref<2500x128xi32, #tpu.memory_space<hbm>> -> memref<1x128xi32, #tpu.memory_space<hbm>>
        %dma_start3A_163 = tpu.memref_squeeze %dma_start3A_162 : memref<1x128xi32, #tpu.memory_space<hbm>> -> memref<128xi32, #tpu.memory_space<hbm>>
        tpu.enqueue_dma source(%dma_start3A_163 : memref<128xi32, #tpu.memory_space<hbm>>) target(%arg7 : memref<128xi32, #tpu.memory_space<vmem>>) target_semaphore(%run_scoped3A : memref<!tpu.dma_semaphore, #tpu.memory_space<semaphore_mem>>)
        %dma_wait3A_164 = arith.constant 0 : i32
        %dma_wait3A_165 = tpu.memref_slice %arg3[%while3A_153, %dma_wait3A_164] : memref<2500x128xi32, #tpu.memory_space<hbm>> -> memref<1x128xi32, #tpu.memory_space<hbm>>
        %dma_wait3A_166 = tpu.memref_squeeze %dma_wait3A_165 : memref<1x128xi32, #tpu.memory_space<hbm>> -> memref<128xi32, #tpu.memory_space<hbm>>
        %dma_wait3A_167 = arith.constant 0 : i32
        %dma_wait3A_168 = tpu.memref_slice %arg3[%while3A_153, %dma_wait3A_167] : memref<2500x128xi32, #tpu.memory_space<hbm>> -> memref<1x128xi32, #tpu.memory_space<hbm>>
        %dma_wait3A_169 = tpu.memref_squeeze %dma_wait3A_168 : memref<1x128xi32, #tpu.memory_space<hbm>> -> memref<128xi32, #tpu.memory_space<hbm>>
        tpu.wait_dma2 semaphore(%run_scoped3A : memref<!tpu.dma_semaphore, #tpu.memory_space<semaphore_mem>>) src(%dma_wait3A_169 : memref<128xi32, #tpu.memory_space<hbm>>) dst(%arg7 : memref<128xi32, #tpu.memory_space<vmem>>)
        tpu.yield
      }) : () -> ()
      "tpu.region"() ({
        %run_scoped3A = tpu.sem_alloc : memref<!tpu.dma_semaphore, #tpu.memory_space<semaphore_mem>>
        %dma_start3A_158 = arith.constant 0 : i32
        %dma_start3A_159 = tpu.memref_slice %arg4[%while3A_153, %dma_start3A_158] : memref<2500x128xi32, #tpu.memory_space<hbm>> -> memref<1x128xi32, #tpu.memory_space<hbm>>
        %dma_start3A_160 = tpu.memref_squeeze %dma_start3A_159 : memref<1x128xi32, #tpu.memory_space<hbm>> -> memref<128xi32, #tpu.memory_space<hbm>>
        %dma_start3A_161 = arith.constant 0 : i32
        %dma_start3A_162 = tpu.memref_slice %arg4[%while3A_153, %dma_start3A_161] : memref<2500x128xi32, #tpu.memory_space<hbm>> -> memref<1x128xi32, #tpu.memory_space<hbm>>
        %dma_start3A_163 = tpu.memref_squeeze %dma_start3A_162 : memref<1x128xi32, #tpu.memory_space<hbm>> -> memref<128xi32, #tpu.memory_space<hbm>>
        tpu.enqueue_dma source(%dma_start3A_163 : memref<128xi32, #tpu.memory_space<hbm>>) target(%arg15 : memref<128xi32, #tpu.memory_space<vmem>>) target_semaphore(%run_scoped3A : memref<!tpu.dma_semaphore, #tpu.memory_space<semaphore_mem>>)
        %dma_wait3A_164 = arith.constant 0 : i32
        %dma_wait3A_165 = tpu.memref_slice %arg4[%while3A_153, %dma_wait3A_164] : memref<2500x128xi32, #tpu.memory_space<hbm>> -> memref<1x128xi32, #tpu.memory_space<hbm>>
        %dma_wait3A_166 = tpu.memref_squeeze %dma_wait3A_165 : memref<1x128xi32, #tpu.memory_space<hbm>> -> memref<128xi32, #tpu.memory_space<hbm>>
        %dma_wait3A_167 = arith.constant 0 : i32
        %dma_wait3A_168 = tpu.memref_slice %arg4[%while3A_153, %dma_wait3A_167] : memref<2500x128xi32, #tpu.memory_space<hbm>> -> memref<1x128xi32, #tpu.memory_space<hbm>>
        %dma_wait3A_169 = tpu.memref_squeeze %dma_wait3A_168 : memref<1x128xi32, #tpu.memory_space<hbm>> -> memref<128xi32, #tpu.memory_space<hbm>>
        tpu.wait_dma2 semaphore(%run_scoped3A : memref<!tpu.dma_semaphore, #tpu.memory_space<semaphore_mem>>) src(%dma_wait3A_169 : memref<128xi32, #tpu.memory_space<hbm>>) dst(%arg15 : memref<128xi32, #tpu.memory_space<vmem>>)
        tpu.yield
      }) : () -> ()
      %dma_start3A = arith.constant 0 : i32
      %dma_start3A_154 = arith.constant 0 : i32
      %dma_start3A_155 = tpu.memref_slice %arg2[%dma_start3A, %dma_start3A_154] : memref<10000x48xf32, #tpu.memory_space<hbm>> -> memref<10000x48xf32, #tpu.memory_space<hbm>>
      tpu.enqueue_indirect_dma source(%dma_start3A_155 : memref<10000x48xf32, #tpu.memory_space<hbm>>) target(%arg23 : memref<128x48xf32, #tpu.memory_space<vmem>>) offsets(%arg7 : memref<128xi32, #tpu.memory_space<vmem>>) semaphore(%arg32 : memref<!tpu.dma_semaphore, #tpu.memory_space<semaphore_mem>>)
      %dma_wait3A = arith.constant 0 : i32
      %dma_wait3A_156 = arith.constant 0 : i32
      %dma_wait3A_157 = tpu.memref_slice %arg2[%dma_wait3A, %dma_wait3A_156] : memref<10000x48xf32, #tpu.memory_space<hbm>> -> memref<10000x48xf32, #tpu.memory_space<hbm>>
      tpu.wait_indirect_dma semaphore(%arg32 : memref<!tpu.dma_semaphore, #tpu.memory_space<semaphore_mem>>) src(%dma_wait3A_157 : memref<10000x48xf32, #tpu.memory_space<hbm>>) dst(%arg23 : memref<128x48xf32, #tpu.memory_space<vmem>>)
      "tpu.region"() ({
        %run_scoped3A = tpu.sem_alloc : memref<!tpu.dma_semaphore, #tpu.memory_space<semaphore_mem>>
        %dma_start3A_158 = arith.constant 0 : i32
        %dma_start3A_159 = arith.constant 0 : i32
        %dma_start3A_160 = tpu.memref_slice %arg31[%dma_start3A_158, %dma_start3A_159] : memref<10112x48xf32, #tpu.memory_space<vmem_shared>> -> memref<10112x48xf32, #tpu.memory_space<vmem_shared>>
        tpu.enqueue_indirect_dma source(%arg23 : memref<128x48xf32, #tpu.memory_space<vmem>>) target(%dma_start3A_160 : memref<10112x48xf32, #tpu.memory_space<vmem_shared>>) offsets(%arg15 : memref<128xi32, #tpu.memory_space<vmem>>) semaphore(%run_scoped3A : memref<!tpu.dma_semaphore, #tpu.memory_space<semaphore_mem>>) {add = true}
        %dma_wait3A_161 = arith.constant 0 : i32
        %dma_wait3A_162 = arith.constant 0 : i32
        %dma_wait3A_163 = tpu.memref_slice %arg31[%dma_wait3A_161, %dma_wait3A_162] : memref<10112x48xf32, #tpu.memory_space<vmem_shared>> -> memref<10112x48xf32, #tpu.memory_space<vmem_shared>>
        tpu.wait_indirect_dma semaphore(%run_scoped3A : memref<!tpu.dma_semaphore, #tpu.memory_space<semaphore_mem>>) src(%arg23 : memref<128x48xf32, #tpu.memory_space<vmem>>) dst(%dma_wait3A_163 : memref<10112x48xf32, #tpu.memory_space<vmem_shared>>)
        tpu.yield
      }) : () -> ()
    }
    %barrier3A_148 = arith.constant 0 : index
    tpu.barrier barrier_id(%barrier3A_148)
    %mul3A_149 = arith.constant 632 : i32
    %mul3A_150 = arith.muli %arg1, %mul3A_149 : i32
    %mul3A_151 = arith.constant 632 : i32
    %mul3A_152 = arith.muli %arg1, %mul3A_151 : i32
    "tpu.region"() ({
      %run_scoped3A = tpu.sem_alloc : memref<!tpu.dma_semaphore, #tpu.memory_space<semaphore_mem>>
      %dma_start3A = arith.constant 0 : i32
      %dma_start3A_153 = tpu.memref_slice %arg6[%arg0, %mul3A_152, %dma_start3A] : memref<2x10112x48xf32, #tpu.memory_space<hbm>> -> memref<1x632x48xf32, #tpu.memory_space<hbm>>
      %dma_start3A_154 = tpu.memref_squeeze %dma_start3A_153 : memref<1x632x48xf32, #tpu.memory_space<hbm>> -> memref<632x48xf32, #tpu.memory_space<hbm>>
      %dma_start3A_155 = arith.constant 0 : i32
      %dma_start3A_156 = tpu.memref_slice %arg31[%mul3A_150, %dma_start3A_155] : memref<10112x48xf32, #tpu.memory_space<vmem_shared>> -> memref<632x48xf32, #tpu.memory_space<vmem_shared>>
      tpu.enqueue_dma source(%dma_start3A_156 : memref<632x48xf32, #tpu.memory_space<vmem_shared>>) target(%dma_start3A_154 : memref<632x48xf32, #tpu.memory_space<hbm>>) target_semaphore(%run_scoped3A : memref<!tpu.dma_semaphore, #tpu.memory_space<semaphore_mem>>)
      %dma_wait3A = arith.constant 0 : i32
      %dma_wait3A_157 = tpu.memref_slice %arg6[%arg0, %mul3A_152, %dma_wait3A] : memref<2x10112x48xf32, #tpu.memory_space<hbm>> -> memref<1x632x48xf32, #tpu.memory_space<hbm>>
      %dma_wait3A_158 = tpu.memref_squeeze %dma_wait3A_157 : memref<1x632x48xf32, #tpu.memory_space<hbm>> -> memref<632x48xf32, #tpu.memory_space<hbm>>
      %dma_wait3A_159 = arith.constant 0 : i32
      %dma_wait3A_160 = tpu.memref_slice %arg31[%mul3A_150, %dma_wait3A_159] : memref<10112x48xf32, #tpu.memory_space<vmem_shared>> -> memref<632x48xf32, #tpu.memory_space<vmem_shared>>
      tpu.wait_dma2 semaphore(%run_scoped3A : memref<!tpu.dma_semaphore, #tpu.memory_space<semaphore_mem>>) src(%dma_wait3A_160 : memref<632x48xf32, #tpu.memory_space<vmem_shared>>) dst(%dma_wait3A_158 : memref<632x48xf32, #tpu.memory_space<hbm>>)
      tpu.yield
    }) : () -> ()
    return
  }
}

#map = affine_map<(d0, d1) -> (0, 0)>
#map1 = affine_map<(d0, d1) -> (0, 0, 0)>
module attributes {stable_mosaic.version = 14 : i64} {
  func.func @_edge_scatter_body(%arg0: i32, %arg1: i32, %arg2: memref<10000x144xf32, #tpu.memory_space<hbm>>, %arg3: memref<2500x128xi32, #tpu.memory_space<hbm>>, %arg4: memref<2500x128xi32, #tpu.memory_space<hbm>>, %arg5: memref<632x144xf32, #tpu.memory_space<hbm>>, %arg6: memref<2x10112x144xf32, #tpu.memory_space<hbm>>, %arg7: memref<128xi32, #tpu.memory_space<vmem>>, %arg8: memref<128xi32, #tpu.memory_space<vmem>>, %arg9: memref<128xi32, #tpu.memory_space<vmem>>, %arg10: memref<128xi32, #tpu.memory_space<vmem>>, %arg11: memref<128x144xf32, #tpu.memory_space<vmem>>, %arg12: memref<128x144xf32, #tpu.memory_space<vmem>>, %arg13: memref<10112x144xf32, #tpu.memory_space<vmem_shared>>, %arg14: memref<!tpu.dma_semaphore, #tpu.memory_space<semaphore_mem>>, %arg15: memref<!tpu.dma_semaphore, #tpu.memory_space<semaphore_mem>>, %arg16: memref<!tpu.dma_semaphore, #tpu.memory_space<semaphore_mem>>, %arg17: memref<!tpu.dma_semaphore, #tpu.memory_space<semaphore_mem>>) attributes {dimension_semantics = [#tpu.dimension_semantics<core_parallel>, #tpu.dimension_semantics<subcore_parallel>], iteration_bounds = array<i64: 2, 16>, scalar_prefetch = 0 : i64, scratch_operands = 11 : i64, tpu.core_type = #tpu.core_type<sc_vector_subcore>, window_params = [{transform_indices = #map}, {transform_indices = #map}, {transform_indices = #map}, {transform_indices = #map}, {transform_indices = #map1}]} {
    %mul3A = arith.constant 632 : i32
    %mul3A_0 = arith.muli %arg1, %mul3A : i32
    "tpu.region"() ({
      %run_scoped3A = tpu.sem_alloc : memref<!tpu.dma_semaphore, #tpu.memory_space<semaphore_mem>>
      %dma_start3A = arith.constant 0 : i32
      %dma_start3A_153 = tpu.memref_slice %arg13[%mul3A_0, %dma_start3A] : memref<10112x144xf32, #tpu.memory_space<vmem_shared>> -> memref<632x144xf32, #tpu.memory_space<vmem_shared>>
      tpu.enqueue_dma source(%arg5 : memref<632x144xf32, #tpu.memory_space<hbm>>) target(%dma_start3A_153 : memref<632x144xf32, #tpu.memory_space<vmem_shared>>) target_semaphore(%run_scoped3A : memref<!tpu.dma_semaphore, #tpu.memory_space<semaphore_mem>>)
      %dma_wait3A = arith.constant 0 : i32
      %dma_wait3A_154 = tpu.memref_slice %arg13[%mul3A_0, %dma_wait3A] : memref<10112x144xf32, #tpu.memory_space<vmem_shared>> -> memref<632x144xf32, #tpu.memory_space<vmem_shared>>
      tpu.wait_dma2 semaphore(%run_scoped3A : memref<!tpu.dma_semaphore, #tpu.memory_space<semaphore_mem>>) src(%arg5 : memref<632x144xf32, #tpu.memory_space<hbm>>) dst(%dma_wait3A_154 : memref<632x144xf32, #tpu.memory_space<vmem_shared>>)
      tpu.yield
    }) : () -> ()
    %barrier3A = arith.constant 0 : index
    tpu.barrier barrier_id(%barrier3A)
    %mul3A_1 = arith.constant 2500 : i32
    %mul3A_2 = arith.muli %arg0, %mul3A_1 : i32
    %jit3A = arith.constant 2 : i32
    %div3A = arith.divsi %mul3A_2, %jit3A : i32
    %sign3A = arith.constant 0 : i32
    %sign3A_3 = arith.cmpi sgt, %mul3A_2, %sign3A : i32
    %sign3A_4 = arith.extui %sign3A_3 : i1 to i32
    %sign3A_5 = arith.constant 0 : i32
    %sign3A_6 = arith.cmpi slt, %mul3A_2, %sign3A_5 : i32
    %sign3A_7 = arith.extui %sign3A_6 : i1 to i32
    %sign3A_8 = arith.subi %sign3A_4, %sign3A_7 : i32
    %sign3A_9 = arith.constant 0 : i32
    %sign3A_10 = arith.cmpi sgt, %jit3A, %sign3A_9 : i32
    %sign3A_11 = arith.extui %sign3A_10 : i1 to i32
    %sign3A_12 = arith.constant 0 : i32
    %sign3A_13 = arith.cmpi slt, %jit3A, %sign3A_12 : i32
    %sign3A_14 = arith.extui %sign3A_13 : i1 to i32
    %sign3A_15 = arith.subi %sign3A_11, %sign3A_14 : i32
    %ne3A = arith.cmpi ne, %sign3A_8, %sign3A_15 : i32
    %rem3A = arith.remsi %mul3A_2, %jit3A : i32
    %ne3A_16 = arith.constant 0 : i32
    %ne3A_17 = arith.cmpi ne, %rem3A, %ne3A_16 : i32
    %and3A = arith.andi %ne3A, %ne3A_17 : i1
    %sub3A = arith.constant 1 : i32
    %sub3A_18 = arith.subi %div3A, %sub3A : i32
    %select_n3A = arith.select %and3A, %sub3A_18, %div3A : i32
    %add3A = arith.constant 1 : i32
    %add3A_19 = arith.addi %arg0, %add3A : i32
    %mul3A_20 = arith.constant 2500 : i32
    %mul3A_21 = arith.muli %add3A_19, %mul3A_20 : i32
    %jit3A_22 = arith.constant 2 : i32
    %div3A_23 = arith.divsi %mul3A_21, %jit3A_22 : i32
    %sign3A_24 = arith.constant 0 : i32
    %sign3A_25 = arith.cmpi sgt, %mul3A_21, %sign3A_24 : i32
    %sign3A_26 = arith.extui %sign3A_25 : i1 to i32
    %sign3A_27 = arith.constant 0 : i32
    %sign3A_28 = arith.cmpi slt, %mul3A_21, %sign3A_27 : i32
    %sign3A_29 = arith.extui %sign3A_28 : i1 to i32
    %sign3A_30 = arith.subi %sign3A_26, %sign3A_29 : i32
    %sign3A_31 = arith.constant 0 : i32
    %sign3A_32 = arith.cmpi sgt, %jit3A_22, %sign3A_31 : i32
    %sign3A_33 = arith.extui %sign3A_32 : i1 to i32
    %sign3A_34 = arith.constant 0 : i32
    %sign3A_35 = arith.cmpi slt, %jit3A_22, %sign3A_34 : i32
    %sign3A_36 = arith.extui %sign3A_35 : i1 to i32
    %sign3A_37 = arith.subi %sign3A_33, %sign3A_36 : i32
    %ne3A_38 = arith.cmpi ne, %sign3A_30, %sign3A_37 : i32
    %rem3A_39 = arith.remsi %mul3A_21, %jit3A_22 : i32
    %ne3A_40 = arith.constant 0 : i32
    %ne3A_41 = arith.cmpi ne, %rem3A_39, %ne3A_40 : i32
    %and3A_42 = arith.andi %ne3A_38, %ne3A_41 : i1
    %sub3A_43 = arith.constant 1 : i32
    %sub3A_44 = arith.subi %div3A_23, %sub3A_43 : i32
    %select_n3A_45 = arith.select %and3A_42, %sub3A_44, %div3A_23 : i32
    %sub3A_46 = arith.subi %select_n3A_45, %select_n3A : i32
    %mul3A_47 = arith.muli %arg1, %sub3A_46 : i32
    %jit3A_48 = arith.constant 16 : i32
    %div3A_49 = arith.divsi %mul3A_47, %jit3A_48 : i32
    %sign3A_50 = arith.constant 0 : i32
    %sign3A_51 = arith.cmpi sgt, %mul3A_47, %sign3A_50 : i32
    %sign3A_52 = arith.extui %sign3A_51 : i1 to i32
    %sign3A_53 = arith.constant 0 : i32
    %sign3A_54 = arith.cmpi slt, %mul3A_47, %sign3A_53 : i32
    %sign3A_55 = arith.extui %sign3A_54 : i1 to i32
    %sign3A_56 = arith.subi %sign3A_52, %sign3A_55 : i32
    %sign3A_57 = arith.constant 0 : i32
    %sign3A_58 = arith.cmpi sgt, %jit3A_48, %sign3A_57 : i32
    %sign3A_59 = arith.extui %sign3A_58 : i1 to i32
    %sign3A_60 = arith.constant 0 : i32
    %sign3A_61 = arith.cmpi slt, %jit3A_48, %sign3A_60 : i32
    %sign3A_62 = arith.extui %sign3A_61 : i1 to i32
    %sign3A_63 = arith.subi %sign3A_59, %sign3A_62 : i32
    %ne3A_64 = arith.cmpi ne, %sign3A_56, %sign3A_63 : i32
    %rem3A_65 = arith.remsi %mul3A_47, %jit3A_48 : i32
    %ne3A_66 = arith.constant 0 : i32
    %ne3A_67 = arith.cmpi ne, %rem3A_65, %ne3A_66 : i32
    %and3A_68 = arith.andi %ne3A_64, %ne3A_67 : i1
    %sub3A_69 = arith.constant 1 : i32
    %sub3A_70 = arith.subi %div3A_49, %sub3A_69 : i32
    %select_n3A_71 = arith.select %and3A_68, %sub3A_70, %div3A_49 : i32
    %add3A_72 = arith.addi %select_n3A, %select_n3A_71 : i32
    %add3A_73 = arith.constant 1 : i32
    %add3A_74 = arith.addi %arg1, %add3A_73 : i32
    %sub3A_75 = arith.subi %select_n3A_45, %select_n3A : i32
    %mul3A_76 = arith.muli %add3A_74, %sub3A_75 : i32
    %jit3A_77 = arith.constant 16 : i32
    %div3A_78 = arith.divsi %mul3A_76, %jit3A_77 : i32
    %sign3A_79 = arith.constant 0 : i32
    %sign3A_80 = arith.cmpi sgt, %mul3A_76, %sign3A_79 : i32
    %sign3A_81 = arith.extui %sign3A_80 : i1 to i32
    %sign3A_82 = arith.constant 0 : i32
    %sign3A_83 = arith.cmpi slt, %mul3A_76, %sign3A_82 : i32
    %sign3A_84 = arith.extui %sign3A_83 : i1 to i32
    %sign3A_85 = arith.subi %sign3A_81, %sign3A_84 : i32
    %sign3A_86 = arith.constant 0 : i32
    %sign3A_87 = arith.cmpi sgt, %jit3A_77, %sign3A_86 : i32
    %sign3A_88 = arith.extui %sign3A_87 : i1 to i32
    %sign3A_89 = arith.constant 0 : i32
    %sign3A_90 = arith.cmpi slt, %jit3A_77, %sign3A_89 : i32
    %sign3A_91 = arith.extui %sign3A_90 : i1 to i32
    %sign3A_92 = arith.subi %sign3A_88, %sign3A_91 : i32
    %ne3A_93 = arith.cmpi ne, %sign3A_85, %sign3A_92 : i32
    %rem3A_94 = arith.remsi %mul3A_76, %jit3A_77 : i32
    %ne3A_95 = arith.constant 0 : i32
    %ne3A_96 = arith.cmpi ne, %rem3A_94, %ne3A_95 : i32
    %and3A_97 = arith.andi %ne3A_93, %ne3A_96 : i1
    %sub3A_98 = arith.constant 1 : i32
    %sub3A_99 = arith.subi %div3A_78, %sub3A_98 : i32
    %select_n3A_100 = arith.select %and3A_97, %sub3A_99, %div3A_78 : i32
    %add3A_101 = arith.addi %select_n3A, %select_n3A_100 : i32
    %sub3A_102 = arith.subi %add3A_101, %add3A_72 : i32
    %jit3A_103 = arith.constant 2 : i32
    %div3A_104 = arith.divsi %sub3A_102, %jit3A_103 : i32
    %sign3A_105 = arith.constant 0 : i32
    %sign3A_106 = arith.cmpi sgt, %sub3A_102, %sign3A_105 : i32
    %sign3A_107 = arith.extui %sign3A_106 : i1 to i32
    %sign3A_108 = arith.constant 0 : i32
    %sign3A_109 = arith.cmpi slt, %sub3A_102, %sign3A_108 : i32
    %sign3A_110 = arith.extui %sign3A_109 : i1 to i32
    %sign3A_111 = arith.subi %sign3A_107, %sign3A_110 : i32
    %sign3A_112 = arith.constant 0 : i32
    %sign3A_113 = arith.cmpi sgt, %jit3A_103, %sign3A_112 : i32
    %sign3A_114 = arith.extui %sign3A_113 : i1 to i32
    %sign3A_115 = arith.constant 0 : i32
    %sign3A_116 = arith.cmpi slt, %jit3A_103, %sign3A_115 : i32
    %sign3A_117 = arith.extui %sign3A_116 : i1 to i32
    %sign3A_118 = arith.subi %sign3A_114, %sign3A_117 : i32
    %ne3A_119 = arith.cmpi ne, %sign3A_111, %sign3A_118 : i32
    %rem3A_120 = arith.remsi %sub3A_102, %jit3A_103 : i32
    %ne3A_121 = arith.constant 0 : i32
    %ne3A_122 = arith.cmpi ne, %rem3A_120, %ne3A_121 : i32
    %and3A_123 = arith.andi %ne3A_119, %ne3A_122 : i1
    %sub3A_124 = arith.constant 1 : i32
    %sub3A_125 = arith.subi %div3A_104, %sub3A_124 : i32
    %select_n3A_126 = arith.select %and3A_123, %sub3A_125, %div3A_104 : i32
    %while3A = arith.constant 0 : i32
    %while3A_127 = arith.constant 0 : i32
    %while3A_128 = arith.subi %select_n3A_126, %while3A_127 : i32
    %while3A_129 = arith.addi %while3A_127, %while3A_128 : i32
    %while3A_130 = arith.constant 1 : i32
    %while3A_131 = arith.divsi %while3A_128, %while3A_130 : i32
    %while3A_132 = arith.muli %while3A_131, %while3A_130 : i32
    %while3A_133 = arith.addi %while3A_127, %while3A_132 : i32
    %while3A_134 = arith.constant 1 : i32
    scf.for %while3A_153 = %while3A_127 to %while3A_133 step %while3A_134  : i32 {
      %mul3A_154 = arith.constant 2 : i32
      %mul3A_155 = arith.muli %mul3A_154, %while3A_153 : i32
      %add3A_156 = arith.addi %add3A_72, %mul3A_155 : i32
      %add3A_157 = arith.constant 0 : i32
      %add3A_158 = arith.addi %add3A_156, %add3A_157 : i32
      "tpu.region"() ({
        %run_scoped3A = tpu.sem_alloc : memref<!tpu.dma_semaphore, #tpu.memory_space<semaphore_mem>>
        %dma_start3A_187 = arith.constant 0 : i32
        %dma_start3A_188 = tpu.memref_slice %arg3[%add3A_158, %dma_start3A_187] : memref<2500x128xi32, #tpu.memory_space<hbm>> -> memref<1x128xi32, #tpu.memory_space<hbm>>
        %dma_start3A_189 = tpu.memref_squeeze %dma_start3A_188 : memref<1x128xi32, #tpu.memory_space<hbm>> -> memref<128xi32, #tpu.memory_space<hbm>>
        %dma_start3A_190 = arith.constant 0 : i32
        %dma_start3A_191 = tpu.memref_slice %arg3[%add3A_158, %dma_start3A_190] : memref<2500x128xi32, #tpu.memory_space<hbm>> -> memref<1x128xi32, #tpu.memory_space<hbm>>
        %dma_start3A_192 = tpu.memref_squeeze %dma_start3A_191 : memref<1x128xi32, #tpu.memory_space<hbm>> -> memref<128xi32, #tpu.memory_space<hbm>>
        tpu.enqueue_dma source(%dma_start3A_192 : memref<128xi32, #tpu.memory_space<hbm>>) target(%arg7 : memref<128xi32, #tpu.memory_space<vmem>>) target_semaphore(%run_scoped3A : memref<!tpu.dma_semaphore, #tpu.memory_space<semaphore_mem>>)
        %dma_wait3A_193 = arith.constant 0 : i32
        %dma_wait3A_194 = tpu.memref_slice %arg3[%add3A_158, %dma_wait3A_193] : memref<2500x128xi32, #tpu.memory_space<hbm>> -> memref<1x128xi32, #tpu.memory_space<hbm>>
        %dma_wait3A_195 = tpu.memref_squeeze %dma_wait3A_194 : memref<1x128xi32, #tpu.memory_space<hbm>> -> memref<128xi32, #tpu.memory_space<hbm>>
        %dma_wait3A_196 = arith.constant 0 : i32
        %dma_wait3A_197 = tpu.memref_slice %arg3[%add3A_158, %dma_wait3A_196] : memref<2500x128xi32, #tpu.memory_space<hbm>> -> memref<1x128xi32, #tpu.memory_space<hbm>>
        %dma_wait3A_198 = tpu.memref_squeeze %dma_wait3A_197 : memref<1x128xi32, #tpu.memory_space<hbm>> -> memref<128xi32, #tpu.memory_space<hbm>>
        tpu.wait_dma2 semaphore(%run_scoped3A : memref<!tpu.dma_semaphore, #tpu.memory_space<semaphore_mem>>) src(%dma_wait3A_198 : memref<128xi32, #tpu.memory_space<hbm>>) dst(%arg7 : memref<128xi32, #tpu.memory_space<vmem>>)
        tpu.yield
      }) : () -> ()
      %add3A_159 = arith.constant 0 : i32
      %add3A_160 = arith.addi %add3A_156, %add3A_159 : i32
      "tpu.region"() ({
        %run_scoped3A = tpu.sem_alloc : memref<!tpu.dma_semaphore, #tpu.memory_space<semaphore_mem>>
        %dma_start3A_187 = arith.constant 0 : i32
        %dma_start3A_188 = tpu.memref_slice %arg4[%add3A_160, %dma_start3A_187] : memref<2500x128xi32, #tpu.memory_space<hbm>> -> memref<1x128xi32, #tpu.memory_space<hbm>>
        %dma_start3A_189 = tpu.memref_squeeze %dma_start3A_188 : memref<1x128xi32, #tpu.memory_space<hbm>> -> memref<128xi32, #tpu.memory_space<hbm>>
        %dma_start3A_190 = arith.constant 0 : i32
        %dma_start3A_191 = tpu.memref_slice %arg4[%add3A_160, %dma_start3A_190] : memref<2500x128xi32, #tpu.memory_space<hbm>> -> memref<1x128xi32, #tpu.memory_space<hbm>>
        %dma_start3A_192 = tpu.memref_squeeze %dma_start3A_191 : memref<1x128xi32, #tpu.memory_space<hbm>> -> memref<128xi32, #tpu.memory_space<hbm>>
        tpu.enqueue_dma source(%dma_start3A_192 : memref<128xi32, #tpu.memory_space<hbm>>) target(%arg9 : memref<128xi32, #tpu.memory_space<vmem>>) target_semaphore(%run_scoped3A : memref<!tpu.dma_semaphore, #tpu.memory_space<semaphore_mem>>)
        %dma_wait3A_193 = arith.constant 0 : i32
        %dma_wait3A_194 = tpu.memref_slice %arg4[%add3A_160, %dma_wait3A_193] : memref<2500x128xi32, #tpu.memory_space<hbm>> -> memref<1x128xi32, #tpu.memory_space<hbm>>
        %dma_wait3A_195 = tpu.memref_squeeze %dma_wait3A_194 : memref<1x128xi32, #tpu.memory_space<hbm>> -> memref<128xi32, #tpu.memory_space<hbm>>
        %dma_wait3A_196 = arith.constant 0 : i32
        %dma_wait3A_197 = tpu.memref_slice %arg4[%add3A_160, %dma_wait3A_196] : memref<2500x128xi32, #tpu.memory_space<hbm>> -> memref<1x128xi32, #tpu.memory_space<hbm>>
        %dma_wait3A_198 = tpu.memref_squeeze %dma_wait3A_197 : memref<1x128xi32, #tpu.memory_space<hbm>> -> memref<128xi32, #tpu.memory_space<hbm>>
        tpu.wait_dma2 semaphore(%run_scoped3A : memref<!tpu.dma_semaphore, #tpu.memory_space<semaphore_mem>>) src(%dma_wait3A_198 : memref<128xi32, #tpu.memory_space<hbm>>) dst(%arg9 : memref<128xi32, #tpu.memory_space<vmem>>)
        tpu.yield
      }) : () -> ()
      %dma_start3A = arith.constant 0 : i32
      %dma_start3A_161 = arith.constant 0 : i32
      %dma_start3A_162 = tpu.memref_slice %arg2[%dma_start3A, %dma_start3A_161] : memref<10000x144xf32, #tpu.memory_space<hbm>> -> memref<10000x144xf32, #tpu.memory_space<hbm>>
      tpu.enqueue_indirect_dma source(%dma_start3A_162 : memref<10000x144xf32, #tpu.memory_space<hbm>>) target(%arg11 : memref<128x144xf32, #tpu.memory_space<vmem>>) offsets(%arg7 : memref<128xi32, #tpu.memory_space<vmem>>) semaphore(%arg14 : memref<!tpu.dma_semaphore, #tpu.memory_space<semaphore_mem>>)
      %add3A_163 = arith.constant 1 : i32
      %add3A_164 = arith.addi %add3A_156, %add3A_163 : i32
      "tpu.region"() ({
        %run_scoped3A = tpu.sem_alloc : memref<!tpu.dma_semaphore, #tpu.memory_space<semaphore_mem>>
        %dma_start3A_187 = arith.constant 0 : i32
        %dma_start3A_188 = tpu.memref_slice %arg3[%add3A_164, %dma_start3A_187] : memref<2500x128xi32, #tpu.memory_space<hbm>> -> memref<1x128xi32, #tpu.memory_space<hbm>>
        %dma_start3A_189 = tpu.memref_squeeze %dma_start3A_188 : memref<1x128xi32, #tpu.memory_space<hbm>> -> memref<128xi32, #tpu.memory_space<hbm>>
        %dma_start3A_190 = arith.constant 0 : i32
        %dma_start3A_191 = tpu.memref_slice %arg3[%add3A_164, %dma_start3A_190] : memref<2500x128xi32, #tpu.memory_space<hbm>> -> memref<1x128xi32, #tpu.memory_space<hbm>>
        %dma_start3A_192 = tpu.memref_squeeze %dma_start3A_191 : memref<1x128xi32, #tpu.memory_space<hbm>> -> memref<128xi32, #tpu.memory_space<hbm>>
        tpu.enqueue_dma source(%dma_start3A_192 : memref<128xi32, #tpu.memory_space<hbm>>) target(%arg8 : memref<128xi32, #tpu.memory_space<vmem>>) target_semaphore(%run_scoped3A : memref<!tpu.dma_semaphore, #tpu.memory_space<semaphore_mem>>)
        %dma_wait3A_193 = arith.constant 0 : i32
        %dma_wait3A_194 = tpu.memref_slice %arg3[%add3A_164, %dma_wait3A_193] : memref<2500x128xi32, #tpu.memory_space<hbm>> -> memref<1x128xi32, #tpu.memory_space<hbm>>
        %dma_wait3A_195 = tpu.memref_squeeze %dma_wait3A_194 : memref<1x128xi32, #tpu.memory_space<hbm>> -> memref<128xi32, #tpu.memory_space<hbm>>
        %dma_wait3A_196 = arith.constant 0 : i32
        %dma_wait3A_197 = tpu.memref_slice %arg3[%add3A_164, %dma_wait3A_196] : memref<2500x128xi32, #tpu.memory_space<hbm>> -> memref<1x128xi32, #tpu.memory_space<hbm>>
        %dma_wait3A_198 = tpu.memref_squeeze %dma_wait3A_197 : memref<1x128xi32, #tpu.memory_space<hbm>> -> memref<128xi32, #tpu.memory_space<hbm>>
        tpu.wait_dma2 semaphore(%run_scoped3A : memref<!tpu.dma_semaphore, #tpu.memory_space<semaphore_mem>>) src(%dma_wait3A_198 : memref<128xi32, #tpu.memory_space<hbm>>) dst(%arg8 : memref<128xi32, #tpu.memory_space<vmem>>)
        tpu.yield
      }) : () -> ()
      %add3A_165 = arith.constant 1 : i32
      %add3A_166 = arith.addi %add3A_156, %add3A_165 : i32
      "tpu.region"() ({
        %run_scoped3A = tpu.sem_alloc : memref<!tpu.dma_semaphore, #tpu.memory_space<semaphore_mem>>
        %dma_start3A_187 = arith.constant 0 : i32
        %dma_start3A_188 = tpu.memref_slice %arg4[%add3A_166, %dma_start3A_187] : memref<2500x128xi32, #tpu.memory_space<hbm>> -> memref<1x128xi32, #tpu.memory_space<hbm>>
        %dma_start3A_189 = tpu.memref_squeeze %dma_start3A_188 : memref<1x128xi32, #tpu.memory_space<hbm>> -> memref<128xi32, #tpu.memory_space<hbm>>
        %dma_start3A_190 = arith.constant 0 : i32
        %dma_start3A_191 = tpu.memref_slice %arg4[%add3A_166, %dma_start3A_190] : memref<2500x128xi32, #tpu.memory_space<hbm>> -> memref<1x128xi32, #tpu.memory_space<hbm>>
        %dma_start3A_192 = tpu.memref_squeeze %dma_start3A_191 : memref<1x128xi32, #tpu.memory_space<hbm>> -> memref<128xi32, #tpu.memory_space<hbm>>
        tpu.enqueue_dma source(%dma_start3A_192 : memref<128xi32, #tpu.memory_space<hbm>>) target(%arg10 : memref<128xi32, #tpu.memory_space<vmem>>) target_semaphore(%run_scoped3A : memref<!tpu.dma_semaphore, #tpu.memory_space<semaphore_mem>>)
        %dma_wait3A_193 = arith.constant 0 : i32
        %dma_wait3A_194 = tpu.memref_slice %arg4[%add3A_166, %dma_wait3A_193] : memref<2500x128xi32, #tpu.memory_space<hbm>> -> memref<1x128xi32, #tpu.memory_space<hbm>>
        %dma_wait3A_195 = tpu.memref_squeeze %dma_wait3A_194 : memref<1x128xi32, #tpu.memory_space<hbm>> -> memref<128xi32, #tpu.memory_space<hbm>>
        %dma_wait3A_196 = arith.constant 0 : i32
        %dma_wait3A_197 = tpu.memref_slice %arg4[%add3A_166, %dma_wait3A_196] : memref<2500x128xi32, #tpu.memory_space<hbm>> -> memref<1x128xi32, #tpu.memory_space<hbm>>
        %dma_wait3A_198 = tpu.memref_squeeze %dma_wait3A_197 : memref<1x128xi32, #tpu.memory_space<hbm>> -> memref<128xi32, #tpu.memory_space<hbm>>
        tpu.wait_dma2 semaphore(%run_scoped3A : memref<!tpu.dma_semaphore, #tpu.memory_space<semaphore_mem>>) src(%dma_wait3A_198 : memref<128xi32, #tpu.memory_space<hbm>>) dst(%arg10 : memref<128xi32, #tpu.memory_space<vmem>>)
        tpu.yield
      }) : () -> ()
      %dma_start3A_167 = arith.constant 0 : i32
      %dma_start3A_168 = arith.constant 0 : i32
      %dma_start3A_169 = tpu.memref_slice %arg2[%dma_start3A_167, %dma_start3A_168] : memref<10000x144xf32, #tpu.memory_space<hbm>> -> memref<10000x144xf32, #tpu.memory_space<hbm>>
      tpu.enqueue_indirect_dma source(%dma_start3A_169 : memref<10000x144xf32, #tpu.memory_space<hbm>>) target(%arg12 : memref<128x144xf32, #tpu.memory_space<vmem>>) offsets(%arg8 : memref<128xi32, #tpu.memory_space<vmem>>) semaphore(%arg15 : memref<!tpu.dma_semaphore, #tpu.memory_space<semaphore_mem>>)
      %dma_wait3A = arith.constant 0 : i32
      %dma_wait3A_170 = arith.constant 0 : i32
      %dma_wait3A_171 = tpu.memref_slice %arg2[%dma_wait3A, %dma_wait3A_170] : memref<10000x144xf32, #tpu.memory_space<hbm>> -> memref<10000x144xf32, #tpu.memory_space<hbm>>
      tpu.wait_indirect_dma semaphore(%arg14 : memref<!tpu.dma_semaphore, #tpu.memory_space<semaphore_mem>>) src(%dma_wait3A_171 : memref<10000x144xf32, #tpu.memory_space<hbm>>) dst(%arg11 : memref<128x144xf32, #tpu.memory_space<vmem>>)
      %dma_start3A_172 = arith.constant 0 : i32
      %dma_start3A_173 = arith.constant 0 : i32
      %dma_start3A_174 = tpu.memref_slice %arg13[%dma_start3A_172, %dma_start3A_173] : memref<10112x144xf32, #tpu.memory_space<vmem_shared>> -> memref<10112x144xf32, #tpu.memory_space<vmem_shared>>
      tpu.enqueue_indirect_dma source(%arg11 : memref<128x144xf32, #tpu.memory_space<vmem>>) target(%dma_start3A_174 : memref<10112x144xf32, #tpu.memory_space<vmem_shared>>) offsets(%arg9 : memref<128xi32, #tpu.memory_space<vmem>>) semaphore(%arg16 : memref<!tpu.dma_semaphore, #tpu.memory_space<semaphore_mem>>) {add = true}
      %dma_wait3A_175 = arith.constant 0 : i32
      %dma_wait3A_176 = arith.constant 0 : i32
      %dma_wait3A_177 = tpu.memref_slice %arg2[%dma_wait3A_175, %dma_wait3A_176] : memref<10000x144xf32, #tpu.memory_space<hbm>> -> memref<10000x144xf32, #tpu.memory_space<hbm>>
      tpu.wait_indirect_dma semaphore(%arg15 : memref<!tpu.dma_semaphore, #tpu.memory_space<semaphore_mem>>) src(%dma_wait3A_177 : memref<10000x144xf32, #tpu.memory_space<hbm>>) dst(%arg12 : memref<128x144xf32, #tpu.memory_space<vmem>>)
      %dma_start3A_178 = arith.constant 0 : i32
      %dma_start3A_179 = arith.constant 0 : i32
      %dma_start3A_180 = tpu.memref_slice %arg13[%dma_start3A_178, %dma_start3A_179] : memref<10112x144xf32, #tpu.memory_space<vmem_shared>> -> memref<10112x144xf32, #tpu.memory_space<vmem_shared>>
      tpu.enqueue_indirect_dma source(%arg12 : memref<128x144xf32, #tpu.memory_space<vmem>>) target(%dma_start3A_180 : memref<10112x144xf32, #tpu.memory_space<vmem_shared>>) offsets(%arg10 : memref<128xi32, #tpu.memory_space<vmem>>) semaphore(%arg17 : memref<!tpu.dma_semaphore, #tpu.memory_space<semaphore_mem>>) {add = true}
      %dma_wait3A_181 = arith.constant 0 : i32
      %dma_wait3A_182 = arith.constant 0 : i32
      %dma_wait3A_183 = tpu.memref_slice %arg13[%dma_wait3A_181, %dma_wait3A_182] : memref<10112x144xf32, #tpu.memory_space<vmem_shared>> -> memref<10112x144xf32, #tpu.memory_space<vmem_shared>>
      tpu.wait_indirect_dma semaphore(%arg16 : memref<!tpu.dma_semaphore, #tpu.memory_space<semaphore_mem>>) src(%arg11 : memref<128x144xf32, #tpu.memory_space<vmem>>) dst(%dma_wait3A_183 : memref<10112x144xf32, #tpu.memory_space<vmem_shared>>)
      %dma_wait3A_184 = arith.constant 0 : i32
      %dma_wait3A_185 = arith.constant 0 : i32
      %dma_wait3A_186 = tpu.memref_slice %arg13[%dma_wait3A_184, %dma_wait3A_185] : memref<10112x144xf32, #tpu.memory_space<vmem_shared>> -> memref<10112x144xf32, #tpu.memory_space<vmem_shared>>
      tpu.wait_indirect_dma semaphore(%arg17 : memref<!tpu.dma_semaphore, #tpu.memory_space<semaphore_mem>>) src(%arg12 : memref<128x144xf32, #tpu.memory_space<vmem>>) dst(%dma_wait3A_186 : memref<10112x144xf32, #tpu.memory_space<vmem_shared>>)
    }
    %while3A_135 = arith.constant 1 : i32
    scf.for %while3A_153 = %while3A_133 to %while3A_129 step %while3A_135  : i32 {
      %mul3A_154 = arith.constant 2 : i32
      %mul3A_155 = arith.muli %mul3A_154, %while3A_153 : i32
      %add3A_156 = arith.addi %add3A_72, %mul3A_155 : i32
      %add3A_157 = arith.constant 0 : i32
      %add3A_158 = arith.addi %add3A_156, %add3A_157 : i32
      "tpu.region"() ({
        %run_scoped3A = tpu.sem_alloc : memref<!tpu.dma_semaphore, #tpu.memory_space<semaphore_mem>>
        %dma_start3A_187 = arith.constant 0 : i32
        %dma_start3A_188 = tpu.memref_slice %arg3[%add3A_158, %dma_start3A_187] : memref<2500x128xi32, #tpu.memory_space<hbm>> -> memref<1x128xi32, #tpu.memory_space<hbm>>
        %dma_start3A_189 = tpu.memref_squeeze %dma_start3A_188 : memref<1x128xi32, #tpu.memory_space<hbm>> -> memref<128xi32, #tpu.memory_space<hbm>>
        %dma_start3A_190 = arith.constant 0 : i32
        %dma_start3A_191 = tpu.memref_slice %arg3[%add3A_158, %dma_start3A_190] : memref<2500x128xi32, #tpu.memory_space<hbm>> -> memref<1x128xi32, #tpu.memory_space<hbm>>
        %dma_start3A_192 = tpu.memref_squeeze %dma_start3A_191 : memref<1x128xi32, #tpu.memory_space<hbm>> -> memref<128xi32, #tpu.memory_space<hbm>>
        tpu.enqueue_dma source(%dma_start3A_192 : memref<128xi32, #tpu.memory_space<hbm>>) target(%arg7 : memref<128xi32, #tpu.memory_space<vmem>>) target_semaphore(%run_scoped3A : memref<!tpu.dma_semaphore, #tpu.memory_space<semaphore_mem>>)
        %dma_wait3A_193 = arith.constant 0 : i32
        %dma_wait3A_194 = tpu.memref_slice %arg3[%add3A_158, %dma_wait3A_193] : memref<2500x128xi32, #tpu.memory_space<hbm>> -> memref<1x128xi32, #tpu.memory_space<hbm>>
        %dma_wait3A_195 = tpu.memref_squeeze %dma_wait3A_194 : memref<1x128xi32, #tpu.memory_space<hbm>> -> memref<128xi32, #tpu.memory_space<hbm>>
        %dma_wait3A_196 = arith.constant 0 : i32
        %dma_wait3A_197 = tpu.memref_slice %arg3[%add3A_158, %dma_wait3A_196] : memref<2500x128xi32, #tpu.memory_space<hbm>> -> memref<1x128xi32, #tpu.memory_space<hbm>>
        %dma_wait3A_198 = tpu.memref_squeeze %dma_wait3A_197 : memref<1x128xi32, #tpu.memory_space<hbm>> -> memref<128xi32, #tpu.memory_space<hbm>>
        tpu.wait_dma2 semaphore(%run_scoped3A : memref<!tpu.dma_semaphore, #tpu.memory_space<semaphore_mem>>) src(%dma_wait3A_198 : memref<128xi32, #tpu.memory_space<hbm>>) dst(%arg7 : memref<128xi32, #tpu.memory_space<vmem>>)
        tpu.yield
      }) : () -> ()
      %add3A_159 = arith.constant 0 : i32
      %add3A_160 = arith.addi %add3A_156, %add3A_159 : i32
      "tpu.region"() ({
        %run_scoped3A = tpu.sem_alloc : memref<!tpu.dma_semaphore, #tpu.memory_space<semaphore_mem>>
        %dma_start3A_187 = arith.constant 0 : i32
        %dma_start3A_188 = tpu.memref_slice %arg4[%add3A_160, %dma_start3A_187] : memref<2500x128xi32, #tpu.memory_space<hbm>> -> memref<1x128xi32, #tpu.memory_space<hbm>>
        %dma_start3A_189 = tpu.memref_squeeze %dma_start3A_188 : memref<1x128xi32, #tpu.memory_space<hbm>> -> memref<128xi32, #tpu.memory_space<hbm>>
        %dma_start3A_190 = arith.constant 0 : i32
        %dma_start3A_191 = tpu.memref_slice %arg4[%add3A_160, %dma_start3A_190] : memref<2500x128xi32, #tpu.memory_space<hbm>> -> memref<1x128xi32, #tpu.memory_space<hbm>>
        %dma_start3A_192 = tpu.memref_squeeze %dma_start3A_191 : memref<1x128xi32, #tpu.memory_space<hbm>> -> memref<128xi32, #tpu.memory_space<hbm>>
        tpu.enqueue_dma source(%dma_start3A_192 : memref<128xi32, #tpu.memory_space<hbm>>) target(%arg9 : memref<128xi32, #tpu.memory_space<vmem>>) target_semaphore(%run_scoped3A : memref<!tpu.dma_semaphore, #tpu.memory_space<semaphore_mem>>)
        %dma_wait3A_193 = arith.constant 0 : i32
        %dma_wait3A_194 = tpu.memref_slice %arg4[%add3A_160, %dma_wait3A_193] : memref<2500x128xi32, #tpu.memory_space<hbm>> -> memref<1x128xi32, #tpu.memory_space<hbm>>
        %dma_wait3A_195 = tpu.memref_squeeze %dma_wait3A_194 : memref<1x128xi32, #tpu.memory_space<hbm>> -> memref<128xi32, #tpu.memory_space<hbm>>
        %dma_wait3A_196 = arith.constant 0 : i32
        %dma_wait3A_197 = tpu.memref_slice %arg4[%add3A_160, %dma_wait3A_196] : memref<2500x128xi32, #tpu.memory_space<hbm>> -> memref<1x128xi32, #tpu.memory_space<hbm>>
        %dma_wait3A_198 = tpu.memref_squeeze %dma_wait3A_197 : memref<1x128xi32, #tpu.memory_space<hbm>> -> memref<128xi32, #tpu.memory_space<hbm>>
        tpu.wait_dma2 semaphore(%run_scoped3A : memref<!tpu.dma_semaphore, #tpu.memory_space<semaphore_mem>>) src(%dma_wait3A_198 : memref<128xi32, #tpu.memory_space<hbm>>) dst(%arg9 : memref<128xi32, #tpu.memory_space<vmem>>)
        tpu.yield
      }) : () -> ()
      %dma_start3A = arith.constant 0 : i32
      %dma_start3A_161 = arith.constant 0 : i32
      %dma_start3A_162 = tpu.memref_slice %arg2[%dma_start3A, %dma_start3A_161] : memref<10000x144xf32, #tpu.memory_space<hbm>> -> memref<10000x144xf32, #tpu.memory_space<hbm>>
      tpu.enqueue_indirect_dma source(%dma_start3A_162 : memref<10000x144xf32, #tpu.memory_space<hbm>>) target(%arg11 : memref<128x144xf32, #tpu.memory_space<vmem>>) offsets(%arg7 : memref<128xi32, #tpu.memory_space<vmem>>) semaphore(%arg14 : memref<!tpu.dma_semaphore, #tpu.memory_space<semaphore_mem>>)
      %add3A_163 = arith.constant 1 : i32
      %add3A_164 = arith.addi %add3A_156, %add3A_163 : i32
      "tpu.region"() ({
        %run_scoped3A = tpu.sem_alloc : memref<!tpu.dma_semaphore, #tpu.memory_space<semaphore_mem>>
        %dma_start3A_187 = arith.constant 0 : i32
        %dma_start3A_188 = tpu.memref_slice %arg3[%add3A_164, %dma_start3A_187] : memref<2500x128xi32, #tpu.memory_space<hbm>> -> memref<1x128xi32, #tpu.memory_space<hbm>>
        %dma_start3A_189 = tpu.memref_squeeze %dma_start3A_188 : memref<1x128xi32, #tpu.memory_space<hbm>> -> memref<128xi32, #tpu.memory_space<hbm>>
        %dma_start3A_190 = arith.constant 0 : i32
        %dma_start3A_191 = tpu.memref_slice %arg3[%add3A_164, %dma_start3A_190] : memref<2500x128xi32, #tpu.memory_space<hbm>> -> memref<1x128xi32, #tpu.memory_space<hbm>>
        %dma_start3A_192 = tpu.memref_squeeze %dma_start3A_191 : memref<1x128xi32, #tpu.memory_space<hbm>> -> memref<128xi32, #tpu.memory_space<hbm>>
        tpu.enqueue_dma source(%dma_start3A_192 : memref<128xi32, #tpu.memory_space<hbm>>) target(%arg8 : memref<128xi32, #tpu.memory_space<vmem>>) target_semaphore(%run_scoped3A : memref<!tpu.dma_semaphore, #tpu.memory_space<semaphore_mem>>)
        %dma_wait3A_193 = arith.constant 0 : i32
        %dma_wait3A_194 = tpu.memref_slice %arg3[%add3A_164, %dma_wait3A_193] : memref<2500x128xi32, #tpu.memory_space<hbm>> -> memref<1x128xi32, #tpu.memory_space<hbm>>
        %dma_wait3A_195 = tpu.memref_squeeze %dma_wait3A_194 : memref<1x128xi32, #tpu.memory_space<hbm>> -> memref<128xi32, #tpu.memory_space<hbm>>
        %dma_wait3A_196 = arith.constant 0 : i32
        %dma_wait3A_197 = tpu.memref_slice %arg3[%add3A_164, %dma_wait3A_196] : memref<2500x128xi32, #tpu.memory_space<hbm>> -> memref<1x128xi32, #tpu.memory_space<hbm>>
        %dma_wait3A_198 = tpu.memref_squeeze %dma_wait3A_197 : memref<1x128xi32, #tpu.memory_space<hbm>> -> memref<128xi32, #tpu.memory_space<hbm>>
        tpu.wait_dma2 semaphore(%run_scoped3A : memref<!tpu.dma_semaphore, #tpu.memory_space<semaphore_mem>>) src(%dma_wait3A_198 : memref<128xi32, #tpu.memory_space<hbm>>) dst(%arg8 : memref<128xi32, #tpu.memory_space<vmem>>)
        tpu.yield
      }) : () -> ()
      %add3A_165 = arith.constant 1 : i32
      %add3A_166 = arith.addi %add3A_156, %add3A_165 : i32
      "tpu.region"() ({
        %run_scoped3A = tpu.sem_alloc : memref<!tpu.dma_semaphore, #tpu.memory_space<semaphore_mem>>
        %dma_start3A_187 = arith.constant 0 : i32
        %dma_start3A_188 = tpu.memref_slice %arg4[%add3A_166, %dma_start3A_187] : memref<2500x128xi32, #tpu.memory_space<hbm>> -> memref<1x128xi32, #tpu.memory_space<hbm>>
        %dma_start3A_189 = tpu.memref_squeeze %dma_start3A_188 : memref<1x128xi32, #tpu.memory_space<hbm>> -> memref<128xi32, #tpu.memory_space<hbm>>
        %dma_start3A_190 = arith.constant 0 : i32
        %dma_start3A_191 = tpu.memref_slice %arg4[%add3A_166, %dma_start3A_190] : memref<2500x128xi32, #tpu.memory_space<hbm>> -> memref<1x128xi32, #tpu.memory_space<hbm>>
        %dma_start3A_192 = tpu.memref_squeeze %dma_start3A_191 : memref<1x128xi32, #tpu.memory_space<hbm>> -> memref<128xi32, #tpu.memory_space<hbm>>
        tpu.enqueue_dma source(%dma_start3A_192 : memref<128xi32, #tpu.memory_space<hbm>>) target(%arg10 : memref<128xi32, #tpu.memory_space<vmem>>) target_semaphore(%run_scoped3A : memref<!tpu.dma_semaphore, #tpu.memory_space<semaphore_mem>>)
        %dma_wait3A_193 = arith.constant 0 : i32
        %dma_wait3A_194 = tpu.memref_slice %arg4[%add3A_166, %dma_wait3A_193] : memref<2500x128xi32, #tpu.memory_space<hbm>> -> memref<1x128xi32, #tpu.memory_space<hbm>>
        %dma_wait3A_195 = tpu.memref_squeeze %dma_wait3A_194 : memref<1x128xi32, #tpu.memory_space<hbm>> -> memref<128xi32, #tpu.memory_space<hbm>>
        %dma_wait3A_196 = arith.constant 0 : i32
        %dma_wait3A_197 = tpu.memref_slice %arg4[%add3A_166, %dma_wait3A_196] : memref<2500x128xi32, #tpu.memory_space<hbm>> -> memref<1x128xi32, #tpu.memory_space<hbm>>
        %dma_wait3A_198 = tpu.memref_squeeze %dma_wait3A_197 : memref<1x128xi32, #tpu.memory_space<hbm>> -> memref<128xi32, #tpu.memory_space<hbm>>
        tpu.wait_dma2 semaphore(%run_scoped3A : memref<!tpu.dma_semaphore, #tpu.memory_space<semaphore_mem>>) src(%dma_wait3A_198 : memref<128xi32, #tpu.memory_space<hbm>>) dst(%arg10 : memref<128xi32, #tpu.memory_space<vmem>>)
        tpu.yield
      }) : () -> ()
      %dma_start3A_167 = arith.constant 0 : i32
      %dma_start3A_168 = arith.constant 0 : i32
      %dma_start3A_169 = tpu.memref_slice %arg2[%dma_start3A_167, %dma_start3A_168] : memref<10000x144xf32, #tpu.memory_space<hbm>> -> memref<10000x144xf32, #tpu.memory_space<hbm>>
      tpu.enqueue_indirect_dma source(%dma_start3A_169 : memref<10000x144xf32, #tpu.memory_space<hbm>>) target(%arg12 : memref<128x144xf32, #tpu.memory_space<vmem>>) offsets(%arg8 : memref<128xi32, #tpu.memory_space<vmem>>) semaphore(%arg15 : memref<!tpu.dma_semaphore, #tpu.memory_space<semaphore_mem>>)
      %dma_wait3A = arith.constant 0 : i32
      %dma_wait3A_170 = arith.constant 0 : i32
      %dma_wait3A_171 = tpu.memref_slice %arg2[%dma_wait3A, %dma_wait3A_170] : memref<10000x144xf32, #tpu.memory_space<hbm>> -> memref<10000x144xf32, #tpu.memory_space<hbm>>
      tpu.wait_indirect_dma semaphore(%arg14 : memref<!tpu.dma_semaphore, #tpu.memory_space<semaphore_mem>>) src(%dma_wait3A_171 : memref<10000x144xf32, #tpu.memory_space<hbm>>) dst(%arg11 : memref<128x144xf32, #tpu.memory_space<vmem>>)
      %dma_start3A_172 = arith.constant 0 : i32
      %dma_start3A_173 = arith.constant 0 : i32
      %dma_start3A_174 = tpu.memref_slice %arg13[%dma_start3A_172, %dma_start3A_173] : memref<10112x144xf32, #tpu.memory_space<vmem_shared>> -> memref<10112x144xf32, #tpu.memory_space<vmem_shared>>
      tpu.enqueue_indirect_dma source(%arg11 : memref<128x144xf32, #tpu.memory_space<vmem>>) target(%dma_start3A_174 : memref<10112x144xf32, #tpu.memory_space<vmem_shared>>) offsets(%arg9 : memref<128xi32, #tpu.memory_space<vmem>>) semaphore(%arg16 : memref<!tpu.dma_semaphore, #tpu.memory_space<semaphore_mem>>) {add = true}
      %dma_wait3A_175 = arith.constant 0 : i32
      %dma_wait3A_176 = arith.constant 0 : i32
      %dma_wait3A_177 = tpu.memref_slice %arg2[%dma_wait3A_175, %dma_wait3A_176] : memref<10000x144xf32, #tpu.memory_space<hbm>> -> memref<10000x144xf32, #tpu.memory_space<hbm>>
      tpu.wait_indirect_dma semaphore(%arg15 : memref<!tpu.dma_semaphore, #tpu.memory_space<semaphore_mem>>) src(%dma_wait3A_177 : memref<10000x144xf32, #tpu.memory_space<hbm>>) dst(%arg12 : memref<128x144xf32, #tpu.memory_space<vmem>>)
      %dma_start3A_178 = arith.constant 0 : i32
      %dma_start3A_179 = arith.constant 0 : i32
      %dma_start3A_180 = tpu.memref_slice %arg13[%dma_start3A_178, %dma_start3A_179] : memref<10112x144xf32, #tpu.memory_space<vmem_shared>> -> memref<10112x144xf32, #tpu.memory_space<vmem_shared>>
      tpu.enqueue_indirect_dma source(%arg12 : memref<128x144xf32, #tpu.memory_space<vmem>>) target(%dma_start3A_180 : memref<10112x144xf32, #tpu.memory_space<vmem_shared>>) offsets(%arg10 : memref<128xi32, #tpu.memory_space<vmem>>) semaphore(%arg17 : memref<!tpu.dma_semaphore, #tpu.memory_space<semaphore_mem>>) {add = true}
      %dma_wait3A_181 = arith.constant 0 : i32
      %dma_wait3A_182 = arith.constant 0 : i32
      %dma_wait3A_183 = tpu.memref_slice %arg13[%dma_wait3A_181, %dma_wait3A_182] : memref<10112x144xf32, #tpu.memory_space<vmem_shared>> -> memref<10112x144xf32, #tpu.memory_space<vmem_shared>>
      tpu.wait_indirect_dma semaphore(%arg16 : memref<!tpu.dma_semaphore, #tpu.memory_space<semaphore_mem>>) src(%arg11 : memref<128x144xf32, #tpu.memory_space<vmem>>) dst(%dma_wait3A_183 : memref<10112x144xf32, #tpu.memory_space<vmem_shared>>)
      %dma_wait3A_184 = arith.constant 0 : i32
      %dma_wait3A_185 = arith.constant 0 : i32
      %dma_wait3A_186 = tpu.memref_slice %arg13[%dma_wait3A_184, %dma_wait3A_185] : memref<10112x144xf32, #tpu.memory_space<vmem_shared>> -> memref<10112x144xf32, #tpu.memory_space<vmem_shared>>
      tpu.wait_indirect_dma semaphore(%arg17 : memref<!tpu.dma_semaphore, #tpu.memory_space<semaphore_mem>>) src(%arg12 : memref<128x144xf32, #tpu.memory_space<vmem>>) dst(%dma_wait3A_186 : memref<10112x144xf32, #tpu.memory_space<vmem_shared>>)
    }
    %mul3A_136 = arith.constant 2 : i32
    %mul3A_137 = arith.muli %mul3A_136, %select_n3A_126 : i32
    %add3A_138 = arith.addi %add3A_72, %mul3A_137 : i32
    %while3A_139 = arith.constant 0 : i32
    %while3A_140 = arith.subi %add3A_101, %add3A_138 : i32
    %while3A_141 = arith.addi %add3A_138, %while3A_140 : i32
    %while3A_142 = arith.constant 1 : i32
    %while3A_143 = arith.divsi %while3A_140, %while3A_142 : i32
    %while3A_144 = arith.muli %while3A_143, %while3A_142 : i32
    %while3A_145 = arith.addi %add3A_138, %while3A_144 : i32
    %while3A_146 = arith.constant 1 : i32
    scf.for %while3A_153 = %add3A_138 to %while3A_145 step %while3A_146  : i32 {
      "tpu.region"() ({
        %run_scoped3A = tpu.sem_alloc : memref<!tpu.dma_semaphore, #tpu.memory_space<semaphore_mem>>
        %dma_start3A_158 = arith.constant 0 : i32
        %dma_start3A_159 = tpu.memref_slice %arg3[%while3A_153, %dma_start3A_158] : memref<2500x128xi32, #tpu.memory_space<hbm>> -> memref<1x128xi32, #tpu.memory_space<hbm>>
        %dma_start3A_160 = tpu.memref_squeeze %dma_start3A_159 : memref<1x128xi32, #tpu.memory_space<hbm>> -> memref<128xi32, #tpu.memory_space<hbm>>
        %dma_start3A_161 = arith.constant 0 : i32
        %dma_start3A_162 = tpu.memref_slice %arg3[%while3A_153, %dma_start3A_161] : memref<2500x128xi32, #tpu.memory_space<hbm>> -> memref<1x128xi32, #tpu.memory_space<hbm>>
        %dma_start3A_163 = tpu.memref_squeeze %dma_start3A_162 : memref<1x128xi32, #tpu.memory_space<hbm>> -> memref<128xi32, #tpu.memory_space<hbm>>
        tpu.enqueue_dma source(%dma_start3A_163 : memref<128xi32, #tpu.memory_space<hbm>>) target(%arg7 : memref<128xi32, #tpu.memory_space<vmem>>) target_semaphore(%run_scoped3A : memref<!tpu.dma_semaphore, #tpu.memory_space<semaphore_mem>>)
        %dma_wait3A_164 = arith.constant 0 : i32
        %dma_wait3A_165 = tpu.memref_slice %arg3[%while3A_153, %dma_wait3A_164] : memref<2500x128xi32, #tpu.memory_space<hbm>> -> memref<1x128xi32, #tpu.memory_space<hbm>>
        %dma_wait3A_166 = tpu.memref_squeeze %dma_wait3A_165 : memref<1x128xi32, #tpu.memory_space<hbm>> -> memref<128xi32, #tpu.memory_space<hbm>>
        %dma_wait3A_167 = arith.constant 0 : i32
        %dma_wait3A_168 = tpu.memref_slice %arg3[%while3A_153, %dma_wait3A_167] : memref<2500x128xi32, #tpu.memory_space<hbm>> -> memref<1x128xi32, #tpu.memory_space<hbm>>
        %dma_wait3A_169 = tpu.memref_squeeze %dma_wait3A_168 : memref<1x128xi32, #tpu.memory_space<hbm>> -> memref<128xi32, #tpu.memory_space<hbm>>
        tpu.wait_dma2 semaphore(%run_scoped3A : memref<!tpu.dma_semaphore, #tpu.memory_space<semaphore_mem>>) src(%dma_wait3A_169 : memref<128xi32, #tpu.memory_space<hbm>>) dst(%arg7 : memref<128xi32, #tpu.memory_space<vmem>>)
        tpu.yield
      }) : () -> ()
      "tpu.region"() ({
        %run_scoped3A = tpu.sem_alloc : memref<!tpu.dma_semaphore, #tpu.memory_space<semaphore_mem>>
        %dma_start3A_158 = arith.constant 0 : i32
        %dma_start3A_159 = tpu.memref_slice %arg4[%while3A_153, %dma_start3A_158] : memref<2500x128xi32, #tpu.memory_space<hbm>> -> memref<1x128xi32, #tpu.memory_space<hbm>>
        %dma_start3A_160 = tpu.memref_squeeze %dma_start3A_159 : memref<1x128xi32, #tpu.memory_space<hbm>> -> memref<128xi32, #tpu.memory_space<hbm>>
        %dma_start3A_161 = arith.constant 0 : i32
        %dma_start3A_162 = tpu.memref_slice %arg4[%while3A_153, %dma_start3A_161] : memref<2500x128xi32, #tpu.memory_space<hbm>> -> memref<1x128xi32, #tpu.memory_space<hbm>>
        %dma_start3A_163 = tpu.memref_squeeze %dma_start3A_162 : memref<1x128xi32, #tpu.memory_space<hbm>> -> memref<128xi32, #tpu.memory_space<hbm>>
        tpu.enqueue_dma source(%dma_start3A_163 : memref<128xi32, #tpu.memory_space<hbm>>) target(%arg9 : memref<128xi32, #tpu.memory_space<vmem>>) target_semaphore(%run_scoped3A : memref<!tpu.dma_semaphore, #tpu.memory_space<semaphore_mem>>)
        %dma_wait3A_164 = arith.constant 0 : i32
        %dma_wait3A_165 = tpu.memref_slice %arg4[%while3A_153, %dma_wait3A_164] : memref<2500x128xi32, #tpu.memory_space<hbm>> -> memref<1x128xi32, #tpu.memory_space<hbm>>
        %dma_wait3A_166 = tpu.memref_squeeze %dma_wait3A_165 : memref<1x128xi32, #tpu.memory_space<hbm>> -> memref<128xi32, #tpu.memory_space<hbm>>
        %dma_wait3A_167 = arith.constant 0 : i32
        %dma_wait3A_168 = tpu.memref_slice %arg4[%while3A_153, %dma_wait3A_167] : memref<2500x128xi32, #tpu.memory_space<hbm>> -> memref<1x128xi32, #tpu.memory_space<hbm>>
        %dma_wait3A_169 = tpu.memref_squeeze %dma_wait3A_168 : memref<1x128xi32, #tpu.memory_space<hbm>> -> memref<128xi32, #tpu.memory_space<hbm>>
        tpu.wait_dma2 semaphore(%run_scoped3A : memref<!tpu.dma_semaphore, #tpu.memory_space<semaphore_mem>>) src(%dma_wait3A_169 : memref<128xi32, #tpu.memory_space<hbm>>) dst(%arg9 : memref<128xi32, #tpu.memory_space<vmem>>)
        tpu.yield
      }) : () -> ()
      %dma_start3A = arith.constant 0 : i32
      %dma_start3A_154 = arith.constant 0 : i32
      %dma_start3A_155 = tpu.memref_slice %arg2[%dma_start3A, %dma_start3A_154] : memref<10000x144xf32, #tpu.memory_space<hbm>> -> memref<10000x144xf32, #tpu.memory_space<hbm>>
      tpu.enqueue_indirect_dma source(%dma_start3A_155 : memref<10000x144xf32, #tpu.memory_space<hbm>>) target(%arg11 : memref<128x144xf32, #tpu.memory_space<vmem>>) offsets(%arg7 : memref<128xi32, #tpu.memory_space<vmem>>) semaphore(%arg14 : memref<!tpu.dma_semaphore, #tpu.memory_space<semaphore_mem>>)
      %dma_wait3A = arith.constant 0 : i32
      %dma_wait3A_156 = arith.constant 0 : i32
      %dma_wait3A_157 = tpu.memref_slice %arg2[%dma_wait3A, %dma_wait3A_156] : memref<10000x144xf32, #tpu.memory_space<hbm>> -> memref<10000x144xf32, #tpu.memory_space<hbm>>
      tpu.wait_indirect_dma semaphore(%arg14 : memref<!tpu.dma_semaphore, #tpu.memory_space<semaphore_mem>>) src(%dma_wait3A_157 : memref<10000x144xf32, #tpu.memory_space<hbm>>) dst(%arg11 : memref<128x144xf32, #tpu.memory_space<vmem>>)
      "tpu.region"() ({
        %run_scoped3A = tpu.sem_alloc : memref<!tpu.dma_semaphore, #tpu.memory_space<semaphore_mem>>
        %dma_start3A_158 = arith.constant 0 : i32
        %dma_start3A_159 = arith.constant 0 : i32
        %dma_start3A_160 = tpu.memref_slice %arg13[%dma_start3A_158, %dma_start3A_159] : memref<10112x144xf32, #tpu.memory_space<vmem_shared>> -> memref<10112x144xf32, #tpu.memory_space<vmem_shared>>
        tpu.enqueue_indirect_dma source(%arg11 : memref<128x144xf32, #tpu.memory_space<vmem>>) target(%dma_start3A_160 : memref<10112x144xf32, #tpu.memory_space<vmem_shared>>) offsets(%arg9 : memref<128xi32, #tpu.memory_space<vmem>>) semaphore(%run_scoped3A : memref<!tpu.dma_semaphore, #tpu.memory_space<semaphore_mem>>) {add = true}
        %dma_wait3A_161 = arith.constant 0 : i32
        %dma_wait3A_162 = arith.constant 0 : i32
        %dma_wait3A_163 = tpu.memref_slice %arg13[%dma_wait3A_161, %dma_wait3A_162] : memref<10112x144xf32, #tpu.memory_space<vmem_shared>> -> memref<10112x144xf32, #tpu.memory_space<vmem_shared>>
        tpu.wait_indirect_dma semaphore(%run_scoped3A : memref<!tpu.dma_semaphore, #tpu.memory_space<semaphore_mem>>) src(%arg11 : memref<128x144xf32, #tpu.memory_space<vmem>>) dst(%dma_wait3A_163 : memref<10112x144xf32, #tpu.memory_space<vmem_shared>>)
        tpu.yield
      }) : () -> ()
    }
    %while3A_147 = arith.constant 1 : i32
    scf.for %while3A_153 = %while3A_145 to %while3A_141 step %while3A_147  : i32 {
      "tpu.region"() ({
        %run_scoped3A = tpu.sem_alloc : memref<!tpu.dma_semaphore, #tpu.memory_space<semaphore_mem>>
        %dma_start3A_158 = arith.constant 0 : i32
        %dma_start3A_159 = tpu.memref_slice %arg3[%while3A_153, %dma_start3A_158] : memref<2500x128xi32, #tpu.memory_space<hbm>> -> memref<1x128xi32, #tpu.memory_space<hbm>>
        %dma_start3A_160 = tpu.memref_squeeze %dma_start3A_159 : memref<1x128xi32, #tpu.memory_space<hbm>> -> memref<128xi32, #tpu.memory_space<hbm>>
        %dma_start3A_161 = arith.constant 0 : i32
        %dma_start3A_162 = tpu.memref_slice %arg3[%while3A_153, %dma_start3A_161] : memref<2500x128xi32, #tpu.memory_space<hbm>> -> memref<1x128xi32, #tpu.memory_space<hbm>>
        %dma_start3A_163 = tpu.memref_squeeze %dma_start3A_162 : memref<1x128xi32, #tpu.memory_space<hbm>> -> memref<128xi32, #tpu.memory_space<hbm>>
        tpu.enqueue_dma source(%dma_start3A_163 : memref<128xi32, #tpu.memory_space<hbm>>) target(%arg7 : memref<128xi32, #tpu.memory_space<vmem>>) target_semaphore(%run_scoped3A : memref<!tpu.dma_semaphore, #tpu.memory_space<semaphore_mem>>)
        %dma_wait3A_164 = arith.constant 0 : i32
        %dma_wait3A_165 = tpu.memref_slice %arg3[%while3A_153, %dma_wait3A_164] : memref<2500x128xi32, #tpu.memory_space<hbm>> -> memref<1x128xi32, #tpu.memory_space<hbm>>
        %dma_wait3A_166 = tpu.memref_squeeze %dma_wait3A_165 : memref<1x128xi32, #tpu.memory_space<hbm>> -> memref<128xi32, #tpu.memory_space<hbm>>
        %dma_wait3A_167 = arith.constant 0 : i32
        %dma_wait3A_168 = tpu.memref_slice %arg3[%while3A_153, %dma_wait3A_167] : memref<2500x128xi32, #tpu.memory_space<hbm>> -> memref<1x128xi32, #tpu.memory_space<hbm>>
        %dma_wait3A_169 = tpu.memref_squeeze %dma_wait3A_168 : memref<1x128xi32, #tpu.memory_space<hbm>> -> memref<128xi32, #tpu.memory_space<hbm>>
        tpu.wait_dma2 semaphore(%run_scoped3A : memref<!tpu.dma_semaphore, #tpu.memory_space<semaphore_mem>>) src(%dma_wait3A_169 : memref<128xi32, #tpu.memory_space<hbm>>) dst(%arg7 : memref<128xi32, #tpu.memory_space<vmem>>)
        tpu.yield
      }) : () -> ()
      "tpu.region"() ({
        %run_scoped3A = tpu.sem_alloc : memref<!tpu.dma_semaphore, #tpu.memory_space<semaphore_mem>>
        %dma_start3A_158 = arith.constant 0 : i32
        %dma_start3A_159 = tpu.memref_slice %arg4[%while3A_153, %dma_start3A_158] : memref<2500x128xi32, #tpu.memory_space<hbm>> -> memref<1x128xi32, #tpu.memory_space<hbm>>
        %dma_start3A_160 = tpu.memref_squeeze %dma_start3A_159 : memref<1x128xi32, #tpu.memory_space<hbm>> -> memref<128xi32, #tpu.memory_space<hbm>>
        %dma_start3A_161 = arith.constant 0 : i32
        %dma_start3A_162 = tpu.memref_slice %arg4[%while3A_153, %dma_start3A_161] : memref<2500x128xi32, #tpu.memory_space<hbm>> -> memref<1x128xi32, #tpu.memory_space<hbm>>
        %dma_start3A_163 = tpu.memref_squeeze %dma_start3A_162 : memref<1x128xi32, #tpu.memory_space<hbm>> -> memref<128xi32, #tpu.memory_space<hbm>>
        tpu.enqueue_dma source(%dma_start3A_163 : memref<128xi32, #tpu.memory_space<hbm>>) target(%arg9 : memref<128xi32, #tpu.memory_space<vmem>>) target_semaphore(%run_scoped3A : memref<!tpu.dma_semaphore, #tpu.memory_space<semaphore_mem>>)
        %dma_wait3A_164 = arith.constant 0 : i32
        %dma_wait3A_165 = tpu.memref_slice %arg4[%while3A_153, %dma_wait3A_164] : memref<2500x128xi32, #tpu.memory_space<hbm>> -> memref<1x128xi32, #tpu.memory_space<hbm>>
        %dma_wait3A_166 = tpu.memref_squeeze %dma_wait3A_165 : memref<1x128xi32, #tpu.memory_space<hbm>> -> memref<128xi32, #tpu.memory_space<hbm>>
        %dma_wait3A_167 = arith.constant 0 : i32
        %dma_wait3A_168 = tpu.memref_slice %arg4[%while3A_153, %dma_wait3A_167] : memref<2500x128xi32, #tpu.memory_space<hbm>> -> memref<1x128xi32, #tpu.memory_space<hbm>>
        %dma_wait3A_169 = tpu.memref_squeeze %dma_wait3A_168 : memref<1x128xi32, #tpu.memory_space<hbm>> -> memref<128xi32, #tpu.memory_space<hbm>>
        tpu.wait_dma2 semaphore(%run_scoped3A : memref<!tpu.dma_semaphore, #tpu.memory_space<semaphore_mem>>) src(%dma_wait3A_169 : memref<128xi32, #tpu.memory_space<hbm>>) dst(%arg9 : memref<128xi32, #tpu.memory_space<vmem>>)
        tpu.yield
      }) : () -> ()
      %dma_start3A = arith.constant 0 : i32
      %dma_start3A_154 = arith.constant 0 : i32
      %dma_start3A_155 = tpu.memref_slice %arg2[%dma_start3A, %dma_start3A_154] : memref<10000x144xf32, #tpu.memory_space<hbm>> -> memref<10000x144xf32, #tpu.memory_space<hbm>>
      tpu.enqueue_indirect_dma source(%dma_start3A_155 : memref<10000x144xf32, #tpu.memory_space<hbm>>) target(%arg11 : memref<128x144xf32, #tpu.memory_space<vmem>>) offsets(%arg7 : memref<128xi32, #tpu.memory_space<vmem>>) semaphore(%arg14 : memref<!tpu.dma_semaphore, #tpu.memory_space<semaphore_mem>>)
      %dma_wait3A = arith.constant 0 : i32
      %dma_wait3A_156 = arith.constant 0 : i32
      %dma_wait3A_157 = tpu.memref_slice %arg2[%dma_wait3A, %dma_wait3A_156] : memref<10000x144xf32, #tpu.memory_space<hbm>> -> memref<10000x144xf32, #tpu.memory_space<hbm>>
      tpu.wait_indirect_dma semaphore(%arg14 : memref<!tpu.dma_semaphore, #tpu.memory_space<semaphore_mem>>) src(%dma_wait3A_157 : memref<10000x144xf32, #tpu.memory_space<hbm>>) dst(%arg11 : memref<128x144xf32, #tpu.memory_space<vmem>>)
      "tpu.region"() ({
        %run_scoped3A = tpu.sem_alloc : memref<!tpu.dma_semaphore, #tpu.memory_space<semaphore_mem>>
        %dma_start3A_158 = arith.constant 0 : i32
        %dma_start3A_159 = arith.constant 0 : i32
        %dma_start3A_160 = tpu.memref_slice %arg13[%dma_start3A_158, %dma_start3A_159] : memref<10112x144xf32, #tpu.memory_space<vmem_shared>> -> memref<10112x144xf32, #tpu.memory_space<vmem_shared>>
        tpu.enqueue_indirect_dma source(%arg11 : memref<128x144xf32, #tpu.memory_space<vmem>>) target(%dma_start3A_160 : memref<10112x144xf32, #tpu.memory_space<vmem_shared>>) offsets(%arg9 : memref<128xi32, #tpu.memory_space<vmem>>) semaphore(%run_scoped3A : memref<!tpu.dma_semaphore, #tpu.memory_space<semaphore_mem>>) {add = true}
        %dma_wait3A_161 = arith.constant 0 : i32
        %dma_wait3A_162 = arith.constant 0 : i32
        %dma_wait3A_163 = tpu.memref_slice %arg13[%dma_wait3A_161, %dma_wait3A_162] : memref<10112x144xf32, #tpu.memory_space<vmem_shared>> -> memref<10112x144xf32, #tpu.memory_space<vmem_shared>>
        tpu.wait_indirect_dma semaphore(%run_scoped3A : memref<!tpu.dma_semaphore, #tpu.memory_space<semaphore_mem>>) src(%arg11 : memref<128x144xf32, #tpu.memory_space<vmem>>) dst(%dma_wait3A_163 : memref<10112x144xf32, #tpu.memory_space<vmem_shared>>)
        tpu.yield
      }) : () -> ()
    }
    %barrier3A_148 = arith.constant 0 : index
    tpu.barrier barrier_id(%barrier3A_148)
    %mul3A_149 = arith.constant 632 : i32
    %mul3A_150 = arith.muli %arg1, %mul3A_149 : i32
    %mul3A_151 = arith.constant 632 : i32
    %mul3A_152 = arith.muli %arg1, %mul3A_151 : i32
    "tpu.region"() ({
      %run_scoped3A = tpu.sem_alloc : memref<!tpu.dma_semaphore, #tpu.memory_space<semaphore_mem>>
      %dma_start3A = arith.constant 0 : i32
      %dma_start3A_153 = tpu.memref_slice %arg6[%arg0, %mul3A_152, %dma_start3A] : memref<2x10112x144xf32, #tpu.memory_space<hbm>> -> memref<1x632x144xf32, #tpu.memory_space<hbm>>
      %dma_start3A_154 = tpu.memref_squeeze %dma_start3A_153 : memref<1x632x144xf32, #tpu.memory_space<hbm>> -> memref<632x144xf32, #tpu.memory_space<hbm>>
      %dma_start3A_155 = arith.constant 0 : i32
      %dma_start3A_156 = tpu.memref_slice %arg13[%mul3A_150, %dma_start3A_155] : memref<10112x144xf32, #tpu.memory_space<vmem_shared>> -> memref<632x144xf32, #tpu.memory_space<vmem_shared>>
      tpu.enqueue_dma source(%dma_start3A_156 : memref<632x144xf32, #tpu.memory_space<vmem_shared>>) target(%dma_start3A_154 : memref<632x144xf32, #tpu.memory_space<hbm>>) target_semaphore(%run_scoped3A : memref<!tpu.dma_semaphore, #tpu.memory_space<semaphore_mem>>)
      %dma_wait3A = arith.constant 0 : i32
      %dma_wait3A_157 = tpu.memref_slice %arg6[%arg0, %mul3A_152, %dma_wait3A] : memref<2x10112x144xf32, #tpu.memory_space<hbm>> -> memref<1x632x144xf32, #tpu.memory_space<hbm>>
      %dma_wait3A_158 = tpu.memref_squeeze %dma_wait3A_157 : memref<1x632x144xf32, #tpu.memory_space<hbm>> -> memref<632x144xf32, #tpu.memory_space<hbm>>
      %dma_wait3A_159 = arith.constant 0 : i32
      %dma_wait3A_160 = tpu.memref_slice %arg13[%mul3A_150, %dma_wait3A_159] : memref<10112x144xf32, #tpu.memory_space<vmem_shared>> -> memref<632x144xf32, #tpu.memory_space<vmem_shared>>
      tpu.wait_dma2 semaphore(%run_scoped3A : memref<!tpu.dma_semaphore, #tpu.memory_space<semaphore_mem>>) src(%dma_wait3A_160 : memref<632x144xf32, #tpu.memory_space<vmem_shared>>) dst(%dma_wait3A_158 : memref<632x144xf32, #tpu.memory_space<hbm>>)
      tpu.yield
    }) : () -> ()
    return
  }
}

module attributes {stable_mosaic.version = 14 : i64} {
  func.func @body_a(%arg0: i32, %arg1: memref<1000x128xf32, #tpu.memory_space<vmem>>, %arg2: memref<128x128xf32, #tpu.memory_space<vmem>>, %arg3: memref<128x128xf32, #tpu.memory_space<vmem>>, %arg4: memref<1000x128xf32, #tpu.memory_space<vmem>>, %arg5: memref<1000x144xf32, #tpu.memory_space<vmem>>) attributes {dimension_semantics = [#tpu.dimension_semantics<arbitrary>], iteration_bounds = array<i64: 10>, scalar_prefetch = 0 : i64, scratch_operands = 0 : i64, tpu.core_type = #tpu.core_type<tc>, window_params = [{transform_indices = @transform_0, window_bounds = array<i64: 1000, 128>}, {pipeline_mode = #tpu.pipeline_mode<synchronous>, transform_indices = @transform_1, window_bounds = array<i64: 128, 128>}, {pipeline_mode = #tpu.pipeline_mode<synchronous>, transform_indices = @transform_2, window_bounds = array<i64: 128, 128>}, {transform_indices = @transform_3, window_bounds = array<i64: 1000, 128>}, {transform_indices = @transform_4, window_bounds = array<i64: 1000, 144>}]} {
    %get3A = arith.constant 0 : index
    %get3A_0 = arith.constant 0 : index
    %get3A_1 = vector.load %arg1[%get3A, %get3A_0] : memref<1000x128xf32, #tpu.memory_space<vmem>>, vector<1000x128xf32>
    %get3A_2 = arith.constant 0 : index
    %get3A_3 = arith.constant 0 : index
    %get3A_4 = vector.load %arg2[%get3A_2, %get3A_3] : memref<128x128xf32, #tpu.memory_space<vmem>>, vector<128x128xf32>
    %dot_general3A = arith.constant dense<0.000000e+00> : vector<1000x128xf32>
    %dot_general3A_5 = tpu.matmul %get3A_1, %get3A_4, %dot_general3A {dimension_numbers = #tpu.dot_dimension_numbers<[1], [0], [0], [1], [0, 0, 1, 1], [], []>, transpose_lhs_hint = false} : vector<1000x128xf32>, vector<128x128xf32>, vector<1000x128xf32> -> vector<1000x128xf32>
    %swap3A = arith.constant 0 : index
    %swap3A_6 = arith.constant 0 : index
    %swap3A_7 = vector.load %arg4[%swap3A, %swap3A_6] : memref<1000x128xf32, #tpu.memory_space<vmem>>, vector<1000x128xf32>
    tpu.vector_store %arg4[%swap3A, %swap3A_6], %dot_general3A_5 {strides = array<i32>} : memref<1000x128xf32, #tpu.memory_space<vmem>>, vector<1000x128xf32>,
    %get3A_8 = arith.constant 0 : index
    %get3A_9 = arith.constant 0 : index
    %get3A_10 = vector.load %arg3[%get3A_8, %get3A_9] : memref<128x128xf32, #tpu.memory_space<vmem>>, vector<128x128xf32>
    %dot_general3A_11 = arith.constant dense<0.000000e+00> : vector<1000x128xf32>
    %dot_general3A_12 = tpu.matmul %get3A_1, %get3A_10, %dot_general3A_11 {dimension_numbers = #tpu.dot_dimension_numbers<[1], [0], [0], [1], [0, 0, 1, 1], [], []>, transpose_lhs_hint = false} : vector<1000x128xf32>, vector<128x128xf32>, vector<1000x128xf32> -> vector<1000x128xf32>
    %broadcast_in_dim3A = arith.constant 1.000000e+00 : f32
    %broadcast_in_dim3A_13 = vector.broadcast %broadcast_in_dim3A : f32 to vector<1000x16xf32>
    %concatenate3A = tpu.concatenate %dot_general3A_12, %broadcast_in_dim3A_13 in 1 : vector<1000x128xf32>, vector<1000x16xf32> -> vector<1000x144xf32>
    %swap3A_14 = arith.constant 0 : index
    %swap3A_15 = arith.constant 0 : index
    %swap3A_16 = vector.load %arg5[%swap3A_14, %swap3A_15] : memref<1000x144xf32, #tpu.memory_space<vmem>>, vector<1000x144xf32>
    tpu.vector_store %arg5[%swap3A_14, %swap3A_15], %concatenate3A {strides = array<i32>} : memref<1000x144xf32, #tpu.memory_space<vmem>>, vector<1000x144xf32>,
    return
  }
  func.func @transform_0(%arg0: i32) -> (i32, i32) {
    %c0_i32 = arith.constant 0 : i32
    %c0_i32_0 = arith.constant 0 : i32
    return %arg0, %c0_i32 : i32, i32
  }
  func.func @transform_1(%arg0: i32) -> (i32, i32) {
    %c0_i32 = arith.constant 0 : i32
    %c0_i32_0 = arith.constant 0 : i32
    %c0_i32_1 = arith.constant 0 : i32
    return %c0_i32, %c0_i32_0 : i32, i32
  }
  func.func @transform_2(%arg0: i32) -> (i32, i32) {
    %c0_i32 = arith.constant 0 : i32
    %c0_i32_0 = arith.constant 0 : i32
    %c0_i32_1 = arith.constant 0 : i32
    return %c0_i32, %c0_i32_0 : i32, i32
  }
  func.func @transform_3(%arg0: i32) -> (i32, i32) {
    %c0_i32 = arith.constant 0 : i32
    %c0_i32_0 = arith.constant 0 : i32
    return %arg0, %c0_i32 : i32, i32
  }
  func.func @transform_4(%arg0: i32) -> (i32, i32) {
    %c0_i32 = arith.constant 0 : i32
    %c0_i32_0 = arith.constant 0 : i32
    return %arg0, %c0_i32 : i32, i32
  }
}

module attributes {stable_mosaic.version = 14 : i64} {
  func.func @body_b(%arg0: i32, %arg1: memref<1000x128xf32, #tpu.memory_space<vmem>>, %arg2: memref<1x1000x144xf32, #tpu.memory_space<vmem>>, %arg3: memref<1x1000x144xf32, #tpu.memory_space<vmem>>, %arg4: memref<1x128xf32, #tpu.memory_space<vmem>>, %arg5: memref<128x48xf32, #tpu.memory_space<vmem>>, %arg6: memref<128x48xf32, #tpu.memory_space<vmem>>, %arg7: memref<1000x48xf32, #tpu.memory_space<vmem>>, %arg8: memref<1000x48xf32, #tpu.memory_space<vmem>>, %arg9: memref<1000x48xf32, #tpu.memory_space<vmem>>) attributes {dimension_semantics = [#tpu.dimension_semantics<arbitrary>], iteration_bounds = array<i64: 10>, scalar_prefetch = 0 : i64, scratch_operands = 0 : i64, tpu.core_type = #tpu.core_type<tc>, window_params = [{transform_indices = @transform_0, window_bounds = array<i64: 1000, 128>}, {transform_indices = @transform_1, window_bounds = array<i64: 1, 1000, 144>}, {transform_indices = @transform_2, window_bounds = array<i64: 1, 1000, 144>}, {pipeline_mode = #tpu.pipeline_mode<synchronous>, transform_indices = @transform_3, window_bounds = array<i64: 1, 128>}, {pipeline_mode = #tpu.pipeline_mode<synchronous>, transform_indices = @transform_4, window_bounds = array<i64: 128, 48>}, {pipeline_mode = #tpu.pipeline_mode<synchronous>, transform_indices = @transform_5, window_bounds = array<i64: 128, 48>}, {transform_indices = @transform_6, window_bounds = array<i64: 1000, 48>}, {transform_indices = @transform_7, window_bounds = array<i64: 1000, 48>}, {transform_indices = @transform_8, window_bounds = array<i64: 1000, 48>}]} {
    %get3A = arith.constant 0 : index
    %get3A_0 = arith.constant 0 : index
    %get3A_1 = arith.constant 0 : index
    %get3A_2 = vector.load %arg2[%get3A, %get3A_0, %get3A_1] : memref<1x1000x144xf32, #tpu.memory_space<vmem>>, vector<1x1000x144xf32>
    %get3A_3 = vector.shape_cast %get3A_2 : vector<1x1000x144xf32> to vector<1000x144xf32>
    %get3A_4 = arith.constant 0 : index
    %get3A_5 = arith.constant 0 : index
    %get3A_6 = arith.constant 0 : index
    %get3A_7 = vector.load %arg3[%get3A_4, %get3A_5, %get3A_6] : memref<1x1000x144xf32, #tpu.memory_space<vmem>>, vector<1x1000x144xf32>
    %get3A_8 = vector.shape_cast %get3A_7 : vector<1x1000x144xf32> to vector<1000x144xf32>
    %slice3A = vector.extract_strided_slice %get3A_3 {offsets = [0, 128], sizes = [1000, 1], strides = [1, 1]} : vector<1000x144xf32> to vector<1000x1xf32>
    %slice3A_9 = vector.extract_strided_slice %get3A_8 {offsets = [0, 128], sizes = [1000, 1], strides = [1, 1]} : vector<1000x144xf32> to vector<1000x1xf32>
    %add3A = arith.addf %slice3A, %slice3A_9 : vector<1000x1xf32>
    %max3A = arith.constant 1.000000e+00 : f32
    %max3A_10 = vector.broadcast %max3A : f32 to vector<1000x1xf32>
    %max3A_11 = arith.maximumf %add3A, %max3A_10 : vector<1000x1xf32>
    %div3A = arith.constant 1.000000e+00 : f32
    %div3A_12 = vector.broadcast %div3A : f32 to vector<1000x1xf32>
    %div3A_13 = arith.divf %div3A_12, %max3A_11 : vector<1000x1xf32>
    %slice3A_14 = vector.extract_strided_slice %get3A_3 {offsets = [0, 0], sizes = [1000, 128], strides = [1, 1]} : vector<1000x144xf32> to vector<1000x128xf32>
    %slice3A_15 = vector.extract_strided_slice %get3A_8 {offsets = [0, 0], sizes = [1000, 128], strides = [1, 1]} : vector<1000x144xf32> to vector<1000x128xf32>
    %add3A_16 = arith.addf %slice3A_14, %slice3A_15 : vector<1000x128xf32>
    %mul3A = vector.broadcast %div3A_13 : vector<1000x1xf32> to vector<1000x128xf32>
    %mul3A_17 = arith.mulf %add3A_16, %mul3A : vector<1000x128xf32>
    %get3A_18 = arith.constant 0 : index
    %get3A_19 = arith.constant 0 : index
    %get3A_20 = vector.load %arg1[%get3A_18, %get3A_19] : memref<1000x128xf32, #tpu.memory_space<vmem>>, vector<1000x128xf32>
    %add3A_21 = arith.addf %get3A_20, %mul3A_17 : vector<1000x128xf32>
    %get3A_22 = arith.constant 0 : index
    %get3A_23 = arith.constant 0 : index
    %get3A_24 = vector.load %arg4[%get3A_22, %get3A_23] : memref<1x128xf32, #tpu.memory_space<vmem>>, vector<1x128xf32>
    %add3A_25 = vector.broadcast %get3A_24 : vector<1x128xf32> to vector<1000x128xf32>
    %add3A_26 = arith.addf %add3A_21, %add3A_25 : vector<1000x128xf32>
    %max3A_27 = arith.constant 0.000000e+00 : f32
    %max3A_28 = vector.broadcast %max3A_27 : f32 to vector<1000x128xf32>
    %max3A_29 = arith.maximumf %add3A_26, %max3A_28 : vector<1000x128xf32>
    %get3A_30 = arith.constant 0 : index
    %get3A_31 = arith.constant 0 : index
    %get3A_32 = vector.load %arg5[%get3A_30, %get3A_31] : memref<128x48xf32, #tpu.memory_space<vmem>>, vector<128x48xf32>
    %dot_general3A = arith.constant dense<0.000000e+00> : vector<1000x48xf32>
    %dot_general3A_33 = tpu.matmul %max3A_29, %get3A_32, %dot_general3A {dimension_numbers = #tpu.dot_dimension_numbers<[1], [0], [0], [1], [0, 0, 1, 1], [], []>, transpose_lhs_hint = false} : vector<1000x128xf32>, vector<128x48xf32>, vector<1000x48xf32> -> vector<1000x48xf32>
    %swap3A = arith.constant 0 : index
    %swap3A_34 = arith.constant 0 : index
    %swap3A_35 = vector.load %arg7[%swap3A, %swap3A_34] : memref<1000x48xf32, #tpu.memory_space<vmem>>, vector<1000x48xf32>
    tpu.vector_store %arg7[%swap3A, %swap3A_34], %dot_general3A_33 {strides = array<i32>} : memref<1000x48xf32, #tpu.memory_space<vmem>>, vector<1000x48xf32>,
    %get3A_36 = arith.constant 0 : index
    %get3A_37 = arith.constant 0 : index
    %get3A_38 = vector.load %arg6[%get3A_36, %get3A_37] : memref<128x48xf32, #tpu.memory_space<vmem>>, vector<128x48xf32>
    %dot_general3A_39 = arith.constant dense<0.000000e+00> : vector<1000x48xf32>
    %dot_general3A_40 = tpu.matmul %max3A_29, %get3A_38, %dot_general3A_39 {dimension_numbers = #tpu.dot_dimension_numbers<[1], [0], [0], [1], [0, 0, 1, 1], [], []>, transpose_lhs_hint = false} : vector<1000x128xf32>, vector<128x48xf32>, vector<1000x48xf32> -> vector<1000x48xf32>
    %swap3A_41 = arith.constant 0 : index
    %swap3A_42 = arith.constant 0 : index
    %swap3A_43 = vector.load %arg8[%swap3A_41, %swap3A_42] : memref<1000x48xf32, #tpu.memory_space<vmem>>, vector<1000x48xf32>
    tpu.vector_store %arg8[%swap3A_41, %swap3A_42], %dot_general3A_40 {strides = array<i32>} : memref<1000x48xf32, #tpu.memory_space<vmem>>, vector<1000x48xf32>,
    %broadcast_in_dim3A = vector.shape_cast %div3A_13 : vector<1000x1xf32> to vector<1000x1xf32>
    %broadcast_in_dim3A_44 = vector.broadcast %broadcast_in_dim3A : vector<1000x1xf32> to vector<1000x48xf32>
    %swap3A_45 = arith.constant 0 : index
    %swap3A_46 = arith.constant 0 : index
    %swap3A_47 = vector.load %arg9[%swap3A_45, %swap3A_46] : memref<1000x48xf32, #tpu.memory_space<vmem>>, vector<1000x48xf32>
    tpu.vector_store %arg9[%swap3A_45, %swap3A_46], %broadcast_in_dim3A_44 {strides = array<i32>} : memref<1000x48xf32, #tpu.memory_space<vmem>>, vector<1000x48xf32>,
    return
  }
  func.func @transform_0(%arg0: i32) -> (i32, i32) {
    %c0_i32 = arith.constant 0 : i32
    %c0_i32_0 = arith.constant 0 : i32
    return %arg0, %c0_i32 : i32, i32
  }
  func.func @transform_1(%arg0: i32) -> (i32, i32, i32) {
    %c0_i32 = arith.constant 0 : i32
    %c0_i32_0 = arith.constant 0 : i32
    %c0_i32_1 = arith.constant 0 : i32
    return %c0_i32, %arg0, %c0_i32_0 : i32, i32, i32
  }
  func.func @transform_2(%arg0: i32) -> (i32, i32, i32) {
    %c1_i32 = arith.constant 1 : i32
    %c0_i32 = arith.constant 0 : i32
    %c0_i32_0 = arith.constant 0 : i32
    return %c1_i32, %arg0, %c0_i32 : i32, i32, i32
  }
  func.func @transform_3(%arg0: i32) -> (i32, i32) {
    %c0_i32 = arith.constant 0 : i32
    %c0_i32_0 = arith.constant 0 : i32
    %c0_i32_1 = arith.constant 0 : i32
    return %c0_i32, %c0_i32_0 : i32, i32
  }
  func.func @transform_4(%arg0: i32) -> (i32, i32) {
    %c0_i32 = arith.constant 0 : i32
    %c0_i32_0 = arith.constant 0 : i32
    %c0_i32_1 = arith.constant 0 : i32
    return %c0_i32, %c0_i32_0 : i32, i32
  }
  func.func @transform_5(%arg0: i32) -> (i32, i32) {
    %c0_i32 = arith.constant 0 : i32
    %c0_i32_0 = arith.constant 0 : i32
    %c0_i32_1 = arith.constant 0 : i32
    return %c0_i32, %c0_i32_0 : i32, i32
  }
  func.func @transform_6(%arg0: i32) -> (i32, i32) {
    %c0_i32 = arith.constant 0 : i32
    %c0_i32_0 = arith.constant 0 : i32
    return %arg0, %c0_i32 : i32, i32
  }
  func.func @transform_7(%arg0: i32) -> (i32, i32) {
    %c0_i32 = arith.constant 0 : i32
    %c0_i32_0 = arith.constant 0 : i32
    return %arg0, %c0_i32 : i32, i32
  }
  func.func @transform_8(%arg0: i32) -> (i32, i32) {
    %c0_i32 = arith.constant 0 : i32
    %c0_i32_0 = arith.constant 0 : i32
    return %arg0, %c0_i32 : i32, i32
  }
}

module attributes {stable_mosaic.version = 14 : i64} {
  func.func @body_c(%arg0: i32, %arg1: memref<1000x48xf32, #tpu.memory_space<vmem>>, %arg2: memref<1x1000x48xf32, #tpu.memory_space<vmem>>, %arg3: memref<1x1000x48xf32, #tpu.memory_space<vmem>>, %arg4: memref<1000x48xf32, #tpu.memory_space<vmem>>, %arg5: memref<1x48xf32, #tpu.memory_space<vmem>>, %arg6: memref<1000x47xf32, #tpu.memory_space<vmem>>) attributes {dimension_semantics = [#tpu.dimension_semantics<arbitrary>], iteration_bounds = array<i64: 10>, scalar_prefetch = 0 : i64, scratch_operands = 0 : i64, tpu.core_type = #tpu.core_type<tc>, window_params = [{transform_indices = @transform_0, window_bounds = array<i64: 1000, 48>}, {transform_indices = @transform_1, window_bounds = array<i64: 1, 1000, 48>}, {transform_indices = @transform_2, window_bounds = array<i64: 1, 1000, 48>}, {transform_indices = @transform_3, window_bounds = array<i64: 1000, 48>}, {pipeline_mode = #tpu.pipeline_mode<synchronous>, transform_indices = @transform_4, window_bounds = array<i64: 1, 48>}, {transform_indices = @transform_5, window_bounds = array<i64: 1000, 47>}]} {
    %get3A = arith.constant 0 : index
    %get3A_0 = arith.constant 0 : index
    %get3A_1 = arith.constant 0 : index
    %get3A_2 = vector.load %arg2[%get3A, %get3A_0, %get3A_1] : memref<1x1000x48xf32, #tpu.memory_space<vmem>>, vector<1x1000x48xf32>
    %get3A_3 = vector.shape_cast %get3A_2 : vector<1x1000x48xf32> to vector<1000x48xf32>
    %get3A_4 = arith.constant 0 : index
    %get3A_5 = arith.constant 0 : index
    %get3A_6 = arith.constant 0 : index
    %get3A_7 = vector.load %arg3[%get3A_4, %get3A_5, %get3A_6] : memref<1x1000x48xf32, #tpu.memory_space<vmem>>, vector<1x1000x48xf32>
    %get3A_8 = vector.shape_cast %get3A_7 : vector<1x1000x48xf32> to vector<1000x48xf32>
    %add3A = arith.addf %get3A_3, %get3A_8 : vector<1000x48xf32>
    %get3A_9 = arith.constant 0 : index
    %get3A_10 = arith.constant 0 : index
    %get3A_11 = vector.load %arg4[%get3A_9, %get3A_10] : memref<1000x48xf32, #tpu.memory_space<vmem>>, vector<1000x48xf32>
    %mul3A = arith.mulf %add3A, %get3A_11 : vector<1000x48xf32>
    %get3A_12 = arith.constant 0 : index
    %get3A_13 = arith.constant 0 : index
    %get3A_14 = vector.load %arg1[%get3A_12, %get3A_13] : memref<1000x48xf32, #tpu.memory_space<vmem>>, vector<1000x48xf32>
    %add3A_15 = arith.addf %get3A_14, %mul3A : vector<1000x48xf32>
    %get3A_16 = arith.constant 0 : index
    %get3A_17 = arith.constant 0 : index
    %get3A_18 = vector.load %arg5[%get3A_16, %get3A_17] : memref<1x48xf32, #tpu.memory_space<vmem>>, vector<1x48xf32>
    %add3A_19 = vector.broadcast %get3A_18 : vector<1x48xf32> to vector<1000x48xf32>
    %add3A_20 = arith.addf %add3A_15, %add3A_19 : vector<1000x48xf32>
    %slice3A = vector.extract_strided_slice %add3A_20 {offsets = [0, 0], sizes = [1000, 47], strides = [1, 1]} : vector<1000x48xf32> to vector<1000x47xf32>
    %swap3A = arith.constant 0 : index
    %swap3A_21 = arith.constant 0 : index
    %swap3A_22 = vector.load %arg6[%swap3A, %swap3A_21] : memref<1000x47xf32, #tpu.memory_space<vmem>>, vector<1000x47xf32>
    tpu.vector_store %arg6[%swap3A, %swap3A_21], %slice3A {strides = array<i32>} : memref<1000x47xf32, #tpu.memory_space<vmem>>, vector<1000x47xf32>,
    return
  }
  func.func @transform_0(%arg0: i32) -> (i32, i32) {
    %c0_i32 = arith.constant 0 : i32
    %c0_i32_0 = arith.constant 0 : i32
    return %arg0, %c0_i32 : i32, i32
  }
  func.func @transform_1(%arg0: i32) -> (i32, i32, i32) {
    %c0_i32 = arith.constant 0 : i32
    %c0_i32_0 = arith.constant 0 : i32
    %c0_i32_1 = arith.constant 0 : i32
    return %c0_i32, %arg0, %c0_i32_0 : i32, i32, i32
  }
  func.func @transform_2(%arg0: i32) -> (i32, i32, i32) {
    %c1_i32 = arith.constant 1 : i32
    %c0_i32 = arith.constant 0 : i32
    %c0_i32_0 = arith.constant 0 : i32
    return %c1_i32, %arg0, %c0_i32 : i32, i32, i32
  }
  func.func @transform_3(%arg0: i32) -> (i32, i32) {
    %c0_i32 = arith.constant 0 : i32
    %c0_i32_0 = arith.constant 0 : i32
    return %arg0, %c0_i32 : i32, i32
  }
  func.func @transform_4(%arg0: i32) -> (i32, i32) {
    %c0_i32 = arith.constant 0 : i32
    %c0_i32_0 = arith.constant 0 : i32
    %c0_i32_1 = arith.constant 0 : i32
    return %c0_i32, %c0_i32_0 : i32, i32
  }
  func.func @transform_5(%arg0: i32) -> (i32, i32) {
    %c0_i32 = arith.constant 0 : i32
    %c0_i32_0 = arith.constant 0 : i32
    return %arg0, %c0_i32 : i32, i32
  }
}

</mosaic_0001>

<sc_bundles>
// kernel: kernel.10.cloned.1.call-start
scs
__scs_entry_jumppad:
0x0: {  	(pc) =	sbr.rel $0x88, $3  }
0x1: {  	(tag) =	ssettag $0x0;
	lr =	simm.s32 $0x1  }
0x2: {  	[smem:$0x3F99] =	sst lr;
	_ =	strace $0xD0000000  }
0x3: {  	_ = 	snop  }
0x4: {  	_ = 	snop  }
0x5: {  	_ = 	snop  }
0x6: {  	_ = 	snop  }
0x7: {  	_ = 	snop  }
__scs_overlays_trampoline_lowered:
0x8: {  	[smem:$0x3FA8] =	sst s0  }
0x9: {  	[smem:$0x3FA9] =	sst s1  }
0xa: {  	[smem:$0x3FAA] =	sst s2  }
0xb: {  	[smem:$0x3FAB] =	sst s3  }
0xc: {  	[smem:$0x3FAC] =	sst s4  }
0xd: {  	[smem:$0x3FAD] =	sst s5  }
0xe: {  	[smem:$0x3FAE] =	sst s6  }
0xf: {  	[smem:$0x3FAF] =	sst s7  }
0x10: {  	[smem:$0x3FB0] =	sst s8  }
0x11: {  	[smem:$0x3FB1] =	sst s9;
	s0 =	simm.s32 @!p0 $0x0  }
0x12: {  	s1 =	sld [smem:$0x3F97];
	s0 =	simm.s32 @p0 $0x1  }
0x13: {  	[smem:$0x3FB2] =	sst s0;
	s0 =	simm.s32 @!p1 $0x0  }
0x14: {  	s2 =	sld [smem:$0x3F96];
	s0 =	simm.s32 @p1 $0x1  }
0x15: {  	[smem:$0x3FB3] =	sst s0;
	s0 =	simm.s32 @!p2 $0x0  }
0x16: {  	s3 =	sld [smem:$0x3FDB];
	s0 =	simm.s32 @p2 $0x1  }
0x17: {  	s4 =	simm.s32 $0x1BF5;
	[smem:$0x3FB5] =	sst s0  }
0x18: {  	s0 =	sld [smem:$0x3F98];
	_ =	swait.ge [sflag:s4], $0x0  }
0x19: {  	s7 =	sld [smem:$0x3F99]  }
0x1a: {  	s8 =	sadd.s32 $0xFFFFE003, lr  }
0x1b: {  	s9 =	sadd.s32 $0xFFFFFEF7, lr;
	s5 =	simm.s32 $0xFFFFFFFF;
	p2 =	slt.u32 s8, $0xFFFFF086  }
0x1c: {  	p1 =	slt.u32 s9, $0xF7A;
	s5 =	simm.s32 @!p2 $0x0  }
0x1d: {  	s5 =	simm.s32 @p1 $0x1;
	p0 =	seq.s32 s7, s2  }
0x1e: {  	s7 =	smul.u32 @!p0 $0xF7A, s2;
	p2 =	seq.s32 @!p0 s5, $0x0  }
0x1f: {  	s9 =	smul.u32 $0xF7A, s1;
	s8 =	simm.s32 @!p0 $0x1BF5;
	p2 =	por !p2, p0  }
0x20: {  	[sflag:s8] =	ssyncset.s32 @!p0 $0xFFFFF086;
	s6 =	sadd.s32 @!p0 s3, s7;
	s7 =	simm.s32 @!p0 $0x108  }
0x21: {  	s3 =	sadd.s32 s3, s9;
	s6 =	sadd.s32 @!p0 $0x88, s6;
	s7 =	simm.s32 @p2 $0x1082  }
0x22: {  	[simem:s7], [sflag:s8] =	dma.local @!p0 [hbm:s6], $0xF7A  }
0x23: {  	s9 =	sor.u32 $0xD0000000, s2;
	s6 =	simm.s32 $0x108;
	_ =	swait.ge @!p0 [sflag:s8], $0x0  }
0x24: {  	s3 =	sadd.s32 $0x88, s3;
	s6 =	simm.s32 @!p1 $0x1082;
	[sflag:s4] =	ssyncset.s32 $0xFFFFF086  }
0x25: {  	[simem:s6], [sflag:s4] =	dma.local [hbm:s3], $0xF7A  }
0x26: {  	[smem:$0x3F99] =	sst s1;
	(tag) =	ssettag s2;
	_ =	strace s9  }
0x27: {  	s1 =	sld [smem:$0x3FA9]  }
0x28: {  	s2 =	sld [smem:$0x3FAA]  }
0x29: {  	s4 =	sld [smem:$0x3FAC]  }
0x2a: {  	p0 =	seq.s32 s5, $0x0;
	s5 =	sld [smem:$0x3FAD]  }
0x2b: {  	s6 =	sld [smem:$0x3FAE]  }
0x2c: {  	s7 =	sld [smem:$0x3FAF]  }
0x2d: {  	s3 =	simm.s32 $0x108;
	s8 =	sld [smem:$0x3FB0]  }
0x2e: {  	s3 =	simm.s32 @!p0 $0x1082;
	s9 =	sld [smem:$0x3FB1]  }
0x2f: {  	lr =	sadd.s32 s0, s3;
	s0 =	sld [smem:$0x3FA8]  }
0x30: {  	s3 =	sld [smem:$0x3FAB]  }
0x31: {  	[smem:$0x3FB4] =	sst s10  }
0x32: {  	s10 =	sld [smem:$0x3FB2];
	_ =	sdelay $0x3  }
0x33: {  	p0 =	seq.s32 s10, $0x1;
	s10 =	sld [smem:$0x3FB4];
	_ =	sdelay $0x3  }
0x34: {  	[smem:$0x3FB4] =	sst s10  }
0x35: {  	s10 =	sld [smem:$0x3FB3];
	_ =	sdelay $0x3  }
0x36: {  	p1 =	seq.s32 s10, $0x1;
	s10 =	sld [smem:$0x3FB4];
	_ =	sdelay $0x3  }
0x37: {  	[smem:$0x3FB4] =	sst s10  }
0x38: {  	s10 =	sld [smem:$0x3FB5]  }
0x39: {  	_ = 	snop;
	(pc) =	sbr.ind lr, $3  }
0x3a: {  	_ = 	snop  }
0x3b: {  	_ = 	snop  }
0x3c: {  	p2 =	seq.s32 s10, $0x1;
	s10 =	sld [smem:$0x3FB4]  }
0x3d: {  	_ =	shalt  }
0x3e: {  	_ =	shalt  }
0x3f: {  	_ =	shalt  }
0x40: {  	_ =	shalt  }
0x41: {  	_ =	shalt  }
0x42: {  	_ =	shalt  }
0x43: {  	_ =	shalt  }
0x44: {  	_ =	shalt  }
0x45: {  	_ =	shalt  }
0x46: {  	_ =	shalt  }
0x47: {  	_ =	shalt  }
0x48: {  	_ =	shalt  }
0x49: {  	_ =	shalt  }
0x4a: {  	_ =	shalt  }
0x4b: {  	_ =	shalt  }
0x4c: {  	_ =	shalt  }
0x4d: {  	_ =	shalt  }
0x4e: {  	_ =	shalt  }
0x4f: {  	_ =	shalt  }
0x50: {  	_ =	shalt  }
0x51: {  	_ =	shalt  }
0x52: {  	_ =	shalt  }
0x53: {  	_ =	shalt  }
0x54: {  	_ =	shalt  }
0x55: {  	_ =	shalt  }
0x56: {  	_ =	shalt  }
0x57: {  	_ =	shalt  }
0x58: {  	_ =	shalt  }
0x59: {  	_ =	shalt  }
0x5a: {  	_ =	shalt  }
0x5b: {  	_ =	shalt  }
0x5c: {  	_ =	shalt  }
0x5d: {  	_ =	shalt  }
0x5e: {  	_ =	shalt  }
0x5f: {  	_ =	shalt  }
0x60: {  	_ =	shalt  }
0x61: {  	_ =	shalt  }
0x62: {  	_ =	shalt  }
0x63: {  	_ =	shalt  }
0x64: {  	_ =	shalt  }
0x65: {  	_ =	shalt  }
0x66: {  	_ =	shalt  }
0x67: {  	_ =	shalt  }
0x68: {  	_ =	shalt  }
0x69: {  	_ =	shalt  }
0x6a: {  	_ =	shalt  }
0x6b: {  	_ =	shalt  }
0x6c: {  	_ =	shalt  }
0x6d: {  	_ =	shalt  }
0x6e: {  	_ =	shalt  }
0x6f: {  	_ =	shalt  }
0x70: {  	_ =	shalt  }
0x71: {  	_ =	shalt  }
0x72: {  	_ =	shalt  }
0x73: {  	_ =	shalt  }
0x74: {  	_ =	shalt  }
0x75: {  	_ =	shalt  }
0x76: {  	_ =	shalt  }
0x77: {  	_ =	shalt  }
0x78: {  	_ =	shalt  }
0x79: {  	_ =	shalt  }
0x7a: {  	_ =	shalt  }
0x7b: {  	_ =	shalt  }
0x7c: {  	_ =	shalt  }
0x7d: {  	_ =	shalt  }
0x7e: {  	_ =	shalt  }
0x7f: {  	_ =	shalt  }
0x80: {  	_ =	shalt  }
0x81: {  	_ =	shalt  }
0x82: {  	_ =	shalt  }
0x83: {  	_ =	shalt  }
0x84: {  	_ =	shalt  }
0x85: {  	_ =	shalt  }
0x86: {  	_ =	shalt  }
0x87: {  	_ =	shalt  }
.Lfunc_end0:
.L_simem_size_0:
called_computation.1_lowered:
.L_overlay_start_0:
0x88: {  	s2 =	sld [smem:$0x3FD9]  }
0x89: {  	s3 =	sld [smem:$0x3FFE];
	_ =	sdelay $0x1  }
0x8a: {  	s1 =	srdreg.scid  }
0x8b: {  	s0 =	sand.u32 $0x1, s1  }
0x8c: {  	s17 =	sshll.u32 s0, $0xA;
	s2 =	sadd.s32 s3, s2  }
0x8d: {  	s2 =	sadd.s32 s2, s17  }
0x8e: {  	[smem:$0x3FC0] =	sst s2  }
0x8f: {  	_ = 	snop  }
0x90: {  	s2 =	sld [smem:$0x3FD0];
	(tm) =	ssettm $0x1  }
0x91: {  	s18 =	sld [smem:$0x3FFB];
	_ =	sdelay $0x3  }
0x92: {  	_ =	strace s18  }
0x93: {  	s3 =	sld [smem:$0x3FFC];
	_ =	sdelay $0x3  }
0x94: {  	_ =	strace s3  }
0x95: {  	s3 =	sld [smem:$0x3FFD];
	_ =	sdelay $0x3  }
0x96: {  	_ =	strace s3  }
0x97: {  	_ =	strace $0x8FFFFFFF  }
0x98: {  	s19 =	sld [smem:$0x3FDB];
	_ =	sdelay $0x1  }
0x99: {  	s4 =	simm.s32 $_scs_section_size  }
0x9a: {  	s5 =	simm.s32 $_size__tile_overlayer_lowered;
	s6 =	simm.s32 $_tile_overlayer_lowered  }
0x9b: {  	s22 =	simm.s32 $0x1BFF;
	s21 =	sshll.u32 s6, $0x1;
	s3 =	sadd.s32 s4, s19  }
0x9c: {  	s7 =	simm.s32 $0x0;
	s20 =	sshll.u32 s5, $0x1;
	s5 =	sadd.s32 s21, s3  }
0x9d: {  	[timem:s7], [sflag:s22] =	dma.local [hbm:s5], s20  }
0x9e: {  	_ =	swait.ge [sflag:s22], s20  }
0x9f: {  	s4 =	ssub.s32 $0x0, s20;
	[sflag:s22] =	ssyncset.done $0x0  }
0xa0: {  	[sflag:s22] =	ssyncadd.s32 s4;
	_ =	sdelay $0x1  }
0xa1: {  	s23 =	simm.s32 $0x1B8B  }
0xa2: {  	_ =	swait.ge [sflag:s23], $0x1  }
0xa3: {  	[sflag:s23] =	ssyncset.done $0x0  }
0xa4: {  	s25 =	simm.s32 $0x1B8E;
	s24 =	sld [smem:$0x3FFE];
	[sflag:s23] =	ssyncadd.s32 $0xFFFFFFFF  }
0xa5: {  	s26 =	simm.s32 $execute0_lowered;
	[smem:$0x3FD2] =	sst s25  }
0xa6: {  	s5 =	sshll.u32 s26, $0x1;
	_ =	strace $0x80000049;
	[dreg:$0x1] =	wrdreg $0xFFFFFFFF  }
0xa7: {  	s28 =	simm.s32 $_size_execute0_lowered;
	s3 =	sadd.s32 s3, s5;
	[dreg:$0x0] =	wrdreg $0x0  }
0xa8: {  	s5 =	sshll.u32 s28, $0x1;
	[dreg:$0x2] =	wrdreg s3  }
0xa9: {  	[dreg:$0x3] =	wrdreg s5  }
0xaa: {  	[dreg:$0x4] =	wrdreg $0xC0  }
0xab: {  	_ =	task [dreg:s7], $0x5FFFF  }
0xac: {  	[dreg:$0x1] =	wrdreg $0xFFFFFFFF  }
0xad: {  	[dreg:$0x0] =	wrdreg $0x60  }
0xae: {  	[dreg:$0x2] =	wrdreg s2  }
0xaf: {  	[dreg:$0x3] =	wrdreg s24  }
0xb0: {  	[dreg:$0x4] =	wrdreg $0xC8000  }
0xb1: {  	[dreg:$0x5] =	wrdreg $0x9  }
0xb2: {  	_ =	task.clear_ibuf [dreg:s7], $0x6FFFF;
	_ =	strace $0x90000049  }
0xb3: {  	s29 =	simm.s32 $0x9;
	_ =	strace $0x8000004B  }
0xb4: {  	_ =	swait.ge [sflag:s29], $0x1  }
0xb5: {  	[sflag:s29] =	ssyncadd.s32 $0xFFFFFFFF  }
0xb6: {  	_ =	strace $0x9000004B  }
0xb7: {  	_ =	sfence  }
0xb8: {  	s30 =	sld [smem:$0x0];
	_ =	sdelay $0x2  }
0xb9: {  	s31 =	sshll.u32 s1, $0xD;
	s1 =	sshrl.u32 s1, $0x2  }
0xba: {  	s3 =	sand.u32 $0x4000, s31;
	s1 =	sadd.s32 s1, s30  }
0xbb: {  	s0 =	sor.u32 s3, s0;
	s1 =	sshll.u32 s1, $0x11  }
0xbc: {  	s0 =	sor.u32 s1, s0  }
0xbd: {  	s0 =	sadd.s32 $0x8F2B, s0  }
0xbe: {  	[sflag:s0] =	ssyncadd.remote.s32 $0x1  }
0xbf: {  	_ =	sfence.sel $0xFFFF  }
0xc0: {  	[dreg:$0x0] =	wrdreg $0xFFFFFFFF;
	(pc) =	sbr.abs _section_cstart, $3  }
0xc1: {  	[dreg:$0x1] =	wrdreg $0xFFFFFFFF  }
0xc2: {  	_ =	task.clear_ibuf [dreg:s7], $0x2FFFF;
	_ =	strace $0x9FFFFFFF  }
0xc3: {  	(tm) =	ssettm $0x7FFFFFFF  }
tec
execute0_lowered:
.L_overlay_start_1:
0x0: {  	(tag) =	ssettag $0x1  }
0x1: {  	s1 =	rddreg [dreg:$0x0]  }
0x2: {  	s5 =	rddreg [dreg:$0x1]  }
0x3: {  	s0 =	srdreg.scid;
	s3 =	rddreg [dreg:$0x2]  }
0x4: {  	s12 =	stileid.u32;
	s28 =	simm.s32 $0x8000;
	s29 =	simm.s32 $0x300  }
0x5: {  	s30 =	simm.s32 $0x700;
	s0 =	sand.u32 $0x1, s0;
	s9 =	smul.u32 $0x7680, s12  }
0x6: {  	s31 =	simm.s32 $0x780;
	s10 =	sadd.s32 $0x1, s12;
	s4 =	smul.u32 $0x9C4, s0  }
0x7: {  	s16 =	sadd.s32 $0xB000, s5;
	s17 =	sadd.s32 $0x1200, s5;
	s2 =	smul.u32 $0x4E2, s0  }
0x8: {  	s11 =	sadd.s32 $0x14E00, s5;
	s18 =	sshll.u32 s12, $0x6;
	s7 =	smul.u32 $0x76800, s0  }
0x9: {  	s13 =	ssub.s32 $0x2, s0;
	s21 =	sor.u32 $0x1C11, s18;
	s20 =	smul.u32 $0x27100, s0  }
0xa: {  	s0 =	smul.u32 $0x4E20, s0;
	s14 =	sshrl.u32 s13, $0x1;
	s6 =	sshrl.u32 s4, $0x1  }
0xb: {  	s4 =	simm.s32 $0x0;
	s7 =	sadd.s32 s9, s7;
	s9 =	sadd.s32 s9, s3  }
0xc: {  	s6 =	sadd.s32 $0x4E2, s6;
	[smem:$0x7FF] =	sst s4;
	s7 =	sshrl.u32 s7, $0x3  }
0xd: {  	s8 =	ssub.s32 s6, s2;
	_ =	strace $0x8000004A;
	[dreg:$0x15] =	wrdreg s11  }
0xe: {  	p0 =	seq.s32 s6, s2;
	s5 =	sadd.s32 s7, s5;
	s10 =	smul.u32 s10, s8  }
0xf: {  	s6 =	ssub.s32 s13, s14;
	[dreg:$0x16] =	wrdreg s9;
	s7 =	smul.u32 s12, s8  }
0x10: {  	s13 =	simm.s32 $0x1;
	[dreg:$0x14] =	wrdreg s16;
	s8 =	simm.s32 $0x1  }
0x11: {  	s26 =	sand.u32 $0xE, s10;
	s10 =	sshrl.u32 s10, $0x4;
	s15 =	sshrl.u32 s7, $0x4  }
0x12: {  	s7 =	sand.u32 $0xFFF0, s7;
	p1 =	sne.s32 s26, $0x0;
	s11 =	sshll.u32 s15, $0x7  }
0x13: {  	s9 =	sadd.s32 s2, s15;
	p0 =	por !p0, !p1;
	s11 =	sadd.s32 s11, s20  }
0x14: {  	p0 =	por !p0, !p0;
	s22 =	sadd.s32 $0x380, s11;
	s26 =	sadd.s32 $0x280, s11  }
0x15: {  	s8 =	simm.s32 @!p0 $0x0;
	s23 =	sshrl.u32 s22, $0x3;
	s18 =	sshrl.u32 s26, $0x3  }
0x16: {  	s22 =	sadd.s32 $0x200, s11;
	s26 =	sadd.s32 $0x180, s11;
	s8 =	ssub.s32 s10, s8  }
0x17: {  	s20 =	sadd.s32 s18, s17;
	s10 =	ssub.s32 s8, s15;
	p0 =	sne.s32 s8, s15  }
0x18: {  	s15 =	sadd.s32 $0x300, s11;
	[dreg:$0x8] =	wrdreg s20;
	s20 =	sadd.s32 $0x100, s11  }
0x19: {  	s11 =	sadd.s32 $0x80, s11;
	s2 =	sadd.s32 s2, s8;
	s19 =	sshll.u32 s10, $0x10  }
0x1a: {  	s14 =	sshra.s32 s10, $0x1F;
	s13 =	simm.s32 @!p0 $0x0;
	s24 =	sshrl.u32 s15, $0x3  }
0x1b: {  	s15 =	sshrl.u32 s26, $0x3;
	s11 =	sshrl.u32 s11, $0x3;
	s12 =	sshra.s32 s19, $0x1F  }
0x1c: {  	s13 =	sor.u32 s13, s14;
	s14 =	sadd.s32 s23, s17;
	s25 =	sadd.s32 s24, s17  }
0x1d: {  	s26 =	sadd.s32 s11, s17;
	s8 =	sadd.s32 s11, s16;
	s11 =	sadd.s32 s0, s16  }
0x1e: {  	s0 =	sadd.s32 s0, s17;
	s12 =	sand.u32 $0x7, s12;
	[dreg:$0x4] =	wrdreg s14  }
0x1f: {  	p5 =	sne.s32 s13, $0x1;
	s13 =	simm.s32 $0x1;
	[dreg:$0x6] =	wrdreg s25  }
0x20: {  	s14 =	sadd.s32 s24, s16;
	s24 =	sshrl.u32 s22, $0x3;
	[dreg:$0x10] =	wrdreg s26  }
0x21: {  	s22 =	sadd.s32 s15, s16;
	[dreg:$0x11] =	wrdreg s8;
	s0 =	sadd.s32 s7, s0  }
0x22: {  	s26 =	smax.u32 s6, $0x1;
	s6 =	simm.s32 $0x0;
	[dreg:$0x7] =	wrdreg s14  }
0x23: {  	s12 =	sadd.s32 s12, s10;
	s10 =	sand.u32 $0x7, s10;
	[dreg:$0xd] =	wrdreg s22  }
0x24: {  	s25 =	sadd.s32 s24, s17;
	s14 =	sadd.s32 s24, s16;
	[dreg:$0x1c] =	wrdreg s26  }
0x25: {  	[dreg:$0x13] =	wrdreg s0;
	s22 =	simm.s32 $0x200;
	s26 =	simm.s32 $0x680  }
0x26: {  	s0 =	simm.s32 $0x9800;
	p6 =	sne.s32 s10, $0x0;
	s12 =	sshll.u32 s12, $0x10  }
0x27: {  	s10 =	simm.s32 $0x1;
	[dreg:$0xa] =	wrdreg s25;
	p0 =	por !p6, !p5  }
0x28: {  	[dreg:$0xb] =	wrdreg s14;
	s14 =	sadd.s32 $0x15E00, s5;
	p0 =	por !p0, !p0  }
0x29: {  	s5 =	simm.s32 $0x10;
	s12 =	sshra.s32 s12, $0x13;
	s13 =	simm.s32 @!p0 $0x0  }
0x2a: {  	[dreg:$0x1b] =	wrdreg s14;
	s19 =	ssub.s32 s12, s13;
	s12 =	sadd.s32 s23, s16  }
0x2b: {  	s23 =	sadd.s32 s18, s16;
	s18 =	sadd.s32 s15, s17;
	[dreg:$0x5] =	wrdreg s12  }
0x2c: {  	s15 =	smov.u32 s17;
	s13 =	sshll.u32 s19, $0x3;
	[dreg:$0x9] =	wrdreg s23  }
0x2d: {  	[dreg:$0xc] =	wrdreg s18;
	s23 =	sshrl.u32 s20, $0x3;
	s12 =	sadd.s32 s7, s11  }
0x2e: {  	[dreg:$0x18] =	wrdreg s19;
	p0 =	slt.s32 s19, $0x1;
	s18 =	simm.s32 $0x400  }
0x2f: {  	s19 =	simm.s32 $0x80;
	s20 =	simm.s32 $0x800;
	s24 =	sadd.s32 s23, s17  }
0x30: {  	s25 =	sadd.s32 s23, s16;
	s9 =	sadd.s32 s9, s13;
	[dreg:$0x12] =	wrdreg s12  }
0x31: {  	s13 =	smov.u32 s2;
	s17 =	simm.s32 $0x11;
	[dreg:$0xe] =	wrdreg s24  }
.Ltmp0:
0x32: {  	s12 =	simm.s32 $0x580;
	[dreg:$0xf] =	wrdreg s25;
	(pc) =	sbr.rel .LBB2_1-.Ltmp0, $4  }
0x33: {  	s23 =	simm.s32 $0x600;
	s2 =	simm.s32 $0x380;
	[dreg:$0x1a] =	wrdreg s9  }
0x34: {  	s16 =	sshll.u32 s9, $0x4;
	p1 =	sge.s32 s9, s13;
	[dreg:$0x19] =	wrdreg s13  }
0x35: {  	s9 =	smov.u32 s21;
	s21 =	simm.s32 $0x5000;
	[dreg:$0x1d] =	wrdreg s16  }
0x36: {  	s24 =	simm.s32 $0x6800;
	s25 =	simm.s32 $0x280;
	[dreg:$0x17] =	wrdreg s9  }
.LBB2_12:
0x37: {  	s9 =	rddreg [dreg:$0x17]  }
0x38: {  	s13 =	smov.u32 s11;
	s11 =	rddreg [dreg:$0x1b]  }
.LBB2_15:
0x39: {  	s7 =	rddreg [dreg:$0x14]  }
0x3a: {  	[sflag:s17] =	ssyncadd.s32 @p2 $0xFFFFE800;
	s7 =	sadd.s32 s7, s8  }
0x3b: {  	[tilespmem:s4], [sflag:$0x11] =	stream.linear.gather [hbm4b:s7+s4], $0x80, $0x38;
	[tilespmem:$0x13E80] =	vst v63  }
0x3c: {  	_ =	swait.ge [sflag:s17], $0x80  }
0x3d: {  	[sflag:s17] =	ssyncset.done $0x0  }
0x3e: {  	s16 =	sadd.s32 s15, s8;
	[sflag:s17] =	ssyncadd.s32 $0xFFFFFF80  }
0x3f: {  	[tilespmem:s18], [sflag:$0x11] =	stream.linear.gather [hbm4b:s16+s4], $0x80, $0x38;
	[tilespmem:$0x13E80] =	vst v63  }
0x40: {  	_ =	swait.ge [sflag:s17], $0x80  }
0x41: {  	[sflag:s17] =	ssyncset.done $0x0  }
0x42: {  	[sflag:s17] =	ssyncadd.s32 $0xFFFFFF80  }
0x43: {  	[tilespmem:s20], [sflag:$0x1] =	stream.indirect.gather [hbm4b:s1+s19], $0x30, s4, s19, $0xb8;
	[tilespmem:$0x13E80] =	vst v63  }
0x44: {  	_ =	swait.ge [sflag:s10], $0x1800  }
0x45: {  	[sflag:s10] =	ssyncset.done $0x0  }
0x46: {  	[sflag:s10] =	ssyncadd.s32 $0xFFFFE800  }
0x47: {  	[spmem:s3] =	stream.indirect.scatter.add.f32 [tilespmem:s20], [sflag:$0x11], $0x30, s18, s19, $0xb8;
	[tilespmem:$0x13E80] =	vst v63  }
0x48: {  	_ =	swait.ge [sflag:s17], $0x1800  }
0x49: {  	[sflag:s17] =	ssyncset.done $0x0  }
0x4a: {  	s16 =	rddreg [dreg:$0x1d];
	[sflag:s17] =	ssyncadd.s32 $0xFFFFE800  }
.LBB2_16:
0x4b: {  	[bflag:$0x0] =	sbarrier.arrive $0xFFFF  }
0x4c: {  	s7 =	rddreg [dreg:$0x1f]  }
0x4d: {  	[hbm:s11], [sflag:s9] =	dma.local [spmem:s7], $0xED0  }
0x4e: {  	_ =	swait.ge [sflag:s17], $0xED0  }
0x4f: {  	s6 =	sadd.s32 $0x1, s6;
	s14 =	rddreg [dreg:$0x1c]  }
0x50: {  	p2 =	sne.s32 s6, s14  }
.Ltmp1:
0x51: {  	_ = 	snop;
	(pc) =	sbr.rel @!p2 .LBB2_17-.Ltmp1, $3  }
0x52: {  	_ =	sdelay $0x1  }
0x53: {  	[sflag:s17] =	ssyncset.done $0x0  }
0x54: {  	[sflag:s17] =	ssyncadd.s32 $0xFFFFF130  }
.LBB2_1:
0x55: {  	s7 =	rddreg [dreg:$0x16]  }
0x56: {  	s14 =	rddreg [dreg:$0x15];
	s11 =	sshrl.u32 s7, $0x3  }
0x57: {  	[dreg:$0x1f] =	wrdreg s11  }
0x58: {  	[spmem:s11], [sflag:s9] =	dma.local [hbm:s14], $0xED0  }
.Ltmp2:
0x59: {  	_ =	swait.ge [sflag:s17], $0xED0;
	(pc) =	sbr.rel @p0 .LBB2_9-.Ltmp2, $3  }
0x5a: {  	[sflag:s17] =	ssyncset.done $0x0  }
0x5b: {  	[sflag:s17] =	ssyncadd.s32 $0xFFFFF130  }
0x5c: {  	[bflag:$0x0] =	sbarrier.arrive $0xFFFF;
	_ =	sdelay $0x1  }
0x5d: {  	s7 =	rddreg [dreg:$0x18]  }
0x5e: {  	p3 =	sne.s32 s7, $0x1  }
.Ltmp3:
0x5f: {  	_ = 	snop;
	(pc) =	sbr.rel @!p3 .LBB2_3-.Ltmp3, $3  }
0x60: {  	_ =	sdelay $0x1  }
0x61: {  	[dreg:$0x1e] =	wrdreg s6  }
0x62: {  	s8 =	rddreg [dreg:$0x12];
	p2 =	por $0x0, $0x0;
	s7 =	sadd.s32 $0xFFFFFFFF, s7  }
0x63: {  	s8 =	sadd.s32 s4, s8  }
0x64: {  	[tilespmem:s4], [sflag:$0x11] =	stream.linear.gather [hbm4b:s8+s4], $0x80, $0x38;
	[tilespmem:$0x13E80] =	vst v63  }
0x65: {  	_ =	swait.ge [sflag:s17], $0x80  }
0x66: {  	s11 =	rddreg [dreg:$0x13];
	[sflag:s17] =	ssyncset.done $0x0  }
0x67: {  	[sflag:s17] =	ssyncadd.s32 $0xFFFFFF80;
	s8 =	sadd.s32 s4, s11  }
0x68: {  	[tilespmem:s18], [sflag:$0x11] =	stream.linear.gather [hbm4b:s8+s4], $0x80, $0x38;
	[tilespmem:$0x13E80] =	vst v63  }
0x69: {  	_ =	swait.ge [sflag:s17], $0x80  }
0x6a: {  	[sflag:s17] =	ssyncset.done $0x0  }
0x6b: {  	s12 =	rddreg [dreg:$0x11];
	[sflag:s17] =	ssyncadd.s32 $0xFFFFFF80  }
0x6c: {  	[tilespmem:s20], [sflag:$0x1] =	stream.indirect.gather [hbm4b:s1+s19], $0x30, s4, s19, $0xb8;
	[tilespmem:$0x13E80] =	vst v63  }
0x6d: {  	s8 =	sadd.s32 s4, s12  }
0x6e: {  	[tilespmem:s19], [sflag:$0x11] =	stream.linear.gather [hbm4b:s8+s4], $0x80, $0x38;
	[tilespmem:$0x13E80] =	vst v63  }
0x6f: {  	_ =	swait.ge [sflag:s17], $0x80  }
0x70: {  	s13 =	rddreg [dreg:$0x10];
	[sflag:s17] =	ssyncset.done $0x0  }
0x71: {  	s6 =	simm.s32 $0x480;
	[sflag:s17] =	ssyncadd.s32 $0xFFFFFF80;
	s8 =	sadd.s32 s4, s13  }
0x72: {  	[tilespmem:s6], [sflag:$0x11] =	stream.linear.gather [hbm4b:s8+s4], $0x80, $0x38;
	[tilespmem:$0x13E80] =	vst v63  }
0x73: {  	_ =	swait.ge [sflag:s17], $0x80  }
0x74: {  	[sflag:s17] =	ssyncset.done $0x0  }
0x75: {  	s0 =	simm.s32 $0x2000;
	s14 =	rddreg [dreg:$0xf];
	[sflag:s17] =	ssyncadd.s32 $0xFFFFFF80  }
0x76: {  	[tilespmem:s0], [sflag:$0x2] =	stream.indirect.gather [hbm4b:s1+s19], $0x30, s19, s19, $0xb8;
	[tilespmem:$0x13E80] =	vst v63  }
0x77: {  	s2 =	simm.s32 $0x100;
	s8 =	sadd.s32 s4, s14  }
0x78: {  	[tilespmem:s2], [sflag:$0x11] =	stream.linear.gather [hbm4b:s8+s4], $0x80, $0x38;
	[tilespmem:$0x13E80] =	vst v63  }
0x79: {  	_ =	swait.ge [sflag:s17], $0x80  }
0x7a: {  	s16 =	rddreg [dreg:$0xe];
	[sflag:s17] =	ssyncset.done $0x0  }
0x7b: {  	s9 =	simm.s32 $0x500;
	[sflag:s17] =	ssyncadd.s32 $0xFFFFFF80;
	s8 =	sadd.s32 s4, s16  }
0x7c: {  	[tilespmem:s9], [sflag:$0x11] =	stream.linear.gather [hbm4b:s8+s4], $0x80, $0x38;
	[tilespmem:$0x13E80] =	vst v63  }
0x7d: {  	_ =	swait.ge [sflag:s17], $0x80  }
0x7e: {  	[sflag:s17] =	ssyncset.done $0x0  }
0x7f: {  	s11 =	simm.s32 $0x3800;
	s21 =	rddreg [dreg:$0xd];
	[sflag:s17] =	ssyncadd.s32 $0xFFFFFF80  }
0x80: {  	[tilespmem:s11], [sflag:$0x3] =	stream.indirect.gather [hbm4b:s1+s19], $0x30, s2, s19, $0xb8;
	[tilespmem:$0x13E80] =	vst v63  }
0x81: {  	s22 =	simm.s32 $0x180;
	s8 =	sadd.s32 s4, s21  }
0x82: {  	[tilespmem:s22], [sflag:$0x11] =	stream.linear.gather [hbm4b:s8+s4], $0x80, $0x38;
	[tilespmem:$0x13E80] =	vst v63  }
0x83: {  	_ =	swait.ge [sflag:s17], $0x80  }
0x84: {  	s8 =	rddreg [dreg:$0xc];
	[sflag:s17] =	ssyncset.done $0x0  }
0x85: {  	s12 =	simm.s32 $0x580;
	[sflag:s17] =	ssyncadd.s32 $0xFFFFFF80;
	s8 =	sadd.s32 s4, s8  }
0x86: {  	[tilespmem:s12], [sflag:$0x11] =	stream.linear.gather [hbm4b:s8+s4], $0x80, $0x38;
	[tilespmem:$0x13E80] =	vst v63  }
0x87: {  	_ =	swait.ge [sflag:s17], $0x80  }
0x88: {  	[sflag:s17] =	ssyncset.done $0x0  }
0x89: {  	s23 =	simm.s32 $0x5000;
	s8 =	rddreg [dreg:$0xb];
	[sflag:s17] =	ssyncadd.s32 $0xFFFFFF80  }
0x8a: {  	[tilespmem:s23], [sflag:$0x4] =	stream.indirect.gather [hbm4b:s1+s19], $0x30, s22, s19, $0xb8;
	[tilespmem:$0x13E80] =	vst v63  }
0x8b: {  	s2 =	simm.s32 $0x200;
	s8 =	sadd.s32 s4, s8  }
0x8c: {  	[tilespmem:s2], [sflag:$0x11] =	stream.linear.gather [hbm4b:s8+s4], $0x80, $0x38;
	[tilespmem:$0x13E80] =	vst v63  }
0x8d: {  	_ =	swait.ge [sflag:s17], $0x80  }
0x8e: {  	s22 =	rddreg [dreg:$0xa];
	[sflag:s17] =	ssyncset.done $0x0  }
0x8f: {  	s25 =	simm.s32 $0x600;
	[sflag:s17] =	ssyncadd.s32 $0xFFFFFF80;
	s8 =	sadd.s32 s4, s22  }
0x90: {  	[tilespmem:s25], [sflag:$0x11] =	stream.linear.gather [hbm4b:s8+s4], $0x80, $0x38;
	[tilespmem:$0x13E80] =	vst v63  }
0x91: {  	_ =	swait.ge [sflag:s17], $0x80  }
0x92: {  	[sflag:s17] =	ssyncset.done $0x0  }
0x93: {  	s5 =	simm.s32 $0x6800;
	s22 =	rddreg [dreg:$0x9];
	[sflag:s17] =	ssyncadd.s32 $0xFFFFFF80  }
0x94: {  	[tilespmem:s5], [sflag:$0x5] =	stream.indirect.gather [hbm4b:s1+s19], $0x30, s2, s19, $0xb8;
	[tilespmem:$0x13E80] =	vst v63  }
0x95: {  	s26 =	simm.s32 $0x280;
	s8 =	sadd.s32 s4, s22  }
0x96: {  	[tilespmem:s26], [sflag:$0x11] =	stream.linear.gather [hbm4b:s8+s4], $0x80, $0x38;
	[tilespmem:$0x13E80] =	vst v63  }
0x97: {  	_ =	swait.ge [sflag:s17], $0x80  }
0x98: {  	s2 =	rddreg [dreg:$0x8];
	[sflag:s17] =	ssyncset.done $0x0  }
0x99: {  	s14 =	simm.s32 $0x680;
	[sflag:s17] =	ssyncadd.s32 $0xFFFFFF80;
	s8 =	sadd.s32 s4, s2  }
0x9a: {  	[tilespmem:s14], [sflag:$0x11] =	stream.linear.gather [hbm4b:s8+s4], $0x80, $0x38;
	[tilespmem:$0x13E80] =	vst v63  }
0x9b: {  	_ =	swait.ge [sflag:s17], $0x80  }
0x9c: {  	[sflag:s17] =	ssyncset.done $0x0  }
0x9d: {  	s28 =	simm.s32 $0x8000;
	s22 =	rddreg [dreg:$0x7];
	[sflag:s17] =	ssyncadd.s32 $0xFFFFFF80  }
0x9e: {  	[tilespmem:s28], [sflag:$0x6] =	stream.indirect.gather [hbm4b:s1+s19], $0x30, s26, s19, $0xb8;
	[tilespmem:$0x13E80] =	vst v63  }
0x9f: {  	s16 =	simm.s32 $0x300;
	s8 =	sadd.s32 s4, s22  }
0xa0: {  	[tilespmem:s16], [sflag:$0x11] =	stream.linear.gather [hbm4b:s8+s4], $0x80, $0x38;
	[tilespmem:$0x13E80] =	vst v63  }
0xa1: {  	_ =	swait.ge [sflag:s17], $0x80  }
0xa2: {  	s26 =	rddreg [dreg:$0x6];
	[sflag:s17] =	ssyncset.done $0x0  }
0xa3: {  	s29 =	simm.s32 $0x700;
	[sflag:s17] =	ssyncadd.s32 $0xFFFFFF80;
	s8 =	sadd.s32 s4, s26  }
0xa4: {  	[tilespmem:s29], [sflag:$0x11] =	stream.linear.gather [hbm4b:s8+s4], $0x80, $0x38;
	[tilespmem:$0x13E80] =	vst v63  }
0xa5: {  	_ =	swait.ge [sflag:s17], $0x80  }
0xa6: {  	[sflag:s17] =	ssyncset.done $0x0  }
0xa7: {  	s13 =	simm.s32 $0x9800;
	s2 =	rddreg [dreg:$0x5];
	[sflag:s17] =	ssyncadd.s32 $0xFFFFFF80  }
0xa8: {  	[tilespmem:s13], [sflag:$0x7] =	stream.indirect.gather [hbm4b:s1+s19], $0x30, s16, s19, $0xb8;
	[tilespmem:$0x13E80] =	vst v63  }
0xa9: {  	s21 =	simm.s32 $0x380;
	s8 =	sadd.s32 s4, s2  }
0xaa: {  	[tilespmem:s21], [sflag:$0x11] =	stream.linear.gather [hbm4b:s8+s4], $0x80, $0x38;
	[tilespmem:$0x13E80] =	vst v63  }
0xab: {  	_ =	swait.ge [sflag:s17], $0x80  }
0xac: {  	s22 =	rddreg [dreg:$0x4];
	[sflag:s17] =	ssyncset.done $0x0  }
0xad: {  	s24 =	simm.s32 $0x780;
	[sflag:s17] =	ssyncadd.s32 $0xFFFFFF80;
	s8 =	sadd.s32 s4, s22  }
0xae: {  	[tilespmem:s24], [sflag:$0x11] =	stream.linear.gather [hbm4b:s8+s4], $0x80, $0x38;
	[tilespmem:$0x13E80] =	vst v63  }
0xaf: {  	_ =	swait.ge [sflag:s17], $0x80  }
0xb0: {  	[sflag:s17] =	ssyncset.done $0x0  }
0xb1: {  	s2 =	simm.s32 $0xB000;
	[sflag:s17] =	ssyncadd.s32 $0xFFFFFF80  }
0xb2: {  	[tilespmem:s2], [sflag:$0x8] =	stream.indirect.gather [hbm4b:s1+s19], $0x30, s21, s19, $0xb8;
	[tilespmem:$0x13E80] =	vst v63  }
0xb3: {  	_ =	swait.ge [sflag:s10], $0x1800  }
0xb4: {  	[sflag:s10] =	ssyncset.done $0x0  }
0xb5: {  	s26 =	simm.s32 $0x2;
	[sflag:s10] =	ssyncadd.s32 $0xFFFFE800  }
0xb6: {  	[spmem:s3] =	stream.indirect.scatter.add.f32 [tilespmem:s20], [sflag:$0x9], $0x30, s18, s19, $0xb8;
	[tilespmem:$0x13E80] =	vst v63  }
0xb7: {  	_ =	swait.ge [sflag:s26], $0x1800  }
0xb8: {  	[sflag:s26] =	ssyncset.done $0x0  }
0xb9: {  	s16 =	simm.s32 $0x3;
	[sflag:s26] =	ssyncadd.s32 $0xFFFFE800  }
0xba: {  	[spmem:s3] =	stream.indirect.scatter.add.f32 [tilespmem:s0], [sflag:$0xA], $0x30, s6, s19, $0xb8;
	[tilespmem:$0x13E80] =	vst v63  }
0xbb: {  	_ =	swait.ge [sflag:s16], $0x1800  }
0xbc: {  	[sflag:s16] =	ssyncset.done $0x0  }
0xbd: {  	s18 =	simm.s32 $0x4;
	[sflag:s16] =	ssyncadd.s32 $0xFFFFE800  }
0xbe: {  	[spmem:s3] =	stream.indirect.scatter.add.f32 [tilespmem:s11], [sflag:$0xB], $0x30, s9, s19, $0xb8;
	[tilespmem:$0x13E80] =	vst v63  }
0xbf: {  	_ =	swait.ge [sflag:s18], $0x1800  }
0xc0: {  	[sflag:s18] =	ssyncset.done $0x0  }
0xc1: {  	s20 =	simm.s32 $0x5;
	[sflag:s18] =	ssyncadd.s32 $0xFFFFE800  }
0xc2: {  	[spmem:s3] =	stream.indirect.scatter.add.f32 [tilespmem:s23], [sflag:$0xC], $0x30, s12, s19, $0xb8;
	[tilespmem:$0x13E80] =	vst v63  }
0xc3: {  	_ =	swait.ge [sflag:s20], $0x1800  }
0xc4: {  	[sflag:s20] =	ssyncset.done $0x0  }
0xc5: {  	s21 =	simm.s32 $0x6;
	[sflag:s20] =	ssyncadd.s32 $0xFFFFE800  }
0xc6: {  	[spmem:s3] =	stream.indirect.scatter.add.f32 [tilespmem:s5], [sflag:$0xD], $0x30, s25, s19, $0xb8;
	[tilespmem:$0x13E80] =	vst v63  }
0xc7: {  	_ =	swait.ge [sflag:s21], $0x1800  }
0xc8: {  	[sflag:s21] =	ssyncset.done $0x0  }
0xc9: {  	s22 =	simm.s32 $0x7;
	[sflag:s21] =	ssyncadd.s32 $0xFFFFE800  }
0xca: {  	[spmem:s3] =	stream.indirect.scatter.add.f32 [tilespmem:s28], [sflag:$0xE], $0x30, s14, s19, $0xb8;
	[tilespmem:$0x13E80] =	vst v63  }
0xcb: {  	_ =	swait.ge [sflag:s22], $0x1800  }
0xcc: {  	[sflag:s22] =	ssyncset.done $0x0  }
0xcd: {  	s23 =	simm.s32 $0x8;
	[sflag:s22] =	ssyncadd.s32 $0xFFFFE800  }
0xce: {  	[spmem:s3] =	stream.indirect.scatter.add.f32 [tilespmem:s13], [sflag:$0xF], $0x30, s29, s19, $0xb8;
	[tilespmem:$0x13E80] =	vst v63  }
0xcf: {  	_ =	swait.ge [sflag:s23], $0x1800  }
0xd0: {  	[sflag:s23] =	ssyncset.done $0x0  }
0xd1: {  	s25 =	simm.s32 $0x9;
	[sflag:s23] =	ssyncadd.s32 $0xFFFFE800  }
0xd2: {  	[spmem:s3] =	stream.indirect.scatter.add.f32 [tilespmem:s2], [sflag:$0x10], $0x30, s24, s19, $0xb8;
	[tilespmem:$0x13E80] =	vst v63  }
0xd3: {  	_ =	swait.ge [sflag:s25], $0x1800  }
0xd4: {  	[sflag:s25] =	ssyncset.done $0x0  }
0xd5: {  	s26 =	simm.s32 $0xA;
	[sflag:s25] =	ssyncadd.s32 $0xFFFFE800  }
0xd6: {  	_ =	swait.ge [sflag:s26], $0x1800  }
0xd7: {  	[sflag:s26] =	ssyncset.done $0x0  }
0xd8: {  	s28 =	simm.s32 $0xB;
	[sflag:s26] =	ssyncadd.s32 $0xFFFFE800  }
0xd9: {  	_ =	swait.ge [sflag:s28], $0x1800  }
0xda: {  	[sflag:s28] =	ssyncset.done $0x0  }
0xdb: {  	s30 =	simm.s32 $0xC;
	[sflag:s28] =	ssyncadd.s32 $0xFFFFE800  }
0xdc: {  	_ =	swait.ge [sflag:s30], $0x1800  }
0xdd: {  	[sflag:s30] =	ssyncset.done $0x0  }
0xde: {  	s29 =	simm.s32 $0xD;
	[sflag:s30] =	ssyncadd.s32 $0xFFFFE800  }
0xdf: {  	_ =	swait.ge [sflag:s29], $0x1800  }
0xe0: {  	[sflag:s29] =	ssyncset.done $0x0  }
0xe1: {  	s0 =	simm.s32 $0xE;
	[sflag:s29] =	ssyncadd.s32 $0xFFFFE800  }
0xe2: {  	_ =	swait.ge [sflag:s0], $0x1800  }
0xe3: {  	[sflag:s0] =	ssyncset.done $0x0  }
0xe4: {  	s31 =	simm.s32 $0xF;
	p3 =	sne.s32 s7, $0x1;
	[sflag:s0] =	ssyncadd.s32 $0xFFFFE800  }
.Ltmp4:
0xe5: {  	_ =	swait.ge [sflag:s31], $0x1800;
	(pc) =	sbr.rel @!p3 .LBB2_5-.Ltmp4, $4  }
0xe6: {  	[sflag:s31] =	ssyncset.done $0x0  }
0xe7: {  	s7 =	sadd.s32 $0xFFFFFFFF, s7;
	s10 =	simm.s32 $0x10;
	[sflag:s31] =	ssyncadd.s32 $0xFFFFE800  }
0xe8: {  	p2 =	por $0x1, $0x1;
	s5 =	simm.s32 $0x1;
	_ =	swait.ge [sflag:s10], $0x1800  }
0xe9: {  	s13 =	simm.s32 $0x0;
	s8 =	rddreg [dreg:$0x12];
	[sflag:s10] =	ssyncset.done $0x0  }
.LBB2_6:
0xea: {  	s24 =	simm.s32 $0x10;
	s13 =	sadd.s32 $0x80, s13  }
0xeb: {  	[sflag:s24] =	ssyncadd.s32 $0xFFFFE800;
	s8 =	sadd.s32 s13, s8  }
0xec: {  	[tilespmem:s4], [sflag:$0x11] =	stream.linear.gather [hbm4b:s8+s4], $0x80, $0x38;
	[tilespmem:$0x13E80] =	vst v63  }
0xed: {  	_ =	swait.ge [sflag:s17], $0x80  }
0xee: {  	s10 =	rddreg [dreg:$0x13];
	[sflag:s17] =	ssyncset.done $0x0  }
0xef: {  	s26 =	simm.s32 $0x400;
	[sflag:s17] =	ssyncadd.s32 $0xFFFFFF80;
	s8 =	sadd.s32 s13, s10  }
0xf0: {  	[tilespmem:s26], [sflag:$0x11] =	stream.linear.gather [hbm4b:s8+s4], $0x80, $0x38;
	[tilespmem:$0x13E80] =	vst v63  }
0xf1: {  	_ =	swait.ge [sflag:s17], $0x80  }
0xf2: {  	[sflag:s17] =	ssyncset.done $0x0  }
0xf3: {  	s28 =	simm.s32 $0x800;
	s11 =	rddreg [dreg:$0x11];
	[sflag:s17] =	ssyncadd.s32 $0xFFFFFF80  }
0xf4: {  	[tilespmem:s28], [sflag:$0x1] =	stream.indirect.gather [hbm4b:s1+s19], $0x30, s4, s19, $0xb8;
	[tilespmem:$0x13E80] =	vst v63  }
0xf5: {  	s8 =	sadd.s32 s13, s11  }
0xf6: {  	[tilespmem:s19], [sflag:$0x11] =	stream.linear.gather [hbm4b:s8+s4], $0x80, $0x38;
	[tilespmem:$0x13E80] =	vst v63  }
0xf7: {  	_ =	swait.ge [sflag:s17], $0x80  }
0xf8: {  	s12 =	rddreg [dreg:$0x10];
	[sflag:s17] =	ssyncset.done $0x0  }
0xf9: {  	s10 =	simm.s32 $0x480;
	[sflag:s17] =	ssyncadd.s32 $0xFFFFFF80;
	s8 =	sadd.s32 s13, s12  }
0xfa: {  	[tilespmem:s10], [sflag:$0x11] =	stream.linear.gather [hbm4b:s8+s4], $0x80, $0x38;
	[tilespmem:$0x13E80] =	vst v63  }
0xfb: {  	_ =	swait.ge [sflag:s17], $0x80  }
0xfc: {  	[sflag:s17] =	ssyncset.done $0x0  }
0xfd: {  	s11 =	simm.s32 $0x2000;
	s14 =	rddreg [dreg:$0xf];
	[sflag:s17] =	ssyncadd.s32 $0xFFFFFF80  }
0xfe: {  	[tilespmem:s11], [sflag:$0x2] =	stream.indirect.gather [hbm4b:s1+s19], $0x30, s19, s19, $0xb8;
	[tilespmem:$0x13E80] =	vst v63  }
0xff: {  	s9 =	simm.s32 $0x100;
	s8 =	sadd.s32 s13, s14  }
0x100: {  	[tilespmem:s9], [sflag:$0x11] =	stream.linear.gather [hbm4b:s8+s4], $0x80, $0x38;
	[tilespmem:$0x13E80] =	vst v63  }
0x101: {  	_ =	swait.ge [sflag:s17], $0x80  }
0x102: {  	s16 =	rddreg [dreg:$0xe];
	[sflag:s17] =	ssyncset.done $0x0  }
0x103: {  	s20 =	simm.s32 $0x500;
	[sflag:s17] =	ssyncadd.s32 $0xFFFFFF80;
	s8 =	sadd.s32 s13, s16  }
0x104: {  	[tilespmem:s20], [sflag:$0x11] =	stream.linear.gather [hbm4b:s8+s4], $0x80, $0x38;
	[tilespmem:$0x13E80] =	vst v63  }
0x105: {  	_ =	swait.ge [sflag:s17], $0x80  }
0x106: {  	[sflag:s17] =	ssyncset.done $0x0  }
0x107: {  	s21 =	simm.s32 $0x3800;
	s18 =	rddreg [dreg:$0xd];
	[sflag:s17] =	ssyncadd.s32 $0xFFFFFF80  }
0x108: {  	[tilespmem:s21], [sflag:$0x3] =	stream.indirect.gather [hbm4b:s1+s19], $0x30, s9, s19, $0xb8;
	[tilespmem:$0x13E80] =	vst v63  }
0x109: {  	s2 =	simm.s32 $0x180;
	s8 =	sadd.s32 s13, s18  }
0x10a: {  	[tilespmem:s2], [sflag:$0x11] =	stream.linear.gather [hbm4b:s8+s4], $0x80, $0x38;
	[tilespmem:$0x13E80] =	vst v63  }
0x10b: {  	_ =	swait.ge [sflag:s17], $0x80  }
0x10c: {  	s22 =	rddreg [dreg:$0xc];
	[sflag:s17] =	ssyncset.done $0x0  }
0x10d: {  	s16 =	simm.s32 $0x580;
	[sflag:s17] =	ssyncadd.s32 $0xFFFFFF80;
	s8 =	sadd.s32 s13, s22  }
0x10e: {  	[tilespmem:s16], [sflag:$0x11] =	stream.linear.gather [hbm4b:s8+s4], $0x80, $0x38;
	[tilespmem:$0x13E80] =	vst v63  }
0x10f: {  	_ =	swait.ge [sflag:s17], $0x80  }
0x110: {  	[sflag:s17] =	ssyncset.done $0x0  }
0x111: {  	s12 =	simm.s32 $0x5000;
	s23 =	rddreg [dreg:$0xb];
	[sflag:s17] =	ssyncadd.s32 $0xFFFFFF80  }
0x112: {  	[tilespmem:s12], [sflag:$0x4] =	stream.indirect.gather [hbm4b:s1+s19], $0x30, s2, s19, $0xb8;
	[tilespmem:$0x13E80] =	vst v63  }
0x113: {  	s25 =	simm.s32 $0x200;
	s8 =	sadd.s32 s13, s23  }
0x114: {  	[tilespmem:s25], [sflag:$0x11] =	stream.linear.gather [hbm4b:s8+s4], $0x80, $0x38;
	[tilespmem:$0x13E80] =	vst v63  }
0x115: {  	_ =	swait.ge [sflag:s17], $0x80  }
0x116: {  	s2 =	rddreg [dreg:$0xa];
	[sflag:s17] =	ssyncset.done $0x0  }
0x117: {  	s23 =	simm.s32 $0x600;
	[sflag:s17] =	ssyncadd.s32 $0xFFFFFF80;
	s8 =	sadd.s32 s13, s2  }
0x118: {  	[tilespmem:s23], [sflag:$0x11] =	stream.linear.gather [hbm4b:s8+s4], $0x80, $0x38;
	[tilespmem:$0x13E80] =	vst v63  }
0x119: {  	_ =	swait.ge [sflag:s17], $0x80  }
0x11a: {  	[sflag:s17] =	ssyncset.done $0x0  }
0x11b: {  	s14 =	simm.s32 $0x6800;
	s6 =	rddreg [dreg:$0x9];
	[sflag:s17] =	ssyncadd.s32 $0xFFFFFF80  }
0x11c: {  	[tilespmem:s14], [sflag:$0x5] =	stream.indirect.gather [hbm4b:s1+s19], $0x30, s25, s19, $0xb8;
	[tilespmem:$0x13E80] =	vst v63  }
0x11d: {  	s18 =	simm.s32 $0x280;
	s8 =	sadd.s32 s13, s6  }
0x11e: {  	[tilespmem:s18], [sflag:$0x11] =	stream.linear.gather [hbm4b:s8+s4], $0x80, $0x38;
	[tilespmem:$0x13E80] =	vst v63  }
0x11f: {  	_ =	swait.ge [sflag:s17], $0x80  }
0x120: {  	s22 =	rddreg [dreg:$0x8];
	[sflag:s17] =	ssyncset.done $0x0  }
0x121: {  	s6 =	simm.s32 $0x680;
	[sflag:s17] =	ssyncadd.s32 $0xFFFFFF80;
	s8 =	sadd.s32 s13, s22  }
0x122: {  	[tilespmem:s6], [sflag:$0x11] =	stream.linear.gather [hbm4b:s8+s4], $0x80, $0x38;
	[tilespmem:$0x13E80] =	vst v63  }
0x123: {  	_ =	swait.ge [sflag:s17], $0x80  }
0x124: {  	[sflag:s17] =	ssyncset.done $0x0  }
0x125: {  	s22 =	simm.s32 $0x8000;
	s25 =	rddreg [dreg:$0x7];
	[sflag:s17] =	ssyncadd.s32 $0xFFFFFF80  }
0x126: {  	[tilespmem:s22], [sflag:$0x6] =	stream.indirect.gather [hbm4b:s1+s19], $0x30, s18, s19, $0xb8;
	[tilespmem:$0x13E80] =	vst v63  }
0x127: {  	s2 =	simm.s32 $0x300;
	s8 =	sadd.s32 s13, s25  }
0x128: {  	[tilespmem:s2], [sflag:$0x11] =	stream.linear.gather [hbm4b:s8+s4], $0x80, $0x38;
	[tilespmem:$0x13E80] =	vst v63  }
0x129: {  	_ =	swait.ge [sflag:s17], $0x80  }
0x12a: {  	s9 =	rddreg [dreg:$0x6];
	[sflag:s17] =	ssyncset.done $0x0  }
0x12b: {  	s25 =	simm.s32 $0x700;
	[sflag:s17] =	ssyncadd.s32 $0xFFFFFF80;
	s8 =	sadd.s32 s13, s9  }
0x12c: {  	[tilespmem:s25], [sflag:$0x11] =	stream.linear.gather [hbm4b:s8+s4], $0x80, $0x38;
	[tilespmem:$0x13E80] =	vst v63  }
0x12d: {  	_ =	swait.ge [sflag:s17], $0x80  }
0x12e: {  	[sflag:s17] =	ssyncset.done $0x0  }
0x12f: {  	s9 =	simm.s32 $0x9800;
	s18 =	rddreg [dreg:$0x5];
	[sflag:s17] =	ssyncadd.s32 $0xFFFFFF80  }
0x130: {  	[tilespmem:s9], [sflag:$0x7] =	stream.indirect.gather [hbm4b:s1+s19], $0x30, s2, s19, $0xb8;
	[tilespmem:$0x13E80] =	vst v63  }
0x131: {  	s8 =	sadd.s32 s13, s18;
	s2 =	simm.s32 $0x380  }
0x132: {  	[tilespmem:s2], [sflag:$0x11] =	stream.linear.gather [hbm4b:s8+s4], $0x80, $0x38;
	[tilespmem:$0x13E80] =	vst v63  }
0x133: {  	_ =	swait.ge [sflag:s17], $0x80  }
0x134: {  	s18 =	rddreg [dreg:$0x4];
	[sflag:s17] =	ssyncset.done $0x0  }
0x135: {  	[sflag:s17] =	ssyncadd.s32 $0xFFFFFF80;
	s8 =	sadd.s32 s13, s18;
	s18 =	simm.s32 $0x780  }
0x136: {  	[tilespmem:s18], [sflag:$0x11] =	stream.linear.gather [hbm4b:s8+s4], $0x80, $0x38;
	[tilespmem:$0x13E80] =	vst v63  }
0x137: {  	_ =	swait.ge [sflag:s17], $0x80  }
0x138: {  	[sflag:s17] =	ssyncset.done $0x0  }
0x139: {  	s8 =	simm.s32 $0xB000;
	[sflag:s17] =	ssyncadd.s32 $0xFFFFFF80  }
0x13a: {  	[tilespmem:s8], [sflag:$0x8] =	stream.indirect.gather [hbm4b:s1+s19], $0x30, s2, s19, $0xb8;
	[tilespmem:$0x13E80] =	vst v63  }
0x13b: {  	_ =	swait.ge [sflag:s5], $0x1800  }
0x13c: {  	[sflag:s5] =	ssyncset.done $0x0  }
0x13d: {  	[sflag:s5] =	ssyncadd.s32 $0xFFFFE800  }
0x13e: {  	[spmem:s3] =	stream.indirect.scatter.add.f32 [tilespmem:s28], [sflag:$0x9], $0x30, s26, s19, $0xb8;
	[tilespmem:$0x13E80] =	vst v63  }
0x13f: {  	s28 =	simm.s32 $0x2  }
0x140: {  	_ =	swait.ge [sflag:s28], $0x1800  }
0x141: {  	[sflag:s28] =	ssyncset.done $0x0  }
0x142: {  	[sflag:s28] =	ssyncadd.s32 $0xFFFFE800  }
0x143: {  	[spmem:s3] =	stream.indirect.scatter.add.f32 [tilespmem:s11], [sflag:$0xA], $0x30, s10, s19, $0xb8;
	[tilespmem:$0x13E80] =	vst v63  }
0x144: {  	s10 =	simm.s32 $0x3  }
0x145: {  	_ =	swait.ge [sflag:s10], $0x1800  }
0x146: {  	[sflag:s10] =	ssyncset.done $0x0  }
0x147: {  	s11 =	simm.s32 $0x4;
	[sflag:s10] =	ssyncadd.s32 $0xFFFFE800  }
0x148: {  	[spmem:s3] =	stream.indirect.scatter.add.f32 [tilespmem:s21], [sflag:$0xB], $0x30, s20, s19, $0xb8;
	[tilespmem:$0x13E80] =	vst v63  }
0x149: {  	_ =	swait.ge [sflag:s11], $0x1800  }
0x14a: {  	[sflag:s11] =	ssyncset.done $0x0  }
0x14b: {  	s20 =	simm.s32 $0x5;
	[sflag:s11] =	ssyncadd.s32 $0xFFFFE800  }
0x14c: {  	[spmem:s3] =	stream.indirect.scatter.add.f32 [tilespmem:s12], [sflag:$0xC], $0x30, s16, s19, $0xb8;
	[tilespmem:$0x13E80] =	vst v63  }
0x14d: {  	_ =	swait.ge [sflag:s20], $0x1800  }
0x14e: {  	[sflag:s20] =	ssyncset.done $0x0  }
0x14f: {  	s21 =	simm.s32 $0x6;
	[sflag:s20] =	ssyncadd.s32 $0xFFFFE800  }
0x150: {  	[spmem:s3] =	stream.indirect.scatter.add.f32 [tilespmem:s14], [sflag:$0xD], $0x30, s23, s19, $0xb8;
	[tilespmem:$0x13E80] =	vst v63  }
0x151: {  	_ =	swait.ge [sflag:s21], $0x1800  }
0x152: {  	[sflag:s21] =	ssyncset.done $0x0  }
0x153: {  	[sflag:s21] =	ssyncadd.s32 $0xFFFFE800  }
0x154: {  	[spmem:s3] =	stream.indirect.scatter.add.f32 [tilespmem:s22], [sflag:$0xE], $0x30, s6, s19, $0xb8;
	[tilespmem:$0x13E80] =	vst v63  }
0x155: {  	s22 =	simm.s32 $0x7  }
0x156: {  	_ =	swait.ge [sflag:s22], $0x1800  }
0x157: {  	[sflag:s22] =	ssyncset.done $0x0  }
0x158: {  	s23 =	simm.s32 $0x8;
	[sflag:s22] =	ssyncadd.s32 $0xFFFFE800  }
0x159: {  	[spmem:s3] =	stream.indirect.scatter.add.f32 [tilespmem:s9], [sflag:$0xF], $0x30, s25, s19, $0xb8;
	[tilespmem:$0x13E80] =	vst v63  }
0x15a: {  	_ =	swait.ge [sflag:s23], $0x1800  }
0x15b: {  	[sflag:s23] =	ssyncset.done $0x0  }
0x15c: {  	s25 =	simm.s32 $0x9;
	[sflag:s23] =	ssyncadd.s32 $0xFFFFE800  }
0x15d: {  	[spmem:s3] =	stream.indirect.scatter.add.f32 [tilespmem:s8], [sflag:$0x10], $0x30, s18, s19, $0xb8;
	[tilespmem:$0x13E80] =	vst v63  }
0x15e: {  	_ =	swait.ge [sflag:s25], $0x1800  }
0x15f: {  	[sflag:s25] =	ssyncset.done $0x0  }
0x160: {  	s26 =	simm.s32 $0xA;
	[sflag:s25] =	ssyncadd.s32 $0xFFFFE800  }
0x161: {  	_ =	swait.ge [sflag:s26], $0x1800  }
0x162: {  	[sflag:s26] =	ssyncset.done $0x0  }
0x163: {  	s28 =	simm.s32 $0xB;
	[sflag:s26] =	ssyncadd.s32 $0xFFFFE800  }
0x164: {  	_ =	swait.ge [sflag:s28], $0x1800  }
0x165: {  	[sflag:s28] =	ssyncset.done $0x0  }
0x166: {  	[sflag:s28] =	ssyncadd.s32 $0xFFFFE800  }
0x167: {  	_ =	swait.ge [sflag:s30], $0x1800  }
0x168: {  	[sflag:s30] =	ssyncset.done $0x0  }
0x169: {  	[sflag:s30] =	ssyncadd.s32 $0xFFFFE800  }
0x16a: {  	_ =	swait.ge [sflag:s29], $0x1800  }
0x16b: {  	[sflag:s29] =	ssyncset.done $0x0  }
0x16c: {  	[sflag:s29] =	ssyncadd.s32 $0xFFFFE800  }
0x16d: {  	_ =	swait.ge [sflag:s0], $0x1800  }
0x16e: {  	[sflag:s0] =	ssyncset.done $0x0  }
0x16f: {  	p3 =	sne.s32 s7, $0x1;
	[sflag:s0] =	ssyncadd.s32 $0xFFFFE800  }
.Ltmp5:
0x170: {  	_ =	swait.ge [sflag:s31], $0x1800;
	(pc) =	sbr.rel @p3 .LBB2_6-.Ltmp5, $4  }
0x171: {  	[sflag:s31] =	ssyncset.done $0x0  }
0x172: {  	[sflag:s31] =	ssyncadd.s32 $0xFFFFE800  }
0x173: {  	_ =	swait.ge [sflag:s24], $0x1800  }
0x174: {  	s7 =	sadd.s32 $0xFFFFFFFF, s7;
	s8 =	rddreg [dreg:$0x12];
	[sflag:s24] =	ssyncset.done $0x0  }
0x175: {  	s12 =	simm.s32 $0x580;
	s21 =	simm.s32 $0x5000;
	s22 =	simm.s32 $0x200  }
0x176: {  	s23 =	simm.s32 $0x600;
	s24 =	simm.s32 $0x6800;
	s25 =	simm.s32 $0x280  }
0x177: {  	s26 =	simm.s32 $0x680;
	s28 =	simm.s32 $0x8000;
	s29 =	simm.s32 $0x300  }
0x178: {  	s30 =	simm.s32 $0x700;
	s0 =	simm.s32 $0x9800;
	s2 =	simm.s32 $0x380  }
0x179: {  	s31 =	simm.s32 $0x780;
	s18 =	simm.s32 $0x400;
	s20 =	simm.s32 $0x800  }
0x17a: {  	s5 =	simm.s32 $0x10;
	s6 =	simm.s32 $0x480;
	s10 =	simm.s32 $0x1  }
.LBB2_8:
0x17b: {  	s13 =	sadd.s32 @p2 $0x80, s13;
	s7 =	simm.s32 $0x0  }
0x17c: {  	s7 =	smov.u32 @p2 s13  }
0x17d: {  	[sflag:s5] =	ssyncadd.s32 @p2 $0xFFFFE800;
	s8 =	sadd.s32 s7, s8  }
0x17e: {  	[tilespmem:s4], [sflag:$0x11] =	stream.linear.gather [hbm4b:s8+s4], $0x80, $0x38;
	[tilespmem:$0x13E80] =	vst v63  }
0x17f: {  	_ =	swait.ge [sflag:s17], $0x80  }
0x180: {  	s13 =	rddreg [dreg:$0x13];
	[sflag:s17] =	ssyncset.done $0x0  }
0x181: {  	[sflag:s17] =	ssyncadd.s32 $0xFFFFFF80;
	s8 =	sadd.s32 s7, s13  }
0x182: {  	[tilespmem:s18], [sflag:$0x11] =	stream.linear.gather [hbm4b:s8+s4], $0x80, $0x38;
	[tilespmem:$0x13E80] =	vst v63  }
0x183: {  	_ =	swait.ge [sflag:s17], $0x80  }
0x184: {  	[sflag:s17] =	ssyncset.done $0x0  }
0x185: {  	s14 =	rddreg [dreg:$0x11];
	[sflag:s17] =	ssyncadd.s32 $0xFFFFFF80  }
0x186: {  	[tilespmem:s20], [sflag:$0x1] =	stream.indirect.gather [hbm4b:s1+s19], $0x30, s4, s19, $0xb8;
	[tilespmem:$0x13E80] =	vst v63  }
0x187: {  	s8 =	sadd.s32 s7, s14  }
0x188: {  	[tilespmem:s19], [sflag:$0x11] =	stream.linear.gather [hbm4b:s8+s4], $0x80, $0x38;
	[tilespmem:$0x13E80] =	vst v63  }
0x189: {  	_ =	swait.ge [sflag:s17], $0x80  }
0x18a: {  	s16 =	rddreg [dreg:$0x10];
	[sflag:s17] =	ssyncset.done $0x0  }
0x18b: {  	[sflag:s17] =	ssyncadd.s32 $0xFFFFFF80;
	s8 =	sadd.s32 s7, s16  }
0x18c: {  	[tilespmem:s6], [sflag:$0x11] =	stream.linear.gather [hbm4b:s8+s4], $0x80, $0x38;
	[tilespmem:$0x13E80] =	vst v63  }
0x18d: {  	_ =	swait.ge [sflag:s17], $0x80  }
0x18e: {  	[sflag:s17] =	ssyncset.done $0x0  }
0x18f: {  	s11 =	simm.s32 $0x2000;
	s5 =	rddreg [dreg:$0xf];
	[sflag:s17] =	ssyncadd.s32 $0xFFFFFF80  }
0x190: {  	[tilespmem:s11], [sflag:$0x2] =	stream.indirect.gather [hbm4b:s1+s19], $0x30, s19, s19, $0xb8;
	[tilespmem:$0x13E80] =	vst v63  }
0x191: {  	s9 =	simm.s32 $0x100;
	s8 =	sadd.s32 s7, s5  }
0x192: {  	[tilespmem:s9], [sflag:$0x11] =	stream.linear.gather [hbm4b:s8+s4], $0x80, $0x38;
	[tilespmem:$0x13E80] =	vst v63  }
0x193: {  	_ =	swait.ge [sflag:s17], $0x80  }
0x194: {  	s6 =	rddreg [dreg:$0xe];
	[sflag:s17] =	ssyncset.done $0x0  }
0x195: {  	s13 =	simm.s32 $0x500;
	[sflag:s17] =	ssyncadd.s32 $0xFFFFFF80;
	s8 =	sadd.s32 s7, s6  }
0x196: {  	[tilespmem:s13], [sflag:$0x11] =	stream.linear.gather [hbm4b:s8+s4], $0x80, $0x38;
	[tilespmem:$0x13E80] =	vst v63  }
0x197: {  	_ =	swait.ge [sflag:s17], $0x80  }
0x198: {  	[sflag:s17] =	ssyncset.done $0x0  }
0x199: {  	s6 =	simm.s32 $0x3800;
	s14 =	rddreg [dreg:$0xd];
	[sflag:s17] =	ssyncadd.s32 $0xFFFFFF80  }
0x19a: {  	[tilespmem:s6], [sflag:$0x3] =	stream.indirect.gather [hbm4b:s1+s19], $0x30, s9, s19, $0xb8;
	[tilespmem:$0x13E80] =	vst v63  }
0x19b: {  	s16 =	simm.s32 $0x180;
	s8 =	sadd.s32 s7, s14  }
0x19c: {  	[tilespmem:s16], [sflag:$0x11] =	stream.linear.gather [hbm4b:s8+s4], $0x80, $0x38;
	[tilespmem:$0x13E80] =	vst v63  }
0x19d: {  	_ =	swait.ge [sflag:s17], $0x80  }
0x19e: {  	s9 =	rddreg [dreg:$0xc];
	[sflag:s17] =	ssyncset.done $0x0  }
0x19f: {  	[sflag:s17] =	ssyncadd.s32 $0xFFFFFF80;
	s8 =	sadd.s32 s7, s9  }
0x1a0: {  	[tilespmem:s12], [sflag:$0x11] =	stream.linear.gather [hbm4b:s8+s4], $0x80, $0x38;
	[tilespmem:$0x13E80] =	vst v63  }
0x1a1: {  	_ =	swait.ge [sflag:s17], $0x80  }
0x1a2: {  	[sflag:s17] =	ssyncset.done $0x0  }
0x1a3: {  	s14 =	rddreg [dreg:$0xb];
	[sflag:s17] =	ssyncadd.s32 $0xFFFFFF80  }
0x1a4: {  	[tilespmem:s21], [sflag:$0x4] =	stream.indirect.gather [hbm4b:s1+s19], $0x30, s16, s19, $0xb8;
	[tilespmem:$0x13E80] =	vst v63  }
0x1a5: {  	s8 =	sadd.s32 s7, s14  }
0x1a6: {  	[tilespmem:s22], [sflag:$0x11] =	stream.linear.gather [hbm4b:s8+s4], $0x80, $0x38;
	[tilespmem:$0x13E80] =	vst v63  }
0x1a7: {  	_ =	swait.ge [sflag:s17], $0x80  }
0x1a8: {  	s16 =	rddreg [dreg:$0xa];
	[sflag:s17] =	ssyncset.done $0x0  }
0x1a9: {  	[sflag:s17] =	ssyncadd.s32 $0xFFFFFF80;
	s8 =	sadd.s32 s7, s16  }
0x1aa: {  	[tilespmem:s23], [sflag:$0x11] =	stream.linear.gather [hbm4b:s8+s4], $0x80, $0x38;
	[tilespmem:$0x13E80] =	vst v63  }
0x1ab: {  	_ =	swait.ge [sflag:s17], $0x80  }
0x1ac: {  	[sflag:s17] =	ssyncset.done $0x0  }
0x1ad: {  	s5 =	rddreg [dreg:$0x9];
	[sflag:s17] =	ssyncadd.s32 $0xFFFFFF80  }
0x1ae: {  	[tilespmem:s24], [sflag:$0x5] =	stream.indirect.gather [hbm4b:s1+s19], $0x30, s22, s19, $0xb8;
	[tilespmem:$0x13E80] =	vst v63  }
0x1af: {  	s8 =	sadd.s32 s7, s5  }
0x1b0: {  	[tilespmem:s25], [sflag:$0x11] =	stream.linear.gather [hbm4b:s8+s4], $0x80, $0x38;
	[tilespmem:$0x13E80] =	vst v63  }
0x1b1: {  	_ =	swait.ge [sflag:s17], $0x80  }
0x1b2: {  	s9 =	rddreg [dreg:$0x8];
	[sflag:s17] =	ssyncset.done $0x0  }
0x1b3: {  	[sflag:s17] =	ssyncadd.s32 $0xFFFFFF80;
	s8 =	sadd.s32 s7, s9  }
0x1b4: {  	[tilespmem:s26], [sflag:$0x11] =	stream.linear.gather [hbm4b:s8+s4], $0x80, $0x38;
	[tilespmem:$0x13E80] =	vst v63  }
0x1b5: {  	_ =	swait.ge [sflag:s17], $0x80  }
0x1b6: {  	[sflag:s17] =	ssyncset.done $0x0  }
0x1b7: {  	s14 =	rddreg [dreg:$0x7];
	[sflag:s17] =	ssyncadd.s32 $0xFFFFFF80  }
0x1b8: {  	[tilespmem:s28], [sflag:$0x6] =	stream.indirect.gather [hbm4b:s1+s19], $0x30, s25, s19, $0xb8;
	[tilespmem:$0x13E80] =	vst v63  }
0x1b9: {  	s8 =	sadd.s32 s7, s14  }
0x1ba: {  	[tilespmem:s29], [sflag:$0x11] =	stream.linear.gather [hbm4b:s8+s4], $0x80, $0x38;
	[tilespmem:$0x13E80] =	vst v63  }
0x1bb: {  	_ =	swait.ge [sflag:s17], $0x80  }
0x1bc: {  	s16 =	rddreg [dreg:$0x6];
	[sflag:s17] =	ssyncset.done $0x0  }
0x1bd: {  	[sflag:s17] =	ssyncadd.s32 $0xFFFFFF80;
	s8 =	sadd.s32 s7, s16  }
0x1be: {  	[tilespmem:s30], [sflag:$0x11] =	stream.linear.gather [hbm4b:s8+s4], $0x80, $0x38;
	[tilespmem:$0x13E80] =	vst v63  }
0x1bf: {  	_ =	swait.ge [sflag:s17], $0x80  }
0x1c0: {  	[sflag:s17] =	ssyncset.done $0x0  }
0x1c1: {  	s5 =	rddreg [dreg:$0x5];
	[sflag:s17] =	ssyncadd.s32 $0xFFFFFF80  }
0x1c2: {  	[tilespmem:s0], [sflag:$0x7] =	stream.indirect.gather [hbm4b:s1+s19], $0x30, s29, s19, $0xb8;
	[tilespmem:$0x13E80] =	vst v63  }
0x1c3: {  	s8 =	sadd.s32 s7, s5  }
0x1c4: {  	[tilespmem:s2], [sflag:$0x11] =	stream.linear.gather [hbm4b:s8+s4], $0x80, $0x38;
	[tilespmem:$0x13E80] =	vst v63  }
0x1c5: {  	_ =	swait.ge [sflag:s17], $0x80  }
0x1c6: {  	s9 =	rddreg [dreg:$0x4];
	[sflag:s17] =	ssyncset.done $0x0  }
0x1c7: {  	s7 =	sadd.s32 s7, s9;
	[sflag:s17] =	ssyncadd.s32 $0xFFFFFF80  }
0x1c8: {  	[tilespmem:s31], [sflag:$0x11] =	stream.linear.gather [hbm4b:s7+s4], $0x80, $0x38;
	[tilespmem:$0x13E80] =	vst v63  }
0x1c9: {  	_ =	swait.ge [sflag:s17], $0x80  }
0x1ca: {  	[sflag:s17] =	ssyncset.done $0x0  }
0x1cb: {  	s7 =	simm.s32 $0xB000;
	[sflag:s17] =	ssyncadd.s32 $0xFFFFFF80  }
0x1cc: {  	[tilespmem:s7], [sflag:$0x8] =	stream.indirect.gather [hbm4b:s1+s19], $0x30, s2, s19, $0xb8;
	[tilespmem:$0x13E80] =	vst v63  }
0x1cd: {  	_ =	swait.ge [sflag:s10], $0x1800  }
0x1ce: {  	[sflag:s10] =	ssyncset.done $0x0  }
0x1cf: {  	s14 =	simm.s32 $0x2;
	[sflag:s10] =	ssyncadd.s32 $0xFFFFE800  }
0x1d0: {  	[spmem:s3] =	stream.indirect.scatter.add.f32 [tilespmem:s20], [sflag:$0x9], $0x30, s18, s19, $0xb8;
	[tilespmem:$0x13E80] =	vst v63  }
0x1d1: {  	_ =	swait.ge [sflag:s14], $0x1800  }
0x1d2: {  	[sflag:s14] =	ssyncset.done $0x0  }
0x1d3: {  	s13 =	simm.s32 $0x480;
	s9 =	simm.s32 $0x3;
	[sflag:s14] =	ssyncadd.s32 $0xFFFFE800  }
0x1d4: {  	[spmem:s3] =	stream.indirect.scatter.add.f32 [tilespmem:s11], [sflag:$0xA], $0x30, s13, s19, $0xb8;
	[tilespmem:$0x13E80] =	vst v63  }
0x1d5: {  	_ =	swait.ge [sflag:s9], $0x1800  }
0x1d6: {  	[sflag:s9] =	ssyncset.done $0x0  }
0x1d7: {  	s16 =	simm.s32 $0x500;
	s11 =	simm.s32 $0x4;
	[sflag:s9] =	ssyncadd.s32 $0xFFFFE800  }
0x1d8: {  	[spmem:s3] =	stream.indirect.scatter.add.f32 [tilespmem:s6], [sflag:$0xB], $0x30, s16, s19, $0xb8;
	[tilespmem:$0x13E80] =	vst v63  }
0x1d9: {  	_ =	swait.ge [sflag:s11], $0x1800  }
0x1da: {  	[sflag:s11] =	ssyncset.done $0x0  }
0x1db: {  	s13 =	simm.s32 $0x5;
	[sflag:s11] =	ssyncadd.s32 $0xFFFFE800  }
0x1dc: {  	[spmem:s3] =	stream.indirect.scatter.add.f32 [tilespmem:s21], [sflag:$0xC], $0x30, s12, s19, $0xb8;
	[tilespmem:$0x13E80] =	vst v63  }
0x1dd: {  	_ =	swait.ge [sflag:s13], $0x1800  }
0x1de: {  	[sflag:s13] =	ssyncset.done $0x0  }
0x1df: {  	s14 =	simm.s32 $0x6;
	[sflag:s13] =	ssyncadd.s32 $0xFFFFE800  }
0x1e0: {  	[spmem:s3] =	stream.indirect.scatter.add.f32 [tilespmem:s24], [sflag:$0xD], $0x30, s23, s19, $0xb8;
	[tilespmem:$0x13E80] =	vst v63  }
0x1e1: {  	_ =	swait.ge [sflag:s14], $0x1800  }
0x1e2: {  	[sflag:s14] =	ssyncset.done $0x0  }
0x1e3: {  	s16 =	simm.s32 $0x7;
	[sflag:s14] =	ssyncadd.s32 $0xFFFFE800  }
0x1e4: {  	[spmem:s3] =	stream.indirect.scatter.add.f32 [tilespmem:s28], [sflag:$0xE], $0x30, s26, s19, $0xb8;
	[tilespmem:$0x13E80] =	vst v63  }
0x1e5: {  	_ =	swait.ge [sflag:s16], $0x1800  }
0x1e6: {  	[sflag:s16] =	ssyncset.done $0x0  }
0x1e7: {  	s6 =	simm.s32 $0x8;
	[sflag:s16] =	ssyncadd.s32 $0xFFFFE800  }
0x1e8: {  	[spmem:s3] =	stream.indirect.scatter.add.f32 [tilespmem:s0], [sflag:$0xF], $0x30, s30, s19, $0xb8;
	[tilespmem:$0x13E80] =	vst v63  }
0x1e9: {  	_ =	swait.ge [sflag:s6], $0x1800  }
0x1ea: {  	[sflag:s6] =	ssyncset.done $0x0  }
0x1eb: {  	[sflag:s6] =	ssyncadd.s32 $0xFFFFE800  }
0x1ec: {  	[spmem:s3] =	stream.indirect.scatter.add.f32 [tilespmem:s7], [sflag:$0x10], $0x30, s31, s19, $0xb8;
	[tilespmem:$0x13E80] =	vst v63  }
0x1ed: {  	s7 =	simm.s32 $0x9  }
0x1ee: {  	_ =	swait.ge [sflag:s7], $0x1800  }
0x1ef: {  	[sflag:s7] =	ssyncset.done $0x0  }
0x1f0: {  	s8 =	simm.s32 $0xA;
	[sflag:s7] =	ssyncadd.s32 $0xFFFFE800  }
0x1f1: {  	_ =	swait.ge [sflag:s8], $0x1800  }
0x1f2: {  	[sflag:s8] =	ssyncset.done $0x0  }
0x1f3: {  	s9 =	simm.s32 $0xB;
	[sflag:s8] =	ssyncadd.s32 $0xFFFFE800  }
0x1f4: {  	_ =	swait.ge [sflag:s9], $0x1800  }
0x1f5: {  	[sflag:s9] =	ssyncset.done $0x0  }
0x1f6: {  	s11 =	simm.s32 $0xC;
	[sflag:s9] =	ssyncadd.s32 $0xFFFFE800  }
0x1f7: {  	_ =	swait.ge [sflag:s11], $0x1800  }
0x1f8: {  	[sflag:s11] =	ssyncset.done $0x0  }
0x1f9: {  	s13 =	simm.s32 $0xD;
	[sflag:s11] =	ssyncadd.s32 $0xFFFFE800  }
0x1fa: {  	_ =	swait.ge [sflag:s13], $0x1800  }
0x1fb: {  	[sflag:s13] =	ssyncset.done $0x0  }
0x1fc: {  	s14 =	simm.s32 $0xE;
	[sflag:s13] =	ssyncadd.s32 $0xFFFFE800  }
0x1fd: {  	_ =	swait.ge [sflag:s14], $0x1800  }
0x1fe: {  	[sflag:s14] =	ssyncset.done $0x0  }
0x1ff: {  	s16 =	simm.s32 $0xF;
	[sflag:s14] =	ssyncadd.s32 $0xFFFFE800  }
0x200: {  	_ =	swait.ge [sflag:s16], $0x1800  }
0x201: {  	[sflag:s16] =	ssyncset.done $0x0  }
0x202: {  	s5 =	simm.s32 $0x10;
	[sflag:s16] =	ssyncadd.s32 $0xFFFFE800  }
0x203: {  	_ =	swait.ge [sflag:s5], $0x1800  }
0x204: {  	s13 =	rddreg [dreg:$0x19]  }
0x205: {  	s16 =	rddreg [dreg:$0x1d]  }
0x206: {  	[sflag:s5] =	ssyncset.done $0x0;
	s6 =	rddreg [dreg:$0x1e]  }
0x207: {  	s9 =	rddreg [dreg:$0x17];
	[sflag:s5] =	ssyncadd.s32 $0xFFFFE800  }
.LBB2_9:
.Ltmp6:
0x208: {  	(pc) =	sbr.rel @p1 .LBB2_16-.Ltmp6, $2  }
0x209: {  	_ =	sdelay $0x2  }
0x20a: {  	s11 =	rddreg [dreg:$0x1b]  }
0x20b: {  	s7 =	rddreg [dreg:$0x1a]  }
0x20c: {  	s7 =	sadd.s32 $0x1, s7  }
0x20d: {  	p3 =	slt.s32 s7, s13  }
.Ltmp7:
0x20e: {  	_ = 	snop;
	(pc) =	sbr.rel @!p3 .LBB2_15-.Ltmp7, $2  }
0x20f: {  	_ =	sdelay $0x2  }
0x210: {  	s8 =	sand.u32 $0x1FFFFFF0, s16;
	p2 =	por $0x0, $0x0  }
0x211: {  	s9 =	rddreg [dreg:$0x14]  }
0x212: {  	s9 =	sadd.s32 s9, s8  }
0x213: {  	[tilespmem:s4], [sflag:$0x11] =	stream.linear.gather [hbm4b:s9+s4], $0x80, $0x38;
	[tilespmem:$0x13E80] =	vst v63  }
0x214: {  	_ =	swait.ge [sflag:s17], $0x80  }
0x215: {  	[sflag:s17] =	ssyncset.done $0x0  }
0x216: {  	s14 =	sadd.s32 s15, s8;
	[sflag:s17] =	ssyncadd.s32 $0xFFFFFF80  }
0x217: {  	[tilespmem:s18], [sflag:$0x11] =	stream.linear.gather [hbm4b:s14+s4], $0x80, $0x38;
	[tilespmem:$0x13E80] =	vst v63  }
0x218: {  	_ =	swait.ge [sflag:s17], $0x80  }
0x219: {  	[sflag:s17] =	ssyncset.done $0x0  }
0x21a: {  	s11 =	smov.u32 s13;
	s7 =	sadd.s32 $0x1, s7;
	[sflag:s17] =	ssyncadd.s32 $0xFFFFFF80  }
0x21b: {  	[tilespmem:s20], [sflag:$0x1] =	stream.indirect.gather [hbm4b:s1+s19], $0x30, s4, s19, $0xb8;
	[tilespmem:$0x13E80] =	vst v63  }
0x21c: {  	p3 =	slt.s32 s7, s11;
	_ =	swait.ge [sflag:s10], $0x1800  }
.Ltmp8:
0x21d: {  	[sflag:s10] =	ssyncset.done $0x0;
	(pc) =	sbr.rel @!p3 .LBB2_12-.Ltmp8, $4  }
0x21e: {  	[sflag:s10] =	ssyncadd.s32 $0xFFFFE800  }
0x21f: {  	[spmem:s3] =	stream.indirect.scatter.add.f32 [tilespmem:s20], [sflag:$0x11], $0x30, s18, s19, $0xb8;
	[tilespmem:$0x13E80] =	vst v63  }
0x220: {  	s13 =	sadd.s32 $0x10, s16;
	_ =	swait.ge [sflag:s17], $0x1800  }
0x221: {  	p2 =	por $0x1, $0x1;
	s8 =	sand.u32 $0x1FFFFFF0, s13;
	[sflag:s17] =	ssyncset.done $0x0  }
.LBB2_13:
0x222: {  	s9 =	rddreg [dreg:$0x14]  }
0x223: {  	[sflag:s17] =	ssyncadd.s32 $0xFFFFE800;
	s14 =	sadd.s32 s9, s8  }
0x224: {  	[tilespmem:s4], [sflag:$0x11] =	stream.linear.gather [hbm4b:s14+s4], $0x80, $0x38;
	[tilespmem:$0x13E80] =	vst v63  }
0x225: {  	_ =	swait.ge [sflag:s17], $0x80  }
0x226: {  	s16 =	smov.u32 s15;
	[sflag:s17] =	ssyncset.done $0x0  }
0x227: {  	s15 =	smov.u32 s16;
	s16 =	sadd.s32 s16, s8;
	[sflag:s17] =	ssyncadd.s32 $0xFFFFFF80  }
0x228: {  	[tilespmem:s18], [sflag:$0x11] =	stream.linear.gather [hbm4b:s16+s4], $0x80, $0x38;
	[tilespmem:$0x13E80] =	vst v63  }
0x229: {  	_ =	swait.ge [sflag:s17], $0x80  }
0x22a: {  	[sflag:s17] =	ssyncset.done $0x0  }
0x22b: {  	s7 =	sadd.s32 $0x1, s7;
	[sflag:s17] =	ssyncadd.s32 $0xFFFFFF80  }
0x22c: {  	[tilespmem:s20], [sflag:$0x1] =	stream.indirect.gather [hbm4b:s1+s19], $0x30, s4, s19, $0xb8;
	[tilespmem:$0x13E80] =	vst v63  }
0x22d: {  	p3 =	slt.s32 s7, s11;
	_ =	swait.ge [sflag:s10], $0x1800  }
.Ltmp9:
0x22e: {  	[sflag:s10] =	ssyncset.done $0x0;
	(pc) =	sbr.rel @p3 .LBB2_13-.Ltmp9, $4  }
0x22f: {  	[sflag:s10] =	ssyncadd.s32 $0xFFFFE800  }
0x230: {  	[spmem:s3] =	stream.indirect.scatter.add.f32 [tilespmem:s20], [sflag:$0x11], $0x30, s18, s19, $0xb8;
	[tilespmem:$0x13E80] =	vst v63  }
0x231: {  	s13 =	sadd.s32 $0x10, s13;
	_ =	swait.ge [sflag:s17], $0x1800  }
0x232: {  	s8 =	sand.u32 $0x1FFFFFF0, s13;
	[sflag:s17] =	ssyncset.done $0x0  }
.Ltmp10:
0x233: {  	(pc) =	sbr.rel .LBB2_15-.Ltmp10, $3  }
0x234: {  	_ =	sdelay $0x1  }
0x235: {  	s9 =	rddreg [dreg:$0x17]  }
0x236: {  	s13 =	smov.u32 s11;
	s11 =	rddreg [dreg:$0x1b]  }
.LBB2_3:
.Ltmp11:
0x237: {  	(pc) =	sbr.rel .LBB2_8-.Ltmp11, $2  }
0x238: {  	_ =	sdelay $0x2  }
0x239: {  	s13 =	simm.s32 $0x0;
	s6 =	simm.s32 $0x480  }
.LBB2_5:
0x23a: {  	s13 =	simm.s32 $0x0;
	s12 =	simm.s32 $0x580  }
0x23b: {  	s21 =	simm.s32 $0x5000;
	s22 =	simm.s32 $0x200;
	s23 =	simm.s32 $0x600  }
.Ltmp12:
0x23c: {  	s24 =	simm.s32 $0x6800;
	s25 =	simm.s32 $0x280;
	(pc) =	sbr.rel .LBB2_8-.Ltmp12, $4  }
0x23d: {  	s26 =	simm.s32 $0x680;
	s28 =	simm.s32 $0x8000;
	s29 =	simm.s32 $0x300  }
0x23e: {  	s30 =	simm.s32 $0x700;
	s0 =	simm.s32 $0x9800;
	s2 =	simm.s32 $0x380  }
0x23f: {  	s31 =	simm.s32 $0x780;
	s18 =	simm.s32 $0x400;
	s20 =	simm.s32 $0x800  }
0x240: {  	s5 =	simm.s32 $0x10;
	s6 =	simm.s32 $0x480;
	s10 =	simm.s32 $0x1  }
.LBB2_17:
0x241: {  	_ =	sfence.sel $0x180000  }
0x242: {  	[bflag:$0x0] =	sbarrier.arrive $0xFFFF  }
0x243: {  	_ =	strace $0x9000004A  }
0x244: {  	s0 =	stileid.u32;
	[bflag:$0x2] =	sbarrier.arrive $0xFFFF  }
0x245: {  	p0 =	sne.s32 s0, $0x0;
	s0 =	rddreg [dreg:$0x3]  }
0x246: {  	s0 =	sadd.s32 @!p0 $0x100000, s0  }
0x247: {  	[sflag:s0] =	ssyncadd.tile.s32 @!p0 $0x1;
	_ =	shalt  }
.Lfunc_end2:
_tile_overlayer_lowered:
.L_overlay_start_2:
0x248: {  	(tag) =	ssettag $0x2  }
0x249: {  	s0 =	rddreg [dreg:$0x0];
	s2 =	stileid.u32  }
0x24a: {  	s1 =	rddreg [dreg:$0x1];
	p0 =	sne.s32 s2, $0x0  }
0x24b: {  	s3 =	rddreg [dreg:$0x2];
	[bflag:$0x3] =	sbarrier.arrive $0xFFFF;
	s2 =	simm.s32 @!p0 $0x1C11  }
0x24c: {  	[timem:s3], [sflag:s2] =	dma.local @!p0 [hbm:s0], s1  }
0x24d: {  	s0 =	simm.s32 @!p0 $0x11  }
0x24e: {  	_ =	swait.ge @!p0 [sflag:s0], s1  }
0x24f: {  	s1 =	ssub.s32 @!p0 $0x0, s1;
	[sflag:s0] =	ssyncset.done @!p0 $0x0  }
0x250: {  	[sflag:s0] =	ssyncadd.s32 @!p0 s1  }
0x251: {  	[bflag:$0x3] =	sbarrier.arrive $0xFFFF  }
0x252: {  	_ =	shalt  }

// kernel: kernel.7.cloned.1.call-start
scs
__scs_entry_jumppad:
0x0: {  	(pc) =	sbr.rel $0x88, $3  }
0x1: {  	(tag) =	ssettag $0x0;
	lr =	simm.s32 $0x1  }
0x2: {  	[smem:$0x3F99] =	sst lr;
	_ =	strace $0xD0000000  }
0x3: {  	_ = 	snop  }
0x4: {  	_ = 	snop  }
0x5: {  	_ = 	snop  }
0x6: {  	_ = 	snop  }
0x7: {  	_ = 	snop  }
__scs_overlays_trampoline_lowered:
0x8: {  	[smem:$0x3FA8] =	sst s0  }
0x9: {  	[smem:$0x3FA9] =	sst s1  }
0xa: {  	[smem:$0x3FAA] =	sst s2  }
0xb: {  	[smem:$0x3FAB] =	sst s3  }
0xc: {  	[smem:$0x3FAC] =	sst s4  }
0xd: {  	[smem:$0x3FAD] =	sst s5  }
0xe: {  	[smem:$0x3FAE] =	sst s6  }
0xf: {  	[smem:$0x3FAF] =	sst s7  }
0x10: {  	[smem:$0x3FB0] =	sst s8  }
0x11: {  	[smem:$0x3FB1] =	sst s9;
	s0 =	simm.s32 @!p0 $0x0  }
0x12: {  	s1 =	sld [smem:$0x3F97];
	s0 =	simm.s32 @p0 $0x1  }
0x13: {  	[smem:$0x3FB2] =	sst s0;
	s0 =	simm.s32 @!p1 $0x0  }
0x14: {  	s2 =	sld [smem:$0x3F96];
	s0 =	simm.s32 @p1 $0x1  }
0x15: {  	[smem:$0x3FB3] =	sst s0;
	s0 =	simm.s32 @!p2 $0x0  }
0x16: {  	s3 =	sld [smem:$0x3FDB];
	s0 =	simm.s32 @p2 $0x1  }
0x17: {  	s4 =	simm.s32 $0x1BF5;
	[smem:$0x3FB5] =	sst s0  }
0x18: {  	s0 =	sld [smem:$0x3F98];
	_ =	swait.ge [sflag:s4], $0x0  }
0x19: {  	s7 =	sld [smem:$0x3F99]  }
0x1a: {  	s8 =	sadd.s32 $0xFFFFE003, lr  }
0x1b: {  	s9 =	sadd.s32 $0xFFFFFEF7, lr;
	s5 =	simm.s32 $0xFFFFFFFF;
	p2 =	slt.u32 s8, $0xFFFFF086  }
0x1c: {  	p1 =	slt.u32 s9, $0xF7A;
	s5 =	simm.s32 @!p2 $0x0  }
0x1d: {  	s5 =	simm.s32 @p1 $0x1;
	p0 =	seq.s32 s7, s2  }
0x1e: {  	s7 =	smul.u32 @!p0 $0xF7A, s2;
	p2 =	seq.s32 @!p0 s5, $0x0  }
0x1f: {  	s9 =	smul.u32 $0xF7A, s1;
	s8 =	simm.s32 @!p0 $0x1BF5;
	p2 =	por !p2, p0  }
0x20: {  	[sflag:s8] =	ssyncset.s32 @!p0 $0xFFFFF086;
	s6 =	sadd.s32 @!p0 s3, s7;
	s7 =	simm.s32 @!p0 $0x108  }
0x21: {  	s3 =	sadd.s32 s3, s9;
	s6 =	sadd.s32 @!p0 $0x88, s6;
	s7 =	simm.s32 @p2 $0x1082  }
0x22: {  	[simem:s7], [sflag:s8] =	dma.local @!p0 [hbm:s6], $0xF7A  }
0x23: {  	s9 =	sor.u32 $0xD0000000, s2;
	s6 =	simm.s32 $0x108;
	_ =	swait.ge @!p0 [sflag:s8], $0x0  }
0x24: {  	s3 =	sadd.s32 $0x88, s3;
	s6 =	simm.s32 @!p1 $0x1082;
	[sflag:s4] =	ssyncset.s32 $0xFFFFF086  }
0x25: {  	[simem:s6], [sflag:s4] =	dma.local [hbm:s3], $0xF7A  }
0x26: {  	[smem:$0x3F99] =	sst s1;
	(tag) =	ssettag s2;
	_ =	strace s9  }
0x27: {  	s1 =	sld [smem:$0x3FA9]  }
0x28: {  	s2 =	sld [smem:$0x3FAA]  }
0x29: {  	s4 =	sld [smem:$0x3FAC]  }
0x2a: {  	p0 =	seq.s32 s5, $0x0;
	s5 =	sld [smem:$0x3FAD]  }
0x2b: {  	s6 =	sld [smem:$0x3FAE]  }
0x2c: {  	s7 =	sld [smem:$0x3FAF]  }
0x2d: {  	s3 =	simm.s32 $0x108;
	s8 =	sld [smem:$0x3FB0]  }
0x2e: {  	s3 =	simm.s32 @!p0 $0x1082;
	s9 =	sld [smem:$0x3FB1]  }
0x2f: {  	lr =	sadd.s32 s0, s3;
	s0 =	sld [smem:$0x3FA8]  }
0x30: {  	s3 =	sld [smem:$0x3FAB]  }
0x31: {  	[smem:$0x3FB4] =	sst s10  }
0x32: {  	s10 =	sld [smem:$0x3FB2];
	_ =	sdelay $0x3  }
0x33: {  	p0 =	seq.s32 s10, $0x1;
	s10 =	sld [smem:$0x3FB4];
	_ =	sdelay $0x3  }
0x34: {  	[smem:$0x3FB4] =	sst s10  }
0x35: {  	s10 =	sld [smem:$0x3FB3];
	_ =	sdelay $0x3  }
0x36: {  	p1 =	seq.s32 s10, $0x1;
	s10 =	sld [smem:$0x3FB4];
	_ =	sdelay $0x3  }
0x37: {  	[smem:$0x3FB4] =	sst s10  }
0x38: {  	s10 =	sld [smem:$0x3FB5]  }
0x39: {  	_ = 	snop;
	(pc) =	sbr.ind lr, $3  }
0x3a: {  	_ = 	snop  }
0x3b: {  	_ = 	snop  }
0x3c: {  	p2 =	seq.s32 s10, $0x1;
	s10 =	sld [smem:$0x3FB4]  }
0x3d: {  	_ =	shalt  }
0x3e: {  	_ =	shalt  }
0x3f: {  	_ =	shalt  }
0x40: {  	_ =	shalt  }
0x41: {  	_ =	shalt  }
0x42: {  	_ =	shalt  }
0x43: {  	_ =	shalt  }
0x44: {  	_ =	shalt  }
0x45: {  	_ =	shalt  }
0x46: {  	_ =	shalt  }
0x47: {  	_ =	shalt  }
0x48: {  	_ =	shalt  }
0x49: {  	_ =	shalt  }
0x4a: {  	_ =	shalt  }
0x4b: {  	_ =	shalt  }
0x4c: {  	_ =	shalt  }
0x4d: {  	_ =	shalt  }
0x4e: {  	_ =	shalt  }
0x4f: {  	_ =	shalt  }
0x50: {  	_ =	shalt  }
0x51: {  	_ =	shalt  }
0x52: {  	_ =	shalt  }
0x53: {  	_ =	shalt  }
0x54: {  	_ =	shalt  }
0x55: {  	_ =	shalt  }
0x56: {  	_ =	shalt  }
0x57: {  	_ =	shalt  }
0x58: {  	_ =	shalt  }
0x59: {  	_ =	shalt  }
0x5a: {  	_ =	shalt  }
0x5b: {  	_ =	shalt  }
0x5c: {  	_ =	shalt  }
0x5d: {  	_ =	shalt  }
0x5e: {  	_ =	shalt  }
0x5f: {  	_ =	shalt  }
0x60: {  	_ =	shalt  }
0x61: {  	_ =	shalt  }
0x62: {  	_ =	shalt  }
0x63: {  	_ =	shalt  }
0x64: {  	_ =	shalt  }
0x65: {  	_ =	shalt  }
0x66: {  	_ =	shalt  }
0x67: {  	_ =	shalt  }
0x68: {  	_ =	shalt  }
0x69: {  	_ =	shalt  }
0x6a: {  	_ =	shalt  }
0x6b: {  	_ =	shalt  }
0x6c: {  	_ =	shalt  }
0x6d: {  	_ =	shalt  }
0x6e: {  	_ =	shalt  }
0x6f: {  	_ =	shalt  }
0x70: {  	_ =	shalt  }
0x71: {  	_ =	shalt  }
0x72: {  	_ =	shalt  }
0x73: {  	_ =	shalt  }
0x74: {  	_ =	shalt  }
0x75: {  	_ =	shalt  }
0x76: {  	_ =	shalt  }
0x77: {  	_ =	shalt  }
0x78: {  	_ =	shalt  }
0x79: {  	_ =	shalt  }
0x7a: {  	_ =	shalt  }
0x7b: {  	_ =	shalt  }
0x7c: {  	_ =	shalt  }
0x7d: {  	_ =	shalt  }
0x7e: {  	_ =	shalt  }
0x7f: {  	_ =	shalt  }
0x80: {  	_ =	shalt  }
0x81: {  	_ =	shalt  }
0x82: {  	_ =	shalt  }
0x83: {  	_ =	shalt  }
0x84: {  	_ =	shalt  }
0x85: {  	_ =	shalt  }
0x86: {  	_ =	shalt  }
0x87: {  	_ =	shalt  }
.Lfunc_end0:
.L_simem_size_0:
called_computation_lowered:
.L_overlay_start_0:
0x88: {  	s2 =	sld [smem:$0x3FD9]  }
0x89: {  	s3 =	sld [smem:$0x3FFE];
	_ =	sdelay $0x1  }
0x8a: {  	s1 =	srdreg.scid  }
0x8b: {  	s0 =	sand.u32 $0x1, s1  }
0x8c: {  	s17 =	sshll.u32 s0, $0xA;
	s2 =	sadd.s32 s3, s2  }
0x8d: {  	s2 =	sadd.s32 s2, s17  }
0x8e: {  	[smem:$0x3FC0] =	sst s2  }
0x8f: {  	_ = 	snop  }
0x90: {  	s2 =	sld [smem:$0x3FD0];
	(tm) =	ssettm $0x1  }
0x91: {  	s18 =	sld [smem:$0x3FFB];
	_ =	sdelay $0x3  }
0x92: {  	_ =	strace s18  }
0x93: {  	s3 =	sld [smem:$0x3FFC];
	_ =	sdelay $0x3  }
0x94: {  	_ =	strace s3  }
0x95: {  	s3 =	sld [smem:$0x3FFD];
	_ =	sdelay $0x3  }
0x96: {  	_ =	strace s3  }
0x97: {  	_ =	strace $0x8FFFFFFF  }
0x98: {  	s19 =	sld [smem:$0x3FDB];
	_ =	sdelay $0x1  }
0x99: {  	s4 =	simm.s32 $_scs_section_size  }
0x9a: {  	s5 =	simm.s32 $_size__tile_overlayer_lowered;
	s6 =	simm.s32 $_tile_overlayer_lowered  }
0x9b: {  	s22 =	simm.s32 $0x1BFF;
	s21 =	sshll.u32 s6, $0x1;
	s3 =	sadd.s32 s4, s19  }
0x9c: {  	s7 =	simm.s32 $0x0;
	s20 =	sshll.u32 s5, $0x1;
	s5 =	sadd.s32 s21, s3  }
0x9d: {  	[timem:s7], [sflag:s22] =	dma.local [hbm:s5], s20  }
0x9e: {  	_ =	swait.ge [sflag:s22], s20  }
0x9f: {  	s4 =	ssub.s32 $0x0, s20;
	[sflag:s22] =	ssyncset.done $0x0  }
0xa0: {  	[sflag:s22] =	ssyncadd.s32 s4;
	_ =	sdelay $0x1  }
0xa1: {  	s23 =	simm.s32 $0x1B8B  }
0xa2: {  	_ =	swait.ge [sflag:s23], $0x1  }
0xa3: {  	[sflag:s23] =	ssyncset.done $0x0  }
0xa4: {  	s25 =	simm.s32 $0x1B8E;
	s24 =	sld [smem:$0x3FFE];
	[sflag:s23] =	ssyncadd.s32 $0xFFFFFFFF  }
0xa5: {  	s26 =	simm.s32 $execute0_lowered;
	[smem:$0x3FD2] =	sst s25  }
0xa6: {  	s5 =	sshll.u32 s26, $0x1;
	_ =	strace $0x80000046;
	[dreg:$0x1] =	wrdreg $0xFFFFFFFF  }
0xa7: {  	s28 =	simm.s32 $_size_execute0_lowered;
	s3 =	sadd.s32 s3, s5;
	[dreg:$0x0] =	wrdreg $0x0  }
0xa8: {  	s5 =	sshll.u32 s28, $0x1;
	[dreg:$0x2] =	wrdreg s3  }
0xa9: {  	[dreg:$0x3] =	wrdreg s5  }
0xaa: {  	[dreg:$0x4] =	wrdreg $0xC0  }
0xab: {  	_ =	task [dreg:s7], $0x5FFFF  }
0xac: {  	[dreg:$0x1] =	wrdreg $0xFFFFFFFF  }
0xad: {  	[dreg:$0x0] =	wrdreg $0x60  }
0xae: {  	[dreg:$0x2] =	wrdreg s24  }
0xaf: {  	[dreg:$0x3] =	wrdreg s2  }
0xb0: {  	[dreg:$0x4] =	wrdreg $0x92000  }
0xb1: {  	[dreg:$0x5] =	wrdreg $0x9  }
0xb2: {  	_ =	task.clear_ibuf [dreg:s7], $0x6FFFF;
	_ =	strace $0x90000046  }
0xb3: {  	s29 =	simm.s32 $0x9;
	_ =	strace $0x80000048  }
0xb4: {  	_ =	swait.ge [sflag:s29], $0x1  }
0xb5: {  	[sflag:s29] =	ssyncadd.s32 $0xFFFFFFFF  }
0xb6: {  	_ =	strace $0x90000048  }
0xb7: {  	_ =	sfence  }
0xb8: {  	s30 =	sld [smem:$0x0];
	_ =	sdelay $0x2  }
0xb9: {  	s31 =	sshll.u32 s1, $0xD;
	s1 =	sshrl.u32 s1, $0x2  }
0xba: {  	s3 =	sand.u32 $0x4000, s31;
	s1 =	sadd.s32 s1, s30  }
0xbb: {  	s0 =	sor.u32 s3, s0;
	s1 =	sshll.u32 s1, $0x11  }
0xbc: {  	s0 =	sor.u32 s1, s0  }
0xbd: {  	s0 =	sadd.s32 $0x8F2B, s0  }
0xbe: {  	[sflag:s0] =	ssyncadd.remote.s32 $0x1  }
0xbf: {  	_ =	sfence.sel $0xFFFF  }
0xc0: {  	[dreg:$0x0] =	wrdreg $0xFFFFFFFF;
	(pc) =	sbr.abs _section_cstart, $3  }
0xc1: {  	[dreg:$0x1] =	wrdreg $0xFFFFFFFF  }
0xc2: {  	_ =	task.clear_ibuf [dreg:s7], $0x2FFFF;
	_ =	strace $0x9FFFFFFF  }
0xc3: {  	(tm) =	ssettm $0x7FFFFFFF  }
tec
execute0_lowered:
.L_overlay_start_1:
0x0: {  	(tag) =	ssettag $0x1  }
0x1: {  	s6 =	rddreg [dreg:$0x0];
	s0 =	srdreg.scid  }
0x2: {  	s3 =	rddreg [dreg:$0x2];
	s1 =	stileid.u32  }
0x3: {  	s4 =	simm.s32 $0x0;
	s28 =	simm.s32 $0x4;
	s29 =	simm.s32 $0x0  }
0x4: {  	s2 =	sand.u32 $0x1, s0;
	s8 =	smul.u32 $0x16380, s1;
	s18 =	sadd.s32 $0x1, s1  }
0x5: {  	[smem:$0x7FF] =	sst s4;
	s5 =	sadd.s32 $0x14E00, s6;
	s0 =	smul.u32 $0x9C4, s2  }
0x6: {  	s24 =	sshll.u32 s1, $0x6;
	s12 =	smul.u32 $0x4E2, s2;
	s19 =	ssub.s32 $0x2, s2  }
0x7: {  	s9 =	smul.u32 $0x163800, s2;
	s20 =	sshrl.u32 s19, $0x1;
	s0 =	sshrl.u32 s0, $0x1  }
0x8: {  	s17 =	ssub.s32 s19, s20;
	s19 =	smul.u32 $0x27100, s2;
	s7 =	sadd.s32 $0x4E2, s0  }
0x9: {  	_ =	strace $0x80000047;
	s2 =	smul.u32 $0x4E20, s2;
	s10 =	ssub.s32 s7, s12  }
0xa: {  	s9 =	sadd.s32 s8, s9;
	s8 =	sadd.s32 s8, s3;
	s11 =	smul.u32 s18, s10  }
0xb: {  	s20 =	simm.s32 $0x100;
	s0 =	sadd.s32 $0xB000, s6;
	s9 =	sshrl.u32 s9, $0x3  }
0xc: {  	p0 =	seq.s32 s7, s12;
	s7 =	sadd.s32 $0x1200, s6;
	s13 =	sand.u32 $0xE, s11  }
0xd: {  	s6 =	sadd.s32 s9, s6;
	s16 =	smul.u32 s1, s10;
	p1 =	sne.s32 s13, $0x0  }
0xe: {  	s9 =	simm.s32 $0x1;
	s11 =	sshrl.u32 s11, $0x4;
	p0 =	por !p0, !p1  }
0xf: {  	s14 =	sshrl.u32 s16, $0x4;
	s31 =	sand.u32 $0xFFF0, s16;
	p0 =	por !p0, !p0  }
0x10: {  	s18 =	sadd.s32 s12, s14;
	s26 =	sshll.u32 s14, $0x7;
	s9 =	simm.s32 @!p0 $0x0  }
0x11: {  	s30 =	sadd.s32 s26, s19;
	s19 =	simm.s32 $0x5;
	s15 =	ssub.s32 s11, s9  }
0x12: {  	s26 =	simm.s32 $0x3;
	s11 =	simm.s32 $0x1;
	s9 =	ssub.s32 s15, s14  }
0x13: {  	p0 =	sne.s32 s15, s14;
	s12 =	sadd.s32 s12, s15;
	s14 =	sadd.s32 $0x40E00, s6  }
0x14: {  	s15 =	smax.u32 s17, $0x1;
	s6 =	sadd.s32 $0x80, s30;
	s17 =	sadd.s32 s31, s2  }
0x15: {  	s21 =	sshra.s32 s9, $0x1F;
	s11 =	simm.s32 @!p0 $0x0;
	s22 =	sand.u32 $0x8000, s9  }
0x16: {  	s23 =	sand.u32 $0x1, s9;
	s16 =	sshrl.u32 s6, $0x3;
	s10 =	sor.u32 s11, s21  }
0x17: {  	s13 =	sshrl.u32 s22, $0xF;
	p6 =	seq.s32 s23, $0x1;
	p5 =	sne.s32 s10, $0x1  }
0x18: {  	s11 =	simm.s32 $0x1;
	s9 =	sadd.s32 s13, s9;
	p0 =	por !p5, !p6  }
0x19: {  	s10 =	simm.s32 $0x1;
	s9 =	sshll.u32 s9, $0x10;
	p0 =	por !p0, !p0  }
.Ltmp0:
0x1a: {  	s25 =	sshra.s32 s9, $0x11;
	s10 =	simm.s32 @!p0 $0x0;
	(pc) =	sbr.rel .LBB2_1-.Ltmp0, $4  }
0x1b: {  	s21 =	simm.s32 $0x80;
	s22 =	simm.s32 $0x200;
	s10 =	ssub.s32 s25, s10  }
0x1c: {  	s23 =	simm.s32 $0x180;
	s9 =	sor.u32 $0x1C05, s24;
	s13 =	sshll.u32 s10, $0x1  }
0x1d: {  	s24 =	simm.s32 $0x4A00;
	s25 =	simm.s32 $0x2;
	s13 =	sadd.s32 s18, s13  }
0x1e: {  	p0 =	slt.s32 s10, $0x1;
	s18 =	sshll.u32 s13, $0x4;
	p1 =	sge.s32 s13, s12  }
.LBB2_10:
0x1f: {  	s1 =	sadd.s32 s0, s31;
	[sflag:s19] =	ssyncadd.s32 @p2 $0xFFFFB800  }
0x20: {  	[tilespmem:s4], [sflag:$0x5] =	stream.linear.gather [hbm4b:s1+s4], $0x80, $0x38;
	[tilespmem:$0x1F580] =	vst v63  }
0x21: {  	_ =	swait.ge [sflag:s19], $0x80  }
0x22: {  	[sflag:s19] =	ssyncset.done $0x0  }
0x23: {  	s31 =	sadd.s32 s7, s31;
	[sflag:s19] =	ssyncadd.s32 $0xFFFFFF80  }
0x24: {  	[tilespmem:s20], [sflag:$0x5] =	stream.linear.gather [hbm4b:s31+s4], $0x80, $0x38;
	[tilespmem:$0x1F580] =	vst v63  }
0x25: {  	_ =	swait.ge [sflag:s19], $0x80  }
0x26: {  	[sflag:s19] =	ssyncset.done $0x0  }
0x27: {  	[sflag:s19] =	ssyncadd.s32 $0xFFFFFF80  }
0x28: {  	[tilespmem:s22], [sflag:$0x1] =	stream.indirect.gather [hbm4b:s5+s21], $0x90, s4, s21, $0xb8;
	[tilespmem:$0x1F580] =	vst v63  }
0x29: {  	_ =	swait.ge [sflag:s11], $0x4800  }
0x2a: {  	[sflag:s11] =	ssyncset.done $0x0  }
0x2b: {  	[sflag:s11] =	ssyncadd.s32 $0xFFFFB800  }
0x2c: {  	[spmem:s3] =	stream.indirect.scatter.add.f32 [tilespmem:s22], [sflag:$0x5], $0x90, s20, s21, $0xb8;
	[tilespmem:$0x1F580] =	vst v63  }
0x2d: {  	_ =	swait.ge [sflag:s19], $0x4800  }
0x2e: {  	[sflag:s19] =	ssyncset.done $0x0  }
0x2f: {  	[sflag:s19] =	ssyncadd.s32 $0xFFFFB800  }
.LBB2_11:
0x30: {  	s29 =	sadd.s32 $0x1, s29  }
0x31: {  	p2 =	sne.s32 s29, s15  }
.Ltmp1:
0x32: {  	[bflag:$0x0] =	sbarrier.arrive $0xFFFF;
	(pc) =	sbr.rel @!p2 .LBB2_12-.Ltmp1, $4  }
0x33: {  	[hbm:s14], [sflag:s9] =	dma.local [spmem:s30], $0x2C70  }
0x34: {  	_ =	swait.ge [sflag:s19], $0x2C70  }
0x35: {  	[sflag:s19] =	ssyncset.done $0x0  }
0x36: {  	[sflag:s19] =	ssyncadd.s32 $0xFFFFD390  }
.LBB2_1:
0x37: {  	s30 =	sshrl.u32 s8, $0x3;
	s1 =	rddreg [dreg:$0x1]  }
0x38: {  	[spmem:s30], [sflag:s9] =	dma.local [hbm:s1], $0x2C70  }
.Ltmp2:
0x39: {  	_ =	swait.ge [sflag:s19], $0x2C70;
	(pc) =	sbr.rel @p0 .LBB2_6-.Ltmp2, $3  }
0x3a: {  	[sflag:s19] =	ssyncset.done $0x0  }
0x3b: {  	[sflag:s19] =	ssyncadd.s32 $0xFFFFD390  }
0x3c: {  	[bflag:$0x0] =	sbarrier.arrive $0xFFFF;
	_ =	sdelay $0x1  }
0x3d: {  	s2 =	sadd.s32 $0x1, s4  }
0x3e: {  	p3 =	slt.s32 s2, s10  }
.Ltmp3:
0x3f: {  	_ = 	snop;
	(pc) =	sbr.rel @!p3 .LBB2_5-.Ltmp3, $2  }
0x40: {  	_ =	sdelay $0x2  }
0x41: {  	p2 =	por $0x0, $0x0;
	s6 =	smov.u32 s0;
	s31 =	smov.u32 s7  }
0x42: {  	s6 =	sadd.s32 s0, s17  }
0x43: {  	[tilespmem:s4], [sflag:$0x5] =	stream.linear.gather [hbm4b:s6+s4], $0x80, $0x38;
	[tilespmem:$0x1F580] =	vst v63  }
0x44: {  	_ =	swait.ge [sflag:s19], $0x80  }
0x45: {  	[sflag:s19] =	ssyncset.done $0x0  }
0x46: {  	s1 =	sadd.s32 s7, s17;
	[sflag:s19] =	ssyncadd.s32 $0xFFFFFF80  }
0x47: {  	[tilespmem:s20], [sflag:$0x5] =	stream.linear.gather [hbm4b:s1+s4], $0x80, $0x38;
	[tilespmem:$0x1F580] =	vst v63  }
0x48: {  	_ =	swait.ge [sflag:s19], $0x80  }
0x49: {  	[sflag:s19] =	ssyncset.done $0x0  }
0x4a: {  	[sflag:s19] =	ssyncadd.s32 $0xFFFFFF80  }
0x4b: {  	[tilespmem:s22], [sflag:$0x1] =	stream.indirect.gather [hbm4b:s5+s21], $0x90, s4, s21, $0xb8;
	[tilespmem:$0x1F580] =	vst v63  }
0x4c: {  	s1 =	sadd.s32 s0, s16  }
0x4d: {  	[tilespmem:s21], [sflag:$0x5] =	stream.linear.gather [hbm4b:s1+s4], $0x80, $0x38;
	[tilespmem:$0x1F580] =	vst v63  }
0x4e: {  	_ =	swait.ge [sflag:s19], $0x80  }
0x4f: {  	[sflag:s19] =	ssyncset.done $0x0  }
0x50: {  	s1 =	sadd.s32 s7, s16;
	[sflag:s19] =	ssyncadd.s32 $0xFFFFFF80  }
0x51: {  	[tilespmem:s23], [sflag:$0x5] =	stream.linear.gather [hbm4b:s1+s4], $0x80, $0x38;
	[tilespmem:$0x1F580] =	vst v63  }
0x52: {  	_ =	swait.ge [sflag:s19], $0x80  }
0x53: {  	[sflag:s19] =	ssyncset.done $0x0  }
0x54: {  	[sflag:s19] =	ssyncadd.s32 $0xFFFFFF80  }
0x55: {  	[tilespmem:s24], [sflag:$0x2] =	stream.indirect.gather [hbm4b:s5+s21], $0x90, s21, s21, $0xb8;
	[tilespmem:$0x1F580] =	vst v63  }
0x56: {  	_ =	swait.ge [sflag:s11], $0x4800  }
0x57: {  	[sflag:s11] =	ssyncset.done $0x0  }
0x58: {  	[sflag:s11] =	ssyncadd.s32 $0xFFFFB800  }
0x59: {  	[spmem:s3] =	stream.indirect.scatter.add.f32 [tilespmem:s22], [sflag:$0x3], $0x90, s20, s21, $0xb8;
	[tilespmem:$0x1F580] =	vst v63  }
0x5a: {  	_ =	swait.ge [sflag:s25], $0x4800  }
0x5b: {  	s2 =	sadd.s32 $0x1, s2;
	[sflag:s25] =	ssyncset.done $0x0  }
0x5c: {  	p3 =	slt.s32 s2, s10;
	[sflag:s25] =	ssyncadd.s32 $0xFFFFB800  }
0x5d: {  	[spmem:s3] =	stream.indirect.scatter.add.f32 [tilespmem:s24], [sflag:$0x4], $0x90, s23, s21, $0xb8;
	[tilespmem:$0x1F580] =	vst v63  }
.Ltmp4:
0x5e: {  	_ =	swait.ge [sflag:s26], $0x4800;
	(pc) =	sbr.rel @!p3 .LBB2_5-.Ltmp4, $4  }
0x5f: {  	[sflag:s26] =	ssyncset.done $0x0  }
0x60: {  	[sflag:s26] =	ssyncadd.s32 $0xFFFFB800  }
0x61: {  	s31 =	sadd.s32 $0x20, s7;
	_ =	swait.ge [sflag:s28], $0x4800  }
0x62: {  	p2 =	por $0x1, $0x1;
	s6 =	sadd.s32 $0x20, s0;
	[sflag:s28] =	ssyncset.done $0x0  }
.LBB2_4:
0x63: {  	s2 =	sadd.s32 $0x1, s2;
	s1 =	sadd.s32 s6, s17;
	[sflag:s28] =	ssyncadd.s32 $0xFFFFB800  }
0x64: {  	[tilespmem:s4], [sflag:$0x5] =	stream.linear.gather [hbm4b:s1+s4], $0x80, $0x38;
	[tilespmem:$0x1F580] =	vst v63  }
0x65: {  	p3 =	slt.s32 s2, s10;
	_ =	swait.ge [sflag:s19], $0x80  }
0x66: {  	[sflag:s19] =	ssyncset.done $0x0  }
0x67: {  	s1 =	sadd.s32 s31, s17;
	[sflag:s19] =	ssyncadd.s32 $0xFFFFFF80  }
0x68: {  	[tilespmem:s20], [sflag:$0x5] =	stream.linear.gather [hbm4b:s1+s4], $0x80, $0x38;
	[tilespmem:$0x1F580] =	vst v63  }
0x69: {  	_ =	swait.ge [sflag:s19], $0x80  }
0x6a: {  	[sflag:s19] =	ssyncset.done $0x0  }
0x6b: {  	[sflag:s19] =	ssyncadd.s32 $0xFFFFFF80  }
0x6c: {  	[tilespmem:s22], [sflag:$0x1] =	stream.indirect.gather [hbm4b:s5+s21], $0x90, s4, s21, $0xb8;
	[tilespmem:$0x1F580] =	vst v63  }
0x6d: {  	s1 =	sadd.s32 s6, s16  }
0x6e: {  	[tilespmem:s21], [sflag:$0x5] =	stream.linear.gather [hbm4b:s1+s4], $0x80, $0x38;
	[tilespmem:$0x1F580] =	vst v63  }
0x6f: {  	_ =	swait.ge [sflag:s19], $0x80  }
0x70: {  	[sflag:s19] =	ssyncset.done $0x0  }
0x71: {  	s1 =	sadd.s32 s31, s16;
	[sflag:s19] =	ssyncadd.s32 $0xFFFFFF80  }
0x72: {  	[tilespmem:s23], [sflag:$0x5] =	stream.linear.gather [hbm4b:s1+s4], $0x80, $0x38;
	[tilespmem:$0x1F580] =	vst v63  }
0x73: {  	_ =	swait.ge [sflag:s19], $0x80  }
0x74: {  	[sflag:s19] =	ssyncset.done $0x0  }
0x75: {  	[sflag:s19] =	ssyncadd.s32 $0xFFFFFF80  }
0x76: {  	[tilespmem:s24], [sflag:$0x2] =	stream.indirect.gather [hbm4b:s5+s21], $0x90, s21, s21, $0xb8;
	[tilespmem:$0x1F580] =	vst v63  }
0x77: {  	_ =	swait.ge [sflag:s11], $0x4800  }
0x78: {  	[sflag:s11] =	ssyncset.done $0x0  }
0x79: {  	[sflag:s11] =	ssyncadd.s32 $0xFFFFB800  }
0x7a: {  	[spmem:s3] =	stream.indirect.scatter.add.f32 [tilespmem:s22], [sflag:$0x3], $0x90, s20, s21, $0xb8;
	[tilespmem:$0x1F580] =	vst v63  }
0x7b: {  	_ =	swait.ge [sflag:s25], $0x4800  }
0x7c: {  	[sflag:s25] =	ssyncset.done $0x0  }
0x7d: {  	[sflag:s25] =	ssyncadd.s32 $0xFFFFB800  }
0x7e: {  	[spmem:s3] =	stream.indirect.scatter.add.f32 [tilespmem:s24], [sflag:$0x4], $0x90, s23, s21, $0xb8;
	[tilespmem:$0x1F580] =	vst v63  }
.Ltmp5:
0x7f: {  	_ =	swait.ge [sflag:s26], $0x4800;
	(pc) =	sbr.rel @p3 .LBB2_4-.Ltmp5, $4  }
0x80: {  	[sflag:s26] =	ssyncset.done $0x0  }
0x81: {  	[sflag:s26] =	ssyncadd.s32 $0xFFFFB800  }
0x82: {  	_ =	swait.ge [sflag:s28], $0x4800  }
0x83: {  	s6 =	sadd.s32 $0x20, s6;
	s31 =	sadd.s32 $0x20, s31;
	[sflag:s28] =	ssyncset.done $0x0  }
.LBB2_5:
0x84: {  	s1 =	sadd.s32 s6, s17;
	[sflag:s28] =	ssyncadd.s32 @p2 $0xFFFFB800  }
0x85: {  	[tilespmem:s4], [sflag:$0x5] =	stream.linear.gather [hbm4b:s1+s4], $0x80, $0x38;
	[tilespmem:$0x1F580] =	vst v63  }
0x86: {  	_ =	swait.ge [sflag:s19], $0x80  }
0x87: {  	[sflag:s19] =	ssyncset.done $0x0  }
0x88: {  	s2 =	sadd.s32 s31, s17;
	[sflag:s19] =	ssyncadd.s32 $0xFFFFFF80  }
0x89: {  	[tilespmem:s20], [sflag:$0x5] =	stream.linear.gather [hbm4b:s2+s4], $0x80, $0x38;
	[tilespmem:$0x1F580] =	vst v63  }
0x8a: {  	_ =	swait.ge [sflag:s19], $0x80  }
0x8b: {  	[sflag:s19] =	ssyncset.done $0x0  }
0x8c: {  	[sflag:s19] =	ssyncadd.s32 $0xFFFFFF80  }
0x8d: {  	[tilespmem:s22], [sflag:$0x1] =	stream.indirect.gather [hbm4b:s5+s21], $0x90, s4, s21, $0xb8;
	[tilespmem:$0x1F580] =	vst v63  }
0x8e: {  	s6 =	sadd.s32 s6, s16  }
0x8f: {  	[tilespmem:s21], [sflag:$0x5] =	stream.linear.gather [hbm4b:s6+s4], $0x80, $0x38;
	[tilespmem:$0x1F580] =	vst v63  }
0x90: {  	_ =	swait.ge [sflag:s19], $0x80  }
0x91: {  	[sflag:s19] =	ssyncset.done $0x0  }
0x92: {  	s31 =	sadd.s32 s31, s16;
	[sflag:s19] =	ssyncadd.s32 $0xFFFFFF80  }
0x93: {  	[tilespmem:s23], [sflag:$0x5] =	stream.linear.gather [hbm4b:s31+s4], $0x80, $0x38;
	[tilespmem:$0x1F580] =	vst v63  }
0x94: {  	_ =	swait.ge [sflag:s19], $0x80  }
0x95: {  	[sflag:s19] =	ssyncset.done $0x0  }
0x96: {  	[sflag:s19] =	ssyncadd.s32 $0xFFFFFF80  }
0x97: {  	[tilespmem:s24], [sflag:$0x2] =	stream.indirect.gather [hbm4b:s5+s21], $0x90, s21, s21, $0xb8;
	[tilespmem:$0x1F580] =	vst v63  }
0x98: {  	_ =	swait.ge [sflag:s11], $0x4800  }
0x99: {  	[sflag:s11] =	ssyncset.done $0x0  }
0x9a: {  	[sflag:s11] =	ssyncadd.s32 $0xFFFFB800  }
0x9b: {  	[spmem:s3] =	stream.indirect.scatter.add.f32 [tilespmem:s22], [sflag:$0x3], $0x90, s20, s21, $0xb8;
	[tilespmem:$0x1F580] =	vst v63  }
0x9c: {  	_ =	swait.ge [sflag:s25], $0x4800  }
0x9d: {  	[sflag:s25] =	ssyncset.done $0x0  }
0x9e: {  	[sflag:s25] =	ssyncadd.s32 $0xFFFFB800  }
0x9f: {  	[spmem:s3] =	stream.indirect.scatter.add.f32 [tilespmem:s24], [sflag:$0x4], $0x90, s23, s21, $0xb8;
	[tilespmem:$0x1F580] =	vst v63  }
0xa0: {  	_ =	swait.ge [sflag:s26], $0x4800  }
0xa1: {  	[sflag:s26] =	ssyncset.done $0x0  }
0xa2: {  	[sflag:s26] =	ssyncadd.s32 $0xFFFFB800  }
0xa3: {  	_ =	swait.ge [sflag:s28], $0x4800  }
0xa4: {  	[sflag:s28] =	ssyncset.done $0x0  }
0xa5: {  	[sflag:s28] =	ssyncadd.s32 $0xFFFFB800  }
.LBB2_6:
.Ltmp6:
0xa6: {  	(pc) =	sbr.rel @p1 .LBB2_11-.Ltmp6, $1  }
0xa7: {  	_ =	sdelay $0x3  }
0xa8: {  	s2 =	sadd.s32 $0x1, s13  }
0xa9: {  	p3 =	slt.s32 s2, s12  }
.Ltmp7:
0xaa: {  	_ = 	snop;
	(pc) =	sbr.rel @!p3 .LBB2_10-.Ltmp7, $2  }
0xab: {  	_ =	sdelay $0x2  }
0xac: {  	s31 =	sand.u32 $0x1FFFFFF0, s18;
	p2 =	por $0x0, $0x0  }
0xad: {  	s1 =	sadd.s32 s0, s31  }
0xae: {  	[tilespmem:s4], [sflag:$0x5] =	stream.linear.gather [hbm4b:s1+s4], $0x80, $0x38;
	[tilespmem:$0x1F580] =	vst v63  }
0xaf: {  	_ =	swait.ge [sflag:s19], $0x80  }
0xb0: {  	[sflag:s19] =	ssyncset.done $0x0  }
0xb1: {  	s6 =	sadd.s32 s7, s31;
	[sflag:s19] =	ssyncadd.s32 $0xFFFFFF80  }
0xb2: {  	[tilespmem:s20], [sflag:$0x5] =	stream.linear.gather [hbm4b:s6+s4], $0x80, $0x38;
	[tilespmem:$0x1F580] =	vst v63  }
0xb3: {  	_ =	swait.ge [sflag:s19], $0x80  }
0xb4: {  	[sflag:s19] =	ssyncset.done $0x0  }
0xb5: {  	s2 =	sadd.s32 $0x1, s2;
	[sflag:s19] =	ssyncadd.s32 $0xFFFFFF80  }
0xb6: {  	[tilespmem:s22], [sflag:$0x1] =	stream.indirect.gather [hbm4b:s5+s21], $0x90, s4, s21, $0xb8;
	[tilespmem:$0x1F580] =	vst v63  }
0xb7: {  	p3 =	slt.s32 s2, s12;
	_ =	swait.ge [sflag:s11], $0x4800  }
.Ltmp8:
0xb8: {  	[sflag:s11] =	ssyncset.done $0x0;
	(pc) =	sbr.rel @!p3 .LBB2_10-.Ltmp8, $4  }
0xb9: {  	[sflag:s11] =	ssyncadd.s32 $0xFFFFB800  }
0xba: {  	[spmem:s3] =	stream.indirect.scatter.add.f32 [tilespmem:s22], [sflag:$0x5], $0x90, s20, s21, $0xb8;
	[tilespmem:$0x1F580] =	vst v63  }
0xbb: {  	s6 =	sadd.s32 $0x10, s18;
	_ =	swait.ge [sflag:s19], $0x4800  }
0xbc: {  	p2 =	por $0x1, $0x1;
	s31 =	sand.u32 $0x1FFFFFF0, s6;
	[sflag:s19] =	ssyncset.done $0x0  }
.LBB2_9:
0xbd: {  	s2 =	sadd.s32 $0x1, s2;
	s1 =	sadd.s32 s0, s31;
	[sflag:s19] =	ssyncadd.s32 $0xFFFFB800  }
0xbe: {  	[tilespmem:s4], [sflag:$0x5] =	stream.linear.gather [hbm4b:s1+s4], $0x80, $0x38;
	[tilespmem:$0x1F580] =	vst v63  }
0xbf: {  	p3 =	slt.s32 s2, s12;
	_ =	swait.ge [sflag:s19], $0x80  }
0xc0: {  	[sflag:s19] =	ssyncset.done $0x0  }
0xc1: {  	s1 =	sadd.s32 s7, s31;
	[sflag:s19] =	ssyncadd.s32 $0xFFFFFF80  }
0xc2: {  	[tilespmem:s20], [sflag:$0x5] =	stream.linear.gather [hbm4b:s1+s4], $0x80, $0x38;
	[tilespmem:$0x1F580] =	vst v63  }
0xc3: {  	_ =	swait.ge [sflag:s19], $0x80  }
0xc4: {  	[sflag:s19] =	ssyncset.done $0x0  }
0xc5: {  	[sflag:s19] =	ssyncadd.s32 $0xFFFFFF80  }
0xc6: {  	[tilespmem:s22], [sflag:$0x1] =	stream.indirect.gather [hbm4b:s5+s21], $0x90, s4, s21, $0xb8;
	[tilespmem:$0x1F580] =	vst v63  }
0xc7: {  	_ =	swait.ge [sflag:s11], $0x4800  }
.Ltmp9:
0xc8: {  	[sflag:s11] =	ssyncset.done $0x0;
	(pc) =	sbr.rel @p3 .LBB2_9-.Ltmp9, $4  }
0xc9: {  	[sflag:s11] =	ssyncadd.s32 $0xFFFFB800  }
0xca: {  	[spmem:s3] =	stream.indirect.scatter.add.f32 [tilespmem:s22], [sflag:$0x5], $0x90, s20, s21, $0xb8;
	[tilespmem:$0x1F580] =	vst v63  }
0xcb: {  	s6 =	sadd.s32 $0x10, s6;
	_ =	swait.ge [sflag:s19], $0x4800  }
0xcc: {  	s31 =	sand.u32 $0x1FFFFFF0, s6;
	[sflag:s19] =	ssyncset.done $0x0  }
.Ltmp10:
0xcd: {  	_ = 	snop;
	(pc) =	sbr.rel .LBB2_10-.Ltmp10, $1  }
0xce: {  	_ =	sdelay $0x3  }
.LBB2_12:
0xcf: {  	_ =	sfence.sel $0x180000  }
0xd0: {  	[bflag:$0x0] =	sbarrier.arrive $0xFFFF  }
0xd1: {  	_ =	strace $0x90000047  }
0xd2: {  	s0 =	stileid.u32;
	[bflag:$0x2] =	sbarrier.arrive $0xFFFF  }
0xd3: {  	p0 =	sne.s32 s0, $0x0;
	s0 =	rddreg [dreg:$0x3]  }
0xd4: {  	s0 =	sadd.s32 @!p0 $0x100000, s0  }
0xd5: {  	[sflag:s0] =	ssyncadd.tile.s32 @!p0 $0x1;
	_ =	shalt  }
.Lfunc_end2:
_tile_overlayer_lowered:
.L_overlay_start_2:
0xd6: {  	(tag) =	ssettag $0x2  }
0xd7: {  	s0 =	rddreg [dreg:$0x0];
	s2 =	stileid.u32  }
0xd8: {  	s1 =	rddreg [dreg:$0x1];
	p0 =	sne.s32 s2, $0x0  }
0xd9: {  	s3 =	rddreg [dreg:$0x2];
	[bflag:$0x3] =	sbarrier.arrive $0xFFFF;
	s2 =	simm.s32 @!p0 $0x1C05  }
0xda: {  	[timem:s3], [sflag:s2] =	dma.local @!p0 [hbm:s0], s1  }
0xdb: {  	s0 =	simm.s32 @!p0 $0x5  }
0xdc: {  	_ =	swait.ge @!p0 [sflag:s0], s1  }
0xdd: {  	s1 =	ssub.s32 @!p0 $0x0, s1;
	[sflag:s0] =	ssyncset.done @!p0 $0x0  }
0xde: {  	[sflag:s0] =	ssyncadd.s32 @!p0 s1  }
0xdf: {  	[bflag:$0x3] =	sbarrier.arrive $0xFFFF  }
0xe0: {  	_ =	shalt  }

</sc_bundles>
